<compile_context>
chip_gen: v7x
topology: tpu7x:2x2x1
jax: 0.10.2.dev20260603
libtpu: 0.0.44.dev20260713+nightly
codegen_flags: <defaults>
</compile_context>

<pallas_src>
import jax
import jax.numpy as jnp
from jax import lax
from jax.experimental import pallas as pl
from jax.experimental.pallas import tpu as pltpu
from jax.experimental.pallas import tpu_sc as plsc

def _fdot(a, b):
    return jnp.dot(a, b, preferred_element_type=jnp.float32,
                   precision=jax.lax.Precision.HIGHEST)


def _bdot(a, b):
    return jnp.dot(a.astype(jnp.bfloat16), b.astype(jnp.bfloat16),
                   preferred_element_type=jnp.float32)


N = 10000
E = 320000
HID = 128
SEG = 5000
FPAD = 32

NW = 32
EPW = E // NW
CB = 400
SG = 80
NSG = CB // SG
NCHUNK = EPW // CB

BE = 3200
NBLK = E // BE


def _node_stage(nodes_ref, attrs_ref, w1_ref, b1_ref, w2_ref, b2_ref,
                w3_ref, b3_ref, feat_ref, enc_ref, misc_ref):
    nodes = nodes_ref[...]
    attrs = attrs_ref[...]
    lane6 = lax.broadcasted_iota(jnp.int32, (N, 6), 1)
    nn = nodes * jnp.where(lane6 < 3, 1.0, 10.0)
    rowi = lax.broadcasted_iota(jnp.int32, (N, 1), 0)
    m0 = (rowi < SEG).astype(jnp.float32)
    m1 = 1.0 - m0
    mean0 = jnp.sum(nn * m0, axis=0, keepdims=True) * (1.0 / SEG)
    mean1 = jnp.sum(nn * m1, axis=0, keepdims=True) * (1.0 / SEG)
    off = nn - (m0 * mean0 + m1 * mean1)
    feat = jnp.concatenate(
        [nn, attrs, off, jnp.zeros((N, FPAD - 22), jnp.float32)], axis=1)
    feat_ref[...] = feat
    h = jnp.maximum(_fdot(feat, w1_ref[...]) + b1_ref[...], 0.0)
    h = jnp.maximum(_bdot(h, w2_ref[...]) + b2_ref[...], 0.0)
    enc_ref[...] = _bdot(h, w3_ref[...]) + b3_ref[...]
    misc = jnp.concatenate([mean0, mean1, jnp.zeros((6, 6), jnp.float32)],
                           axis=0)
    misc_ref[...] = jnp.concatenate(
        [misc, jnp.zeros((8, 2), jnp.float32)], axis=1)


NGPAIR = (NCHUNK - 1) // 2


def _sc_gather(feat_hbm, ridx_hbm, sidx_hbm, ra_hbm, x_hbm, cnt_hbm,
               idx_r_a, idx_s_a, idx_r_b, idx_s_b, rows_r_a, rows_s_a,
               rows_r_b, rows_s_b, ra_a, ra_b, cnt_v,
               isem_a, isem_b, gsem, stsem_a, stsem_b):
    c = lax.axis_index("c")
    s = lax.axis_index("s")
    wid = s * 2 + c
    base = wid * EPW

    def zero_body(i, carry):
        cnt_v[pl.ds(i * 16, 16)] = jnp.zeros((16,), jnp.float32)
        return carry
    lax.fori_loop(0, N // 16, zero_body, 0)

    ones16 = jnp.ones((16,), jnp.float32)

    def fire_idx(ci, idx_r, idx_s, isem):
        off = base + ci * CB
        pltpu.async_copy(ridx_hbm.at[pl.ds(off, CB)], idx_r, isem)
        pltpu.async_copy(sidx_hbm.at[pl.ds(off, CB)], idx_s, isem)

    def drain_idx(idx_r, idx_s, isem):
        pltpu.make_async_copy(ridx_hbm.at[pl.ds(0, CB)], idx_r, isem).wait()
        pltpu.make_async_copy(sidx_hbm.at[pl.ds(0, CB)], idx_s, isem).wait()

    def run_gathers(ci, idx_r, idx_s, rows_r, rows_s, ra_v):
        off = base + ci * CB
        cps = [pltpu.async_copy(ra_hbm.at[pl.ds(off, CB)], ra_v, gsem)]
        for j in range(NSG):
            sl = pl.ds(j * SG, SG)
            cps.append(pltpu.async_copy(
                feat_hbm.at[idx_r.at[sl]], rows_r.at[sl], gsem))
            cps.append(pltpu.async_copy(
                feat_hbm.at[idx_s.at[sl]], rows_s.at[sl], gsem))
        return cps

    def histogram(idx_r):
        for k in range(CB // 16):
            idx16 = idx_r[pl.ds(k * 16, 16)]
            plsc.addupdate_scatter(cnt_v, [idx16], ones16)

    def fire_stores(ci, rows_r, rows_s, ra_v, stsem):
        rsl = pl.ds(base + ci * CB, CB)
        pltpu.async_copy(rows_r, x_hbm.at[rsl, pl.ds(0, FPAD)], stsem)
        pltpu.async_copy(rows_s, x_hbm.at[rsl, pl.ds(FPAD, FPAD)], stsem)
        pltpu.async_copy(ra_v, x_hbm.at[rsl, pl.ds(2 * FPAD, 16)], stsem)

    def drain_stores(rows_r, rows_s, ra_v, stsem):
        z = pl.ds(0, CB)
        pltpu.make_async_copy(rows_r, x_hbm.at[z, pl.ds(0, FPAD)],
                              stsem).wait()
        pltpu.make_async_copy(rows_s, x_hbm.at[z, pl.ds(FPAD, FPAD)],
                              stsem).wait()
        pltpu.make_async_copy(ra_v, x_hbm.at[z, pl.ds(2 * FPAD, 16)],
                              stsem).wait()

    fire_idx(0, idx_r_a, idx_s_a, isem_a)

    def pair_body(p, carry):
        @pl.when(p > 0)
        def _():
            drain_stores(rows_r_a, rows_s_a, ra_a, stsem_a)
        drain_idx(idx_r_a, idx_s_a, isem_a)
        cps_a = run_gathers(2 * p, idx_r_a, idx_s_a, rows_r_a, rows_s_a, ra_a)
        fire_idx(2 * p + 1, idx_r_b, idx_s_b, isem_b)
        for cp in cps_a:
            cp.wait()
        histogram(idx_r_a)
        fire_stores(2 * p, rows_r_a, rows_s_a, ra_a, stsem_a)

        @pl.when(p > 0)
        def _():
            drain_stores(rows_r_b, rows_s_b, ra_b, stsem_b)
        drain_idx(idx_r_b, idx_s_b, isem_b)
        cps_b = run_gathers(2 * p + 1, idx_r_b, idx_s_b, rows_r_b, rows_s_b,
                            ra_b)
        fire_idx(2 * p + 2, idx_r_a, idx_s_a, isem_a)
        for cp in cps_b:
            cp.wait()
        histogram(idx_r_b)
        fire_stores(2 * p + 1, rows_r_b, rows_s_b, ra_b, stsem_b)
        return carry
    lax.fori_loop(0, NGPAIR, pair_body, 0)

    drain_stores(rows_r_a, rows_s_a, ra_a, stsem_a)
    drain_idx(idx_r_a, idx_s_a, isem_a)
    cps = run_gathers(NCHUNK - 1, idx_r_a, idx_s_a, rows_r_a, rows_s_a, ra_a)
    for cp in cps:
        cp.wait()
    histogram(idx_r_a)
    fire_stores(NCHUNK - 1, rows_r_a, rows_s_a, ra_a, stsem_a)
    drain_stores(rows_r_a, rows_s_a, ra_a, stsem_a)
    drain_stores(rows_r_b, rows_s_b, ra_b, stsem_b)
    pltpu.sync_copy(cnt_v, cnt_hbm.at[wid])


def _edge_stage(x_ref, w1_ref,
                b1_ref, w2_ref, b2_ref, w3_ref, b3_ref, wc_ref, bc_ref,
                re_ref):
    lane = lax.broadcasted_iota(jnp.int32, (BE, HID), 1)
    x = jnp.where(lane < 2 * FPAD + 16, x_ref[...], 0.0)
    h = jnp.maximum(_fdot(x, w1_ref[...]) + b1_ref[...], 0.0)
    h = jnp.maximum(_bdot(h, w2_ref[...]) + b2_ref[...], 0.0)
    relenc = _bdot(h, w3_ref[...]) + b3_ref[...]
    re_ref[...] = _bdot(relenc, wc_ref[...]) + bc_ref[...]


NPAD = 10240
RPT = NPAD // 16
CB3 = 80
NCH3 = EPW // CB3
NPAIR = (NCH3 - 1) // 2


def _sc_scatter(re_hbm, ridx_hbm, zeros_hbm, agg_hbm,
                idx2a, idx2b, bufa, bufb, acc, sema, semb):
    c = lax.axis_index("c")
    s = lax.axis_index("s")
    wid = s * 2 + c
    base = wid * EPW

    pltpu.sync_copy(zeros_hbm.at[pl.ds(s * RPT, RPT)],
                    acc.at[pl.ds(s * RPT, RPT)])
    plsc.subcore_barrier()

    def load(ci, buf, idx2, sem):
        off = base + ci * CB3
        pltpu.async_copy(re_hbm.at[pl.ds(off, CB3)], buf, sem)
        pltpu.async_copy(ridx_hbm.at[pl.ds(off, CB3)], idx2.at[0], sem)

    def drain(buf, idx2, sem):
        pltpu.make_async_copy(re_hbm.at[pl.ds(0, CB3)], buf, sem).wait()
        pltpu.make_async_copy(ridx_hbm.at[pl.ds(0, CB3)], idx2.at[0],
                              sem).wait()

    load(0, bufa, idx2a, sema)

    def pair_body(p, carry):
        drain(bufa, idx2a, sema)
        load(2 * p + 1, bufb, idx2b, semb)
        pltpu.sync_copy(bufa, acc.at[idx2a.at[0]], add=True)
        drain(bufb, idx2b, semb)
        load(2 * p + 2, bufa, idx2a, sema)
        pltpu.sync_copy(bufb, acc.at[idx2b.at[0]], add=True)
        return carry
    lax.fori_loop(0, NPAIR, pair_body, 0)
    drain(bufa, idx2a, sema)
    pltpu.sync_copy(bufa, acc.at[idx2a.at[0]], add=True)

    plsc.subcore_barrier()
    pltpu.sync_copy(acc.at[pl.ds(s * RPT, RPT)],
                    agg_hbm.at[pl.ds(c * NPAD + s * RPT, RPT)])


def _pool_stage(cnt_ref, enc_ref, agg_ref, a_ref, b_ref, bnp_ref, wo1_ref,
                bo1_ref, wo2_ref, bo2_ref, wo3_ref, bo3_ref, pred_ref):
    cnt = jnp.sum(cnt_ref[...], axis=0, keepdims=True)
    pres = jnp.where(cnt > 0.0, 1.0, 0.0)
    presb = jnp.broadcast_to(pres, (8, N))
    li = lax.broadcasted_iota(jnp.int32, (8, N), 1)
    ri = lax.broadcasted_iota(jnp.int32, (8, N), 0)
    sel = jnp.logical_or(jnp.logical_and(ri == 0, li < SEG),
                         jnp.logical_and(ri == 1, li >= SEG))
    p = jnp.where(sel, presb, 0.0)
    agg = agg_ref[0:N, :] + agg_ref[NPAD:NPAD + N, :]
    enca = _bdot(enc_ref[...], a_ref[...])
    aggb = _bdot(agg, b_ref[...])
    ei = _fdot(p, enca + aggb)
    cnts = jnp.sum(p, axis=1, keepdims=True)
    m = (ei + cnts * bnp_ref[...]) * (1.0 / SEG)
    u = jnp.maximum(_bdot(m, wo1_ref[...]) + bo1_ref[...], 0.0)
    u = jnp.maximum(_bdot(u, wo2_ref[...]) + bo2_ref[...], 0.0)
    pred_ref[...] = _bdot(u, wo3_ref[...]) + bo3_ref[...]


def _transform_stage(nodes_ref, mcat_ref, out_ref):
    nodes = nodes_ref[...]
    p0 = nodes[:, 0:3]
    rowi = lax.broadcasted_iota(jnp.int32, (N, 1), 0)
    m0 = (rowi < SEG).astype(jnp.float32)
    m1 = 1.0 - m0
    x = jnp.concatenate([p0 * m0, p0 * m1, m0, m1], axis=1)
    out_ref[...] = _fdot(x, mcat_ref[...])


def _rot6d(d6):
    a1, a2 = d6[:3], d6[3:6]
    b1 = a1 / jnp.linalg.norm(a1)
    b2 = a2 - jnp.dot(b1, a2) * b1
    b2 = b2 / jnp.linalg.norm(b2)
    b3 = jnp.cross(b1, b2)
    return jnp.stack([b1, b2, b3], axis=0)


def kernel(nodes, node_attrs, rels, rel_attrs, rel_stages, prop_steps,
           instance_idx, dt, params):
    f32 = jnp.float32

    (w1e, b1e), (w2e, b2e), (w3e, b3e) = params['node_enc']
    (w1r, b1r), (w2r, b2r), (w3r, b3r) = params['rel_enc']
    wrp, brp = params['rel_prop'][0]
    wnp, bnp = params['node_prop'][0]
    (wo1, bo1), (wo2, bo2), (wo3, bo3) = params['node_out']

    pad10 = ((0, FPAD - 22), (0, 0))
    w1e_p = jnp.pad(w1e, pad10)
    wr_p = jnp.pad(w1r[0:22], pad10)
    ws_p = jnp.pad(w1r[22:44], pad10)
    wa_p = jnp.pad(w1r[44:48], ((0, 4), (0, 0)))
    wc = wrp[256:384]
    a_m = wnp[0:128]
    b_m = wnp[128:256]
    wo3_p = jnp.pad(wo3, ((0, 0), (0, HID - 9)))
    bo3_p = jnp.pad(bo3, (0, HID - 9))[None]
    row = lambda v: v[None]

    feat, enc, misc = pl.pallas_call(
        _node_stage,
        out_shape=(jax.ShapeDtypeStruct((N, FPAD), f32),
                   jax.ShapeDtypeStruct((N, HID), f32),
                   jax.ShapeDtypeStruct((8, 8), f32)),
    )(nodes, node_attrs, w1e_p, row(b1e), w2e, row(b2e), w3e, row(b3e))

    ridx1 = rels[:, 0]
    sidx1 = rels[:, 1]
    mesh = plsc.VectorSubcoreMesh(core_axis_name="c", subcore_axis_name="s",
                                  num_cores=2, num_subcores=16)
    ra16 = jnp.pad(rel_attrs, ((0, 0), (0, 12)))
    x_packed, cntp = pl.kernel(
        _sc_gather,
        out_type=(jax.ShapeDtypeStruct((E, HID), f32),
                  jax.ShapeDtypeStruct((NW, N), f32)),
        mesh=mesh,
        compiler_params=pltpu.CompilerParams(needs_layout_passes=False,
                                             use_tc_tiling_on_sc=False),
        scratch_types=(
            pltpu.VMEM((CB,), jnp.int32),
            pltpu.VMEM((CB,), jnp.int32),
            pltpu.VMEM((CB,), jnp.int32),
            pltpu.VMEM((CB,), jnp.int32),
            pltpu.VMEM((CB, FPAD), f32),
            pltpu.VMEM((CB, FPAD), f32),
            pltpu.VMEM((CB, FPAD), f32),
            pltpu.VMEM((CB, FPAD), f32),
            pltpu.VMEM((CB, 16), f32),
            pltpu.VMEM((CB, 16), f32),
            pltpu.VMEM((N,), f32),
            pltpu.SemaphoreType.DMA,
            pltpu.SemaphoreType.DMA,
            pltpu.SemaphoreType.DMA,
            pltpu.SemaphoreType.DMA,
            pltpu.SemaphoreType.DMA,
        ),
    )(feat, ridx1, sidx1, ra16)

    full = lambda arr: pl.BlockSpec(arr.shape,
                                    lambda i, nd=arr.ndim: (0,) * nd)
    w1_cat = jnp.concatenate(
        [wr_p, ws_p, jnp.pad(w1r[44:48], ((0, 12), (0, 0))),
         jnp.zeros((HID - 2 * FPAD - 16, HID), f32)], axis=0)
    re = pl.pallas_call(
        _edge_stage,
        grid=(NBLK,),
        in_specs=[
            pl.BlockSpec((BE, HID), lambda i: (i, 0)),
            full(w1_cat), full(b1r[None]),
            full(w2r), full(b2r[None]), full(w3r), full(b3r[None]),
            full(wc), full(brp[None]),
        ],
        out_specs=pl.BlockSpec((BE, HID), lambda i: (i, 0)),
        out_shape=jax.ShapeDtypeStruct((E, HID), f32),
    )(x_packed, w1_cat, b1r[None], w2r, b2r[None],
      w3r, b3r[None], wc, brp[None])

    zeros_pad = jnp.zeros((NPAD, HID), f32)
    aggp = pl.kernel(
        _sc_scatter,
        out_type=jax.ShapeDtypeStruct((2 * NPAD, HID), f32),
        mesh=mesh,
        compiler_params=pltpu.CompilerParams(needs_layout_passes=False,
                                             use_tc_tiling_on_sc=True),
        scratch_types=(
            pltpu.VMEM((1, CB3), jnp.int32),
            pltpu.VMEM((1, CB3), jnp.int32),
            pltpu.VMEM((CB3, HID), f32),
            pltpu.VMEM((CB3, HID), f32),
            pltpu.VMEM_SHARED((NPAD, HID), f32),
            pltpu.SemaphoreType.DMA,
            pltpu.SemaphoreType.DMA,
        ),
    )(re, ridx1, zeros_pad)

    predm = pl.pallas_call(
        _pool_stage,
        out_shape=jax.ShapeDtypeStruct((8, HID), f32),
    )(cntp, enc, aggp, a_m, b_m, row(bnp), wo1, row(bo1), wo2, row(bo2),
      wo3_p, bo3_p)

    pred = predm[0:2, 0:9] * dt
    eye = jnp.eye(3, dtype=f32)
    rows = []
    trows = []
    for i in range(2):
        t = pred[i, :3]
        rm = _rot6d(pred[i, 3:9])
        mi = rm - eye
        ci = misc[i, 0:3]
        rows.append(mi / dt)
        trows.append((t - ci @ mi) / dt)
    mcat = jnp.concatenate(
        [rows[0], rows[1], trows[0][None], trows[1][None]], axis=0)
    mcat = jnp.pad(mcat, ((0, 0), (0, 5)))

    out8 = pl.pallas_call(
        _transform_stage,
        out_shape=jax.ShapeDtypeStruct((N, 8), f32),
    )(nodes, mcat)
    return out8[:, 0:3]

# --- scband reference (transcript-rebuilt; emitter-appended) ---
"""Pipeline reference for scband-dpinet-82867099009817 (READ-ONLY COPY).

The authoritative reference and input builder live on the scoring server;
editing this copy changes nothing except your own understanding.
"""

import jax, jax.numpy as jnp
import numpy as np

HID = 128

def _mlp(layers, x):
    n = len(layers)
    for i, (W, b) in enumerate(layers):
        x = x @ W + b
        if i < n - 1:
            x = jax.nn.relu(x)
    return x

def _rot6d(d6):
    a1, a2 = d6[:3], d6[3:6]
    b1 = a1 / jnp.linalg.norm(a1)
    b2 = a2 - jnp.dot(b1, a2) * b1
    b2 = b2 / jnp.linalg.norm(b2)
    b3 = jnp.cross(b1, b2)
    return jnp.stack([b1, b2, b3], axis=0)

def _lin(key, fin, fout):
    W = jax.random.normal(key, (fin, fout), dtype=jnp.float32) / np.sqrt(fin)
    b = jnp.zeros((fout,), dtype=jnp.float32)
    return (W, b)

def setup_inputs(seed: int = 0):
    key = jax.random.key(seed)
    N, E = 10000, 320000
    ks = [jax.random.fold_in(key, i) for i in range(20)]
    nodes = jax.random.normal(ks[0], (N, 6), dtype=jnp.float32)
    node_attrs = jax.random.normal(ks[1], (N, 10), dtype=jnp.float32)
    rels = jax.random.randint(ks[2], (E, 2), 0, N, dtype=jnp.int32)
    rel_attrs = jax.random.normal(ks[3], (E, 4), dtype=jnp.float32)
    rel_stages = jnp.zeros((E,), dtype=jnp.int32)
    prop_steps = jnp.ones((1,), dtype=jnp.int32)
    instance_idx = jnp.array([0, 5000, 10000], dtype=jnp.int32)
    params = {
        'node_enc': [_lin(ks[4], 22, HID), _lin(ks[5], HID, HID), _lin(ks[6], HID, HID)],
        'rel_enc': [_lin(ks[7], 48, HID), _lin(ks[8], HID, HID), _lin(ks[9], HID, HID)],
        'rel_prop': [_lin(ks[10], 3 * HID, HID)],
        'node_prop': [_lin(ks[11], 2 * HID, HID)],
        'node_out': [_lin(ks[12], HID, HID), _lin(ks[13], HID, HID), _lin(ks[14], HID, 9)],
    }
    return {'nodes': nodes, 'node_attrs': node_attrs, 'rels': rels, 'rel_attrs': rel_attrs,
            'rel_stages': rel_stages, 'prop_steps': prop_steps, 'instance_idx': instance_idx,
            'dt': 0.01, 'params': params}

def _forward(nodes, node_attrs, rel_attrs, params, rels, rel_stages, prop_steps, instance_idx, dt):
    N = nodes.shape[0]
    posvel_mean = jnp.zeros((1, 6), dtype=jnp.float32)
    posvel_std = jnp.array([[1.0, 1.0, 1.0, 0.1, 0.1, 0.1]], dtype=jnp.float32)
    node_effects = jnp.zeros((N, HID), dtype=jnp.float32)
    nodes = (nodes - posvel_mean) / posvel_std
    num_inst = instance_idx.shape[0] - 1
    seg = N // num_inst
    offsets = jnp.zeros_like(nodes)
    for i in range(num_inst):
        st = instance_idx[i]
        blk = jax.lax.dynamic_slice(nodes, (st, 0), (seg, nodes.shape[1]))
        offsets = jax.lax.dynamic_update_slice(offsets, blk - blk.mean(axis=0, keepdims=True), (st, 0))
    node_attrs = jnp.concatenate([node_attrs, offsets], axis=1)
    # invariant = False
    center = jnp.zeros_like(nodes)
    # num_stages = 1, stage 0
    mask = (rel_stages == 0).astype(rel_attrs.dtype)
    ridx = rels[:, 0]
    sidx = rels[:, 1]
    ra = rel_attrs
    node_enc_r = _mlp(params['node_enc'], jnp.concatenate([nodes[ridx] - center[ridx], node_attrs[ridx]], axis=1))
    rel_enc = _mlp(params['rel_enc'], jnp.concatenate([nodes[ridx], node_attrs[ridx], nodes[sidx], node_attrs[sidx], ra], axis=1))
    def _prop_body(_, node_effects):
        ner = node_effects[ridx]
        nes = node_effects[sidx]
        rel_effect = _mlp(params['rel_prop'], jnp.concatenate([ner, nes, rel_enc], axis=1)) * mask[:, None]
        rel_effect_agg_r = jax.ops.segment_sum(rel_effect, ridx, num_segments=N)[ridx]
        # impl_type 'propnh0_relinp2'
        return node_effects.at[ridx].set(ner + _mlp(params['node_prop'], jnp.concatenate([node_enc_r, rel_effect_agg_r], axis=1)))
    node_effects = jax.lax.fori_loop(0, prop_steps[0], _prop_body, node_effects)
    next_vel = []
    for i in range(num_inst):
        st = instance_idx[i]
        ne_blk = jax.lax.dynamic_slice(node_effects, (st, 0), (seg, HID))
        pred = _mlp(params['node_out'], ne_blk.mean(axis=0, keepdims=True))[0]
        pred = pred * dt  # out_type == 'vel'
        t = pred[:3] * posvel_std[0, :3]
        q = pred[3:]
        R = _rot6d(q)  # rot_type == '6d'
        nd_blk = jax.lax.dynamic_slice(nodes, (st, 0), (seg, nodes.shape[1]))
        p0 = nd_blk[:, :3] * posvel_std[:, :3] + posvel_mean[:, :3]
        c = p0.mean(axis=0)
        p1 = (p0 - c[None]) @ R + t[None] + c[None]
        next_vel.append((p1 - p0) / dt)
    return jnp.concatenate(next_vel, axis=0)

def reference(nodes, node_attrs, rels, rel_attrs, rel_stages, prop_steps, instance_idx, dt, params):
    return _forward(nodes, node_attrs, rel_attrs, params, rels, rel_stages, prop_steps, instance_idx, dt)

if __name__ == "__main__":
    import jax
    _d = setup_inputs()
    print(jax.jit(kernel)(*tuple(_d.values())))

</pallas_src>

<mosaic_0001>
#map = affine_map<(d0, d1) -> (0, 0)>
#map1 = affine_map<(d0, d1) -> (0)>
module attributes {stable_mosaic.version = 14 : i64} {
  func.func @_sc_scatter(%arg0: i32, %arg1: i32, %arg2: memref<320000x128xf32, #tpu.memory_space<hbm>>, %arg3: memref<320000xi32, #tpu.memory_space<hbm>>, %arg4: memref<10240x128xf32, #tpu.memory_space<hbm>>, %arg5: memref<20480x128xf32, #tpu.memory_space<hbm>>, %arg6: memref<1x80xi32, #tpu.memory_space<vmem>>, %arg7: memref<1x80xi32, #tpu.memory_space<vmem>>, %arg8: memref<80x128xf32, #tpu.memory_space<vmem>>, %arg9: memref<80x128xf32, #tpu.memory_space<vmem>>, %arg10: memref<10240x128xf32, #tpu.memory_space<vmem_shared>>, %arg11: memref<!tpu.dma_semaphore, #tpu.memory_space<semaphore_mem>>, %arg12: memref<!tpu.dma_semaphore, #tpu.memory_space<semaphore_mem>>) attributes {dimension_semantics = [#tpu.dimension_semantics<core_parallel>, #tpu.dimension_semantics<subcore_parallel>], iteration_bounds = array<i64: 2, 16>, scalar_prefetch = 0 : i64, scratch_operands = 7 : i64, tpu.core_type = #tpu.core_type<sc_vector_subcore>, window_params = [{transform_indices = #map}, {transform_indices = #map1}, {transform_indices = #map}, {transform_indices = #map}]} {
    %mul3A = arith.constant 2 : i32
    %mul3A_0 = arith.muli %arg1, %mul3A : i32
    %add3A = arith.addi %mul3A_0, %arg0 : i32
    %mul3A_1 = arith.constant 10000 : i32
    %mul3A_2 = arith.muli %add3A, %mul3A_1 : i32
    %mul3A_3 = arith.constant 640 : i32
    %mul3A_4 = arith.muli %arg1, %mul3A_3 : i32
    %mul3A_5 = arith.constant 640 : i32
    %mul3A_6 = arith.muli %arg1, %mul3A_5 : i32
    "tpu.region"() ({
      %run_scoped3A_50 = tpu.sem_alloc : memref<!tpu.dma_semaphore, #tpu.memory_space<semaphore_mem>>
      %dma_start3A_51 = arith.constant 0 : i32
      %dma_start3A_52 = tpu.memref_slice %arg10[%mul3A_6, %dma_start3A_51] : memref<10240x128xf32, #tpu.memory_space<vmem_shared>> -> memref<640x128xf32, #tpu.memory_space<vmem_shared>>
      %dma_start3A_53 = arith.constant 0 : i32
      %dma_start3A_54 = tpu.memref_slice %arg4[%mul3A_4, %dma_start3A_53] : memref<10240x128xf32, #tpu.memory_space<hbm>> -> memref<640x128xf32, #tpu.memory_space<hbm>>
      tpu.enqueue_dma source(%dma_start3A_54 : memref<640x128xf32, #tpu.memory_space<hbm>>) target(%dma_start3A_52 : memref<640x128xf32, #tpu.memory_space<vmem_shared>>) target_semaphore(%run_scoped3A_50 : memref<!tpu.dma_semaphore, #tpu.memory_space<semaphore_mem>>)
      %dma_wait3A_55 = arith.constant 0 : i32
      %dma_wait3A_56 = tpu.memref_slice %arg10[%mul3A_6, %dma_wait3A_55] : memref<10240x128xf32, #tpu.memory_space<vmem_shared>> -> memref<640x128xf32, #tpu.memory_space<vmem_shared>>
      %dma_wait3A_57 = arith.constant 0 : i32
      %dma_wait3A_58 = tpu.memref_slice %arg4[%mul3A_4, %dma_wait3A_57] : memref<10240x128xf32, #tpu.memory_space<hbm>> -> memref<640x128xf32, #tpu.memory_space<hbm>>
      tpu.wait_dma2 semaphore(%run_scoped3A_50 : memref<!tpu.dma_semaphore, #tpu.memory_space<semaphore_mem>>) src(%dma_wait3A_58 : memref<640x128xf32, #tpu.memory_space<hbm>>) dst(%dma_wait3A_56 : memref<640x128xf32, #tpu.memory_space<vmem_shared>>)
      tpu.yield
    }) : () -> ()
    %barrier3A = arith.constant 0 : index
    tpu.barrier barrier_id(%barrier3A)
    %add3A_7 = arith.constant 0 : i32
    %add3A_8 = arith.addi %mul3A_2, %add3A_7 : i32
    %dma_start3A = arith.constant 0 : i32
    %dma_start3A_9 = tpu.memref_slice %arg2[%add3A_8, %dma_start3A] : memref<320000x128xf32, #tpu.memory_space<hbm>> -> memref<80x128xf32, #tpu.memory_space<hbm>>
    %dma_start3A_10 = arith.constant 0 : i32
    %dma_start3A_11 = tpu.memref_slice %arg2[%add3A_8, %dma_start3A_10] : memref<320000x128xf32, #tpu.memory_space<hbm>> -> memref<80x128xf32, #tpu.memory_space<hbm>>
    tpu.enqueue_dma source(%dma_start3A_11 : memref<80x128xf32, #tpu.memory_space<hbm>>) target(%arg8 : memref<80x128xf32, #tpu.memory_space<vmem>>) target_semaphore(%arg11 : memref<!tpu.dma_semaphore, #tpu.memory_space<semaphore_mem>>)
    %dma_start3A_12 = arith.constant 0 : i32
    %dma_start3A_13 = arith.constant 0 : i32
    %dma_start3A_14 = tpu.memref_slice %arg6[%dma_start3A_12, %dma_start3A_13] : memref<1x80xi32, #tpu.memory_space<vmem>> -> memref<1x80xi32, #tpu.memory_space<vmem>>
    %dma_start3A_15 = tpu.memref_squeeze %dma_start3A_14 : memref<1x80xi32, #tpu.memory_space<vmem>> -> memref<80xi32, #tpu.memory_space<vmem>>
    %dma_start3A_16 = tpu.memref_slice %arg3[%add3A_8] : memref<320000xi32, #tpu.memory_space<hbm>> -> memref<80xi32, #tpu.memory_space<hbm>>
    %dma_start3A_17 = arith.constant 0 : i32
    %dma_start3A_18 = tpu.memref_slice %arg6[%dma_start3A_12, %dma_start3A_17] : memref<1x80xi32, #tpu.memory_space<vmem>> -> memref<1x80xi32, #tpu.memory_space<vmem>>
    %dma_start3A_19 = tpu.memref_squeeze %dma_start3A_18 : memref<1x80xi32, #tpu.memory_space<vmem>> -> memref<80xi32, #tpu.memory_space<vmem>>
    %dma_start3A_20 = tpu.memref_slice %arg3[%add3A_8] : memref<320000xi32, #tpu.memory_space<hbm>> -> memref<80xi32, #tpu.memory_space<hbm>>
    tpu.enqueue_dma source(%dma_start3A_20 : memref<80xi32, #tpu.memory_space<hbm>>) target(%dma_start3A_19 : memref<80xi32, #tpu.memory_space<vmem>>) target_semaphore(%arg11 : memref<!tpu.dma_semaphore, #tpu.memory_space<semaphore_mem>>)
    %scan3A = arith.constant 0 : i32
    %scan3A_21 = arith.constant 0 : i32
    %scan3A_22 = arith.constant 62 : i32
    %scan3A_23 = arith.addi %scan3A_21, %scan3A_22 : i32
    %scan3A_24 = arith.constant 1 : i32
    scf.for %scan3A_50 = %scan3A_21 to %scan3A_23 step %scan3A_24  : i32 {
      %dma_wait3A_51 = arith.constant 0 : i32
      %dma_wait3A_52 = arith.constant 0 : i32
      %dma_wait3A_53 = tpu.memref_slice %arg2[%dma_wait3A_51, %dma_wait3A_52] : memref<320000x128xf32, #tpu.memory_space<hbm>> -> memref<80x128xf32, #tpu.memory_space<hbm>>
      %dma_wait3A_54 = arith.constant 0 : i32
      %dma_wait3A_55 = arith.constant 0 : i32
      %dma_wait3A_56 = tpu.memref_slice %arg2[%dma_wait3A_54, %dma_wait3A_55] : memref<320000x128xf32, #tpu.memory_space<hbm>> -> memref<80x128xf32, #tpu.memory_space<hbm>>
      tpu.wait_dma2 semaphore(%arg11 : memref<!tpu.dma_semaphore, #tpu.memory_space<semaphore_mem>>) src(%dma_wait3A_56 : memref<80x128xf32, #tpu.memory_space<hbm>>) dst(%arg8 : memref<80x128xf32, #tpu.memory_space<vmem>>)
      %dma_wait3A_57 = arith.constant 0 : i32
      %dma_wait3A_58 = arith.constant 0 : i32
      %dma_wait3A_59 = tpu.memref_slice %arg6[%dma_wait3A_57, %dma_wait3A_58] : memref<1x80xi32, #tpu.memory_space<vmem>> -> memref<1x80xi32, #tpu.memory_space<vmem>>
      %dma_wait3A_60 = tpu.memref_squeeze %dma_wait3A_59 : memref<1x80xi32, #tpu.memory_space<vmem>> -> memref<80xi32, #tpu.memory_space<vmem>>
      %dma_wait3A_61 = arith.constant 0 : i32
      %dma_wait3A_62 = tpu.memref_slice %arg3[%dma_wait3A_61] : memref<320000xi32, #tpu.memory_space<hbm>> -> memref<80xi32, #tpu.memory_space<hbm>>
      %dma_wait3A_63 = arith.constant 0 : i32
      %dma_wait3A_64 = tpu.memref_slice %arg6[%dma_wait3A_57, %dma_wait3A_63] : memref<1x80xi32, #tpu.memory_space<vmem>> -> memref<1x80xi32, #tpu.memory_space<vmem>>
      %dma_wait3A_65 = tpu.memref_squeeze %dma_wait3A_64 : memref<1x80xi32, #tpu.memory_space<vmem>> -> memref<80xi32, #tpu.memory_space<vmem>>
      %dma_wait3A_66 = arith.constant 0 : i32
      %dma_wait3A_67 = tpu.memref_slice %arg3[%dma_wait3A_66] : memref<320000xi32, #tpu.memory_space<hbm>> -> memref<80xi32, #tpu.memory_space<hbm>>
      tpu.wait_dma2 semaphore(%arg11 : memref<!tpu.dma_semaphore, #tpu.memory_space<semaphore_mem>>) src(%dma_wait3A_67 : memref<80xi32, #tpu.memory_space<hbm>>) dst(%dma_wait3A_65 : memref<80xi32, #tpu.memory_space<vmem>>)
      %mul3A_68 = arith.constant 2 : i32
      %mul3A_69 = arith.muli %mul3A_68, %scan3A_50 : i32
      %add3A_70 = arith.constant 1 : i32
      %add3A_71 = arith.addi %mul3A_69, %add3A_70 : i32
      %mul3A_72 = arith.constant 80 : i32
      %mul3A_73 = arith.muli %add3A_71, %mul3A_72 : i32
      %add3A_74 = arith.addi %mul3A_2, %mul3A_73 : i32
      %dma_start3A_75 = arith.constant 0 : i32
      %dma_start3A_76 = tpu.memref_slice %arg2[%add3A_74, %dma_start3A_75] : memref<320000x128xf32, #tpu.memory_space<hbm>> -> memref<80x128xf32, #tpu.memory_space<hbm>>
      %dma_start3A_77 = arith.constant 0 : i32
      %dma_start3A_78 = tpu.memref_slice %arg2[%add3A_74, %dma_start3A_77] : memref<320000x128xf32, #tpu.memory_space<hbm>> -> memref<80x128xf32, #tpu.memory_space<hbm>>
      tpu.enqueue_dma source(%dma_start3A_78 : memref<80x128xf32, #tpu.memory_space<hbm>>) target(%arg9 : memref<80x128xf32, #tpu.memory_space<vmem>>) target_semaphore(%arg12 : memref<!tpu.dma_semaphore, #tpu.memory_space<semaphore_mem>>)
      %dma_start3A_79 = arith.constant 0 : i32
      %dma_start3A_80 = arith.constant 0 : i32
      %dma_start3A_81 = tpu.memref_slice %arg7[%dma_start3A_79, %dma_start3A_80] : memref<1x80xi32, #tpu.memory_space<vmem>> -> memref<1x80xi32, #tpu.memory_space<vmem>>
      %dma_start3A_82 = tpu.memref_squeeze %dma_start3A_81 : memref<1x80xi32, #tpu.memory_space<vmem>> -> memref<80xi32, #tpu.memory_space<vmem>>
      %dma_start3A_83 = tpu.memref_slice %arg3[%add3A_74] : memref<320000xi32, #tpu.memory_space<hbm>> -> memref<80xi32, #tpu.memory_space<hbm>>
      %dma_start3A_84 = arith.constant 0 : i32
      %dma_start3A_85 = tpu.memref_slice %arg7[%dma_start3A_79, %dma_start3A_84] : memref<1x80xi32, #tpu.memory_space<vmem>> -> memref<1x80xi32, #tpu.memory_space<vmem>>
      %dma_start3A_86 = tpu.memref_squeeze %dma_start3A_85 : memref<1x80xi32, #tpu.memory_space<vmem>> -> memref<80xi32, #tpu.memory_space<vmem>>
      %dma_start3A_87 = tpu.memref_slice %arg3[%add3A_74] : memref<320000xi32, #tpu.memory_space<hbm>> -> memref<80xi32, #tpu.memory_space<hbm>>
      tpu.enqueue_dma source(%dma_start3A_87 : memref<80xi32, #tpu.memory_space<hbm>>) target(%dma_start3A_86 : memref<80xi32, #tpu.memory_space<vmem>>) target_semaphore(%arg12 : memref<!tpu.dma_semaphore, #tpu.memory_space<semaphore_mem>>)
      %run_scoped3A_88 = arith.constant 0 : i32
      "tpu.region"() ({
        %run_scoped3A_127 = tpu.sem_alloc : memref<!tpu.dma_semaphore, #tpu.memory_space<semaphore_mem>>
        %dma_start3A_128 = arith.constant 0 : i32
        %dma_start3A_129 = tpu.memref_slice %arg6[%run_scoped3A_88, %dma_start3A_128] : memref<1x80xi32, #tpu.memory_space<vmem>> -> memref<1x80xi32, #tpu.memory_space<vmem>>
        %dma_start3A_130 = tpu.memref_squeeze %dma_start3A_129 : memref<1x80xi32, #tpu.memory_space<vmem>> -> memref<80xi32, #tpu.memory_space<vmem>>
        %dma_start3A_131 = arith.constant 0 : i32
        %dma_start3A_132 = arith.constant 0 : i32
        %dma_start3A_133 = tpu.memref_slice %arg10[%dma_start3A_131, %dma_start3A_132] : memref<10240x128xf32, #tpu.memory_space<vmem_shared>> -> memref<10240x128xf32, #tpu.memory_space<vmem_shared>>
        tpu.enqueue_indirect_dma source(%arg8 : memref<80x128xf32, #tpu.memory_space<vmem>>) target(%dma_start3A_133 : memref<10240x128xf32, #tpu.memory_space<vmem_shared>>) offsets(%dma_start3A_130 : memref<80xi32, #tpu.memory_space<vmem>>) semaphore(%run_scoped3A_127 : memref<!tpu.dma_semaphore, #tpu.memory_space<semaphore_mem>>) {add = true}
        %dma_wait3A_134 = arith.constant 0 : i32
        %dma_wait3A_135 = tpu.memref_slice %arg6[%run_scoped3A_88, %dma_wait3A_134] : memref<1x80xi32, #tpu.memory_space<vmem>> -> memref<1x80xi32, #tpu.memory_space<vmem>>
        %dma_wait3A_136 = tpu.memref_squeeze %dma_wait3A_135 : memref<1x80xi32, #tpu.memory_space<vmem>> -> memref<80xi32, #tpu.memory_space<vmem>>
        %dma_wait3A_137 = arith.constant 0 : i32
        %dma_wait3A_138 = arith.constant 0 : i32
        %dma_wait3A_139 = tpu.memref_slice %arg10[%dma_wait3A_137, %dma_wait3A_138] : memref<10240x128xf32, #tpu.memory_space<vmem_shared>> -> memref<10240x128xf32, #tpu.memory_space<vmem_shared>>
        tpu.wait_indirect_dma semaphore(%run_scoped3A_127 : memref<!tpu.dma_semaphore, #tpu.memory_space<semaphore_mem>>) src(%arg8 : memref<80x128xf32, #tpu.memory_space<vmem>>) dst(%dma_wait3A_139 : memref<10240x128xf32, #tpu.memory_space<vmem_shared>>)
        tpu.yield
      }) : () -> ()
      %dma_wait3A_89 = arith.constant 0 : i32
      %dma_wait3A_90 = arith.constant 0 : i32
      %dma_wait3A_91 = tpu.memref_slice %arg2[%dma_wait3A_89, %dma_wait3A_90] : memref<320000x128xf32, #tpu.memory_space<hbm>> -> memref<80x128xf32, #tpu.memory_space<hbm>>
      %dma_wait3A_92 = arith.constant 0 : i32
      %dma_wait3A_93 = arith.constant 0 : i32
      %dma_wait3A_94 = tpu.memref_slice %arg2[%dma_wait3A_92, %dma_wait3A_93] : memref<320000x128xf32, #tpu.memory_space<hbm>> -> memref<80x128xf32, #tpu.memory_space<hbm>>
      tpu.wait_dma2 semaphore(%arg12 : memref<!tpu.dma_semaphore, #tpu.memory_space<semaphore_mem>>) src(%dma_wait3A_94 : memref<80x128xf32, #tpu.memory_space<hbm>>) dst(%arg9 : memref<80x128xf32, #tpu.memory_space<vmem>>)
      %dma_wait3A_95 = arith.constant 0 : i32
      %dma_wait3A_96 = arith.constant 0 : i32
      %dma_wait3A_97 = tpu.memref_slice %arg7[%dma_wait3A_95, %dma_wait3A_96] : memref<1x80xi32, #tpu.memory_space<vmem>> -> memref<1x80xi32, #tpu.memory_space<vmem>>
      %dma_wait3A_98 = tpu.memref_squeeze %dma_wait3A_97 : memref<1x80xi32, #tpu.memory_space<vmem>> -> memref<80xi32, #tpu.memory_space<vmem>>
      %dma_wait3A_99 = arith.constant 0 : i32
      %dma_wait3A_100 = tpu.memref_slice %arg3[%dma_wait3A_99] : memref<320000xi32, #tpu.memory_space<hbm>> -> memref<80xi32, #tpu.memory_space<hbm>>
      %dma_wait3A_101 = arith.constant 0 : i32
      %dma_wait3A_102 = tpu.memref_slice %arg7[%dma_wait3A_95, %dma_wait3A_101] : memref<1x80xi32, #tpu.memory_space<vmem>> -> memref<1x80xi32, #tpu.memory_space<vmem>>
      %dma_wait3A_103 = tpu.memref_squeeze %dma_wait3A_102 : memref<1x80xi32, #tpu.memory_space<vmem>> -> memref<80xi32, #tpu.memory_space<vmem>>
      %dma_wait3A_104 = arith.constant 0 : i32
      %dma_wait3A_105 = tpu.memref_slice %arg3[%dma_wait3A_104] : memref<320000xi32, #tpu.memory_space<hbm>> -> memref<80xi32, #tpu.memory_space<hbm>>
      tpu.wait_dma2 semaphore(%arg12 : memref<!tpu.dma_semaphore, #tpu.memory_space<semaphore_mem>>) src(%dma_wait3A_105 : memref<80xi32, #tpu.memory_space<hbm>>) dst(%dma_wait3A_103 : memref<80xi32, #tpu.memory_space<vmem>>)
      %mul3A_106 = arith.constant 2 : i32
      %mul3A_107 = arith.muli %mul3A_106, %scan3A_50 : i32
      %add3A_108 = arith.constant 2 : i32
      %add3A_109 = arith.addi %mul3A_107, %add3A_108 : i32
      %mul3A_110 = arith.constant 80 : i32
      %mul3A_111 = arith.muli %add3A_109, %mul3A_110 : i32
      %add3A_112 = arith.addi %mul3A_2, %mul3A_111 : i32
      %dma_start3A_113 = arith.constant 0 : i32
      %dma_start3A_114 = tpu.memref_slice %arg2[%add3A_112, %dma_start3A_113] : memref<320000x128xf32, #tpu.memory_space<hbm>> -> memref<80x128xf32, #tpu.memory_space<hbm>>
      %dma_start3A_115 = arith.constant 0 : i32
      %dma_start3A_116 = tpu.memref_slice %arg2[%add3A_112, %dma_start3A_115] : memref<320000x128xf32, #tpu.memory_space<hbm>> -> memref<80x128xf32, #tpu.memory_space<hbm>>
      tpu.enqueue_dma source(%dma_start3A_116 : memref<80x128xf32, #tpu.memory_space<hbm>>) target(%arg8 : memref<80x128xf32, #tpu.memory_space<vmem>>) target_semaphore(%arg11 : memref<!tpu.dma_semaphore, #tpu.memory_space<semaphore_mem>>)
      %dma_start3A_117 = arith.constant 0 : i32
      %dma_start3A_118 = arith.constant 0 : i32
      %dma_start3A_119 = tpu.memref_slice %arg6[%dma_start3A_117, %dma_start3A_118] : memref<1x80xi32, #tpu.memory_space<vmem>> -> memref<1x80xi32, #tpu.memory_space<vmem>>
      %dma_start3A_120 = tpu.memref_squeeze %dma_start3A_119 : memref<1x80xi32, #tpu.memory_space<vmem>> -> memref<80xi32, #tpu.memory_space<vmem>>
      %dma_start3A_121 = tpu.memref_slice %arg3[%add3A_112] : memref<320000xi32, #tpu.memory_space<hbm>> -> memref<80xi32, #tpu.memory_space<hbm>>
      %dma_start3A_122 = arith.constant 0 : i32
      %dma_start3A_123 = tpu.memref_slice %arg6[%dma_start3A_117, %dma_start3A_122] : memref<1x80xi32, #tpu.memory_space<vmem>> -> memref<1x80xi32, #tpu.memory_space<vmem>>
      %dma_start3A_124 = tpu.memref_squeeze %dma_start3A_123 : memref<1x80xi32, #tpu.memory_space<vmem>> -> memref<80xi32, #tpu.memory_space<vmem>>
      %dma_start3A_125 = tpu.memref_slice %arg3[%add3A_112] : memref<320000xi32, #tpu.memory_space<hbm>> -> memref<80xi32, #tpu.memory_space<hbm>>
      tpu.enqueue_dma source(%dma_start3A_125 : memref<80xi32, #tpu.memory_space<hbm>>) target(%dma_start3A_124 : memref<80xi32, #tpu.memory_space<vmem>>) target_semaphore(%arg11 : memref<!tpu.dma_semaphore, #tpu.memory_space<semaphore_mem>>)
      %run_scoped3A_126 = arith.constant 0 : i32
      "tpu.region"() ({
        %run_scoped3A_127 = tpu.sem_alloc : memref<!tpu.dma_semaphore, #tpu.memory_space<semaphore_mem>>
        %dma_start3A_128 = arith.constant 0 : i32
        %dma_start3A_129 = tpu.memref_slice %arg7[%run_scoped3A_126, %dma_start3A_128] : memref<1x80xi32, #tpu.memory_space<vmem>> -> memref<1x80xi32, #tpu.memory_space<vmem>>
        %dma_start3A_130 = tpu.memref_squeeze %dma_start3A_129 : memref<1x80xi32, #tpu.memory_space<vmem>> -> memref<80xi32, #tpu.memory_space<vmem>>
        %dma_start3A_131 = arith.constant 0 : i32
        %dma_start3A_132 = arith.constant 0 : i32
        %dma_start3A_133 = tpu.memref_slice %arg10[%dma_start3A_131, %dma_start3A_132] : memref<10240x128xf32, #tpu.memory_space<vmem_shared>> -> memref<10240x128xf32, #tpu.memory_space<vmem_shared>>
        tpu.enqueue_indirect_dma source(%arg9 : memref<80x128xf32, #tpu.memory_space<vmem>>) target(%dma_start3A_133 : memref<10240x128xf32, #tpu.memory_space<vmem_shared>>) offsets(%dma_start3A_130 : memref<80xi32, #tpu.memory_space<vmem>>) semaphore(%run_scoped3A_127 : memref<!tpu.dma_semaphore, #tpu.memory_space<semaphore_mem>>) {add = true}
        %dma_wait3A_134 = arith.constant 0 : i32
        %dma_wait3A_135 = tpu.memref_slice %arg7[%run_scoped3A_126, %dma_wait3A_134] : memref<1x80xi32, #tpu.memory_space<vmem>> -> memref<1x80xi32, #tpu.memory_space<vmem>>
        %dma_wait3A_136 = tpu.memref_squeeze %dma_wait3A_135 : memref<1x80xi32, #tpu.memory_space<vmem>> -> memref<80xi32, #tpu.memory_space<vmem>>
        %dma_wait3A_137 = arith.constant 0 : i32
        %dma_wait3A_138 = arith.constant 0 : i32
        %dma_wait3A_139 = tpu.memref_slice %arg10[%dma_wait3A_137, %dma_wait3A_138] : memref<10240x128xf32, #tpu.memory_space<vmem_shared>> -> memref<10240x128xf32, #tpu.memory_space<vmem_shared>>
        tpu.wait_indirect_dma semaphore(%run_scoped3A_127 : memref<!tpu.dma_semaphore, #tpu.memory_space<semaphore_mem>>) src(%arg9 : memref<80x128xf32, #tpu.memory_space<vmem>>) dst(%dma_wait3A_139 : memref<10240x128xf32, #tpu.memory_space<vmem_shared>>)
        tpu.yield
      }) : () -> ()
    }
    %scan3A_25 = arith.constant 62 : i32
    %dma_wait3A = arith.constant 0 : i32
    %dma_wait3A_26 = arith.constant 0 : i32
    %dma_wait3A_27 = tpu.memref_slice %arg2[%dma_wait3A, %dma_wait3A_26] : memref<320000x128xf32, #tpu.memory_space<hbm>> -> memref<80x128xf32, #tpu.memory_space<hbm>>
    %dma_wait3A_28 = arith.constant 0 : i32
    %dma_wait3A_29 = arith.constant 0 : i32
    %dma_wait3A_30 = tpu.memref_slice %arg2[%dma_wait3A_28, %dma_wait3A_29] : memref<320000x128xf32, #tpu.memory_space<hbm>> -> memref<80x128xf32, #tpu.memory_space<hbm>>
    tpu.wait_dma2 semaphore(%arg11 : memref<!tpu.dma_semaphore, #tpu.memory_space<semaphore_mem>>) src(%dma_wait3A_30 : memref<80x128xf32, #tpu.memory_space<hbm>>) dst(%arg8 : memref<80x128xf32, #tpu.memory_space<vmem>>)
    %dma_wait3A_31 = arith.constant 0 : i32
    %dma_wait3A_32 = arith.constant 0 : i32
    %dma_wait3A_33 = tpu.memref_slice %arg6[%dma_wait3A_31, %dma_wait3A_32] : memref<1x80xi32, #tpu.memory_space<vmem>> -> memref<1x80xi32, #tpu.memory_space<vmem>>
    %dma_wait3A_34 = tpu.memref_squeeze %dma_wait3A_33 : memref<1x80xi32, #tpu.memory_space<vmem>> -> memref<80xi32, #tpu.memory_space<vmem>>
    %dma_wait3A_35 = arith.constant 0 : i32
    %dma_wait3A_36 = tpu.memref_slice %arg3[%dma_wait3A_35] : memref<320000xi32, #tpu.memory_space<hbm>> -> memref<80xi32, #tpu.memory_space<hbm>>
    %dma_wait3A_37 = arith.constant 0 : i32
    %dma_wait3A_38 = tpu.memref_slice %arg6[%dma_wait3A_31, %dma_wait3A_37] : memref<1x80xi32, #tpu.memory_space<vmem>> -> memref<1x80xi32, #tpu.memory_space<vmem>>
    %dma_wait3A_39 = tpu.memref_squeeze %dma_wait3A_38 : memref<1x80xi32, #tpu.memory_space<vmem>> -> memref<80xi32, #tpu.memory_space<vmem>>
    %dma_wait3A_40 = arith.constant 0 : i32
    %dma_wait3A_41 = tpu.memref_slice %arg3[%dma_wait3A_40] : memref<320000xi32, #tpu.memory_space<hbm>> -> memref<80xi32, #tpu.memory_space<hbm>>
    tpu.wait_dma2 semaphore(%arg11 : memref<!tpu.dma_semaphore, #tpu.memory_space<semaphore_mem>>) src(%dma_wait3A_41 : memref<80xi32, #tpu.memory_space<hbm>>) dst(%dma_wait3A_39 : memref<80xi32, #tpu.memory_space<vmem>>)
    %run_scoped3A = arith.constant 0 : i32
    "tpu.region"() ({
      %run_scoped3A_50 = tpu.sem_alloc : memref<!tpu.dma_semaphore, #tpu.memory_space<semaphore_mem>>
      %dma_start3A_51 = arith.constant 0 : i32
      %dma_start3A_52 = tpu.memref_slice %arg6[%run_scoped3A, %dma_start3A_51] : memref<1x80xi32, #tpu.memory_space<vmem>> -> memref<1x80xi32, #tpu.memory_space<vmem>>
      %dma_start3A_53 = tpu.memref_squeeze %dma_start3A_52 : memref<1x80xi32, #tpu.memory_space<vmem>> -> memref<80xi32, #tpu.memory_space<vmem>>
      %dma_start3A_54 = arith.constant 0 : i32
      %dma_start3A_55 = arith.constant 0 : i32
      %dma_start3A_56 = tpu.memref_slice %arg10[%dma_start3A_54, %dma_start3A_55] : memref<10240x128xf32, #tpu.memory_space<vmem_shared>> -> memref<10240x128xf32, #tpu.memory_space<vmem_shared>>
      tpu.enqueue_indirect_dma source(%arg8 : memref<80x128xf32, #tpu.memory_space<vmem>>) target(%dma_start3A_56 : memref<10240x128xf32, #tpu.memory_space<vmem_shared>>) offsets(%dma_start3A_53 : memref<80xi32, #tpu.memory_space<vmem>>) semaphore(%run_scoped3A_50 : memref<!tpu.dma_semaphore, #tpu.memory_space<semaphore_mem>>) {add = true}
      %dma_wait3A_57 = arith.constant 0 : i32
      %dma_wait3A_58 = tpu.memref_slice %arg6[%run_scoped3A, %dma_wait3A_57] : memref<1x80xi32, #tpu.memory_space<vmem>> -> memref<1x80xi32, #tpu.memory_space<vmem>>
      %dma_wait3A_59 = tpu.memref_squeeze %dma_wait3A_58 : memref<1x80xi32, #tpu.memory_space<vmem>> -> memref<80xi32, #tpu.memory_space<vmem>>
      %dma_wait3A_60 = arith.constant 0 : i32
      %dma_wait3A_61 = arith.constant 0 : i32
      %dma_wait3A_62 = tpu.memref_slice %arg10[%dma_wait3A_60, %dma_wait3A_61] : memref<10240x128xf32, #tpu.memory_space<vmem_shared>> -> memref<10240x128xf32, #tpu.memory_space<vmem_shared>>
      tpu.wait_indirect_dma semaphore(%run_scoped3A_50 : memref<!tpu.dma_semaphore, #tpu.memory_space<semaphore_mem>>) src(%arg8 : memref<80x128xf32, #tpu.memory_space<vmem>>) dst(%dma_wait3A_62 : memref<10240x128xf32, #tpu.memory_space<vmem_shared>>)
      tpu.yield
    }) : () -> ()
    %barrier3A_42 = arith.constant 0 : index
    tpu.barrier barrier_id(%barrier3A_42)
    %mul3A_43 = arith.constant 640 : i32
    %mul3A_44 = arith.muli %arg1, %mul3A_43 : i32
    %mul3A_45 = arith.constant 10240 : i32
    %mul3A_46 = arith.muli %arg0, %mul3A_45 : i32
    %mul3A_47 = arith.constant 640 : i32
    %mul3A_48 = arith.muli %arg1, %mul3A_47 : i32
    %add3A_49 = arith.addi %mul3A_46, %mul3A_48 : i32
    "tpu.region"() ({
      %run_scoped3A_50 = tpu.sem_alloc : memref<!tpu.dma_semaphore, #tpu.memory_space<semaphore_mem>>
      %dma_start3A_51 = arith.constant 0 : i32
      %dma_start3A_52 = tpu.memref_slice %arg5[%add3A_49, %dma_start3A_51] : memref<20480x128xf32, #tpu.memory_space<hbm>> -> memref<640x128xf32, #tpu.memory_space<hbm>>
      %dma_start3A_53 = arith.constant 0 : i32
      %dma_start3A_54 = tpu.memref_slice %arg10[%mul3A_44, %dma_start3A_53] : memref<10240x128xf32, #tpu.memory_space<vmem_shared>> -> memref<640x128xf32, #tpu.memory_space<vmem_shared>>
      tpu.enqueue_dma source(%dma_start3A_54 : memref<640x128xf32, #tpu.memory_space<vmem_shared>>) target(%dma_start3A_52 : memref<640x128xf32, #tpu.memory_space<hbm>>) target_semaphore(%run_scoped3A_50 : memref<!tpu.dma_semaphore, #tpu.memory_space<semaphore_mem>>)
      %dma_wait3A_55 = arith.constant 0 : i32
      %dma_wait3A_56 = tpu.memref_slice %arg5[%add3A_49, %dma_wait3A_55] : memref<20480x128xf32, #tpu.memory_space<hbm>> -> memref<640x128xf32, #tpu.memory_space<hbm>>
      %dma_wait3A_57 = arith.constant 0 : i32
      %dma_wait3A_58 = tpu.memref_slice %arg10[%mul3A_44, %dma_wait3A_57] : memref<10240x128xf32, #tpu.memory_space<vmem_shared>> -> memref<640x128xf32, #tpu.memory_space<vmem_shared>>
      tpu.wait_dma2 semaphore(%run_scoped3A_50 : memref<!tpu.dma_semaphore, #tpu.memory_space<semaphore_mem>>) src(%dma_wait3A_58 : memref<640x128xf32, #tpu.memory_space<vmem_shared>>) dst(%dma_wait3A_56 : memref<640x128xf32, #tpu.memory_space<hbm>>)
      tpu.yield
    }) : () -> ()
    return
  }
}

#map = affine_map<(d0, d1) -> (0, 0)>
#map1 = affine_map<(d0, d1) -> (0)>
module attributes {stable_mosaic.version = 14 : i64} {
  func.func @_sc_gather(%arg0: i32, %arg1: i32, %arg2: memref<10000x32xf32, #tpu.memory_space<hbm>>, %arg3: memref<320000xi32, #tpu.memory_space<hbm>>, %arg4: memref<320000xi32, #tpu.memory_space<hbm>>, %arg5: memref<320000x16xf32, #tpu.memory_space<hbm>>, %arg6: memref<320000x128xf32, #tpu.memory_space<hbm>>, %arg7: memref<32x10000xf32, #tpu.memory_space<hbm>>, %arg8: memref<400xi32, #tpu.memory_space<vmem>>, %arg9: memref<400xi32, #tpu.memory_space<vmem>>, %arg10: memref<400xi32, #tpu.memory_space<vmem>>, %arg11: memref<400xi32, #tpu.memory_space<vmem>>, %arg12: memref<400x32xf32, #tpu.memory_space<vmem>>, %arg13: memref<400x32xf32, #tpu.memory_space<vmem>>, %arg14: memref<400x32xf32, #tpu.memory_space<vmem>>, %arg15: memref<400x32xf32, #tpu.memory_space<vmem>>, %arg16: memref<400x16xf32, #tpu.memory_space<vmem>>, %arg17: memref<400x16xf32, #tpu.memory_space<vmem>>, %arg18: memref<10000xf32, #tpu.memory_space<vmem>>, %arg19: memref<!tpu.dma_semaphore, #tpu.memory_space<semaphore_mem>>, %arg20: memref<!tpu.dma_semaphore, #tpu.memory_space<semaphore_mem>>, %arg21: memref<!tpu.dma_semaphore, #tpu.memory_space<semaphore_mem>>, %arg22: memref<!tpu.dma_semaphore, #tpu.memory_space<semaphore_mem>>, %arg23: memref<!tpu.dma_semaphore, #tpu.memory_space<semaphore_mem>>) attributes {dimension_semantics = [#tpu.dimension_semantics<core_parallel>, #tpu.dimension_semantics<subcore_parallel>], iteration_bounds = array<i64: 2, 16>, scalar_prefetch = 0 : i64, scratch_operands = 16 : i64, tpu.core_type = #tpu.core_type<sc_vector_subcore>, window_params = [{transform_indices = #map}, {transform_indices = #map1}, {transform_indices = #map1}, {transform_indices = #map}, {transform_indices = #map}, {transform_indices = #map}]} {
    %mul3A = arith.constant 2 : i32
    %mul3A_0 = arith.muli %arg1, %mul3A : i32
    %add3A = arith.addi %mul3A_0, %arg0 : i32
    %mul3A_1 = arith.constant 10000 : i32
    %mul3A_2 = arith.muli %add3A, %mul3A_1 : i32
    %scan3A = arith.constant 0 : i32
    %scan3A_3 = arith.constant 0 : i32
    %scan3A_4 = arith.constant 625 : i32
    %scan3A_5 = arith.addi %scan3A_3, %scan3A_4 : i32
    %scan3A_6 = arith.constant 1 : i32
    scf.for %scan3A_314 = %scan3A_3 to %scan3A_5 step %scan3A_6  : i32 {
      %broadcast_in_dim3A_315 = arith.constant 0.000000e+00 : f32
      %broadcast_in_dim3A_316 = vector.broadcast %broadcast_in_dim3A_315 : f32 to vector<16xf32>
      %mul3A_317 = arith.constant 16 : i32
      %mul3A_318 = arith.muli %scan3A_314, %mul3A_317 : i32
      %swap3A = arith.index_cast %mul3A_318 : i32 to index
      %swap3A_319 = tpu.vector_load %arg18[%swap3A] {strides = array<i32>} : memref<10000xf32, #tpu.memory_space<vmem>>, vector<16xf32>,
      tpu.vector_store %arg18[%swap3A], %broadcast_in_dim3A_316 {strides = array<i32>} : memref<10000xf32, #tpu.memory_space<vmem>>, vector<16xf32>,
    }
    %scan3A_7 = arith.constant 625 : i32
    %broadcast_in_dim3A = arith.constant 1.000000e+00 : f32
    %broadcast_in_dim3A_8 = vector.broadcast %broadcast_in_dim3A : f32 to vector<16xf32>
    %add3A_9 = arith.constant 0 : i32
    %add3A_10 = arith.addi %mul3A_2, %add3A_9 : i32
    %dma_start3A = tpu.memref_slice %arg3[%add3A_10] : memref<320000xi32, #tpu.memory_space<hbm>> -> memref<400xi32, #tpu.memory_space<hbm>>
    %dma_start3A_11 = tpu.memref_slice %arg3[%add3A_10] : memref<320000xi32, #tpu.memory_space<hbm>> -> memref<400xi32, #tpu.memory_space<hbm>>
    tpu.enqueue_dma source(%dma_start3A_11 : memref<400xi32, #tpu.memory_space<hbm>>) target(%arg8 : memref<400xi32, #tpu.memory_space<vmem>>) target_semaphore(%arg19 : memref<!tpu.dma_semaphore, #tpu.memory_space<semaphore_mem>>)
    %dma_start3A_12 = tpu.memref_slice %arg4[%add3A_10] : memref<320000xi32, #tpu.memory_space<hbm>> -> memref<400xi32, #tpu.memory_space<hbm>>
    %dma_start3A_13 = tpu.memref_slice %arg4[%add3A_10] : memref<320000xi32, #tpu.memory_space<hbm>> -> memref<400xi32, #tpu.memory_space<hbm>>
    tpu.enqueue_dma source(%dma_start3A_13 : memref<400xi32, #tpu.memory_space<hbm>>) target(%arg9 : memref<400xi32, #tpu.memory_space<vmem>>) target_semaphore(%arg19 : memref<!tpu.dma_semaphore, #tpu.memory_space<semaphore_mem>>)
    %scan3A_14 = arith.constant 0 : i32
    %scan3A_15 = arith.constant 0 : i32
    %scan3A_16 = arith.constant 12 : i32
    %scan3A_17 = arith.addi %scan3A_15, %scan3A_16 : i32
    %scan3A_18 = arith.constant 1 : i32
    scf.for %scan3A_314 = %scan3A_15 to %scan3A_17 step %scan3A_18  : i32 {
      %gt3A = arith.constant 0 : i32
      %gt3A_315 = arith.cmpi sgt, %scan3A_314, %gt3A : i32
      %convert_element_type3A = arith.extui %gt3A_315 : i1 to i32
      %cond3A = arith.constant 0 : i32
      %cond3A_316 = arith.cmpi ne, %convert_element_type3A, %cond3A : i32
      scf.if %cond3A_316 {
        %dma_wait3A_844 = arith.constant 0 : i32
        %dma_wait3A_845 = arith.constant 0 : i32
        %dma_wait3A_846 = tpu.memref_slice %arg6[%dma_wait3A_844, %dma_wait3A_845] : memref<320000x128xf32, #tpu.memory_space<hbm>> -> memref<400x32xf32, #tpu.memory_space<hbm>>
        %dma_wait3A_847 = arith.constant 0 : i32
        %dma_wait3A_848 = arith.constant 0 : i32
        %dma_wait3A_849 = tpu.memref_slice %arg6[%dma_wait3A_847, %dma_wait3A_848] : memref<320000x128xf32, #tpu.memory_space<hbm>> -> memref<400x32xf32, #tpu.memory_space<hbm>>
        tpu.wait_dma2 semaphore(%arg22 : memref<!tpu.dma_semaphore, #tpu.memory_space<semaphore_mem>>) src(%arg12 : memref<400x32xf32, #tpu.memory_space<vmem>>) dst(%dma_wait3A_849 : memref<400x32xf32, #tpu.memory_space<hbm>>)
        %dma_wait3A_850 = arith.constant 0 : i32
        %dma_wait3A_851 = arith.constant 32 : i32
        %dma_wait3A_852 = tpu.memref_slice %arg6[%dma_wait3A_850, %dma_wait3A_851] : memref<320000x128xf32, #tpu.memory_space<hbm>> -> memref<400x32xf32, #tpu.memory_space<hbm>>
        %dma_wait3A_853 = arith.constant 0 : i32
        %dma_wait3A_854 = arith.constant 32 : i32
        %dma_wait3A_855 = tpu.memref_slice %arg6[%dma_wait3A_853, %dma_wait3A_854] : memref<320000x128xf32, #tpu.memory_space<hbm>> -> memref<400x32xf32, #tpu.memory_space<hbm>>
        tpu.wait_dma2 semaphore(%arg22 : memref<!tpu.dma_semaphore, #tpu.memory_space<semaphore_mem>>) src(%arg13 : memref<400x32xf32, #tpu.memory_space<vmem>>) dst(%dma_wait3A_855 : memref<400x32xf32, #tpu.memory_space<hbm>>)
        %dma_wait3A_856 = arith.constant 0 : i32
        %dma_wait3A_857 = arith.constant 64 : i32
        %dma_wait3A_858 = tpu.memref_slice %arg6[%dma_wait3A_856, %dma_wait3A_857] : memref<320000x128xf32, #tpu.memory_space<hbm>> -> memref<400x16xf32, #tpu.memory_space<hbm>>
        %dma_wait3A_859 = arith.constant 0 : i32
        %dma_wait3A_860 = arith.constant 64 : i32
        %dma_wait3A_861 = tpu.memref_slice %arg6[%dma_wait3A_859, %dma_wait3A_860] : memref<320000x128xf32, #tpu.memory_space<hbm>> -> memref<400x16xf32, #tpu.memory_space<hbm>>
        tpu.wait_dma2 semaphore(%arg22 : memref<!tpu.dma_semaphore, #tpu.memory_space<semaphore_mem>>) src(%arg16 : memref<400x16xf32, #tpu.memory_space<vmem>>) dst(%dma_wait3A_861 : memref<400x16xf32, #tpu.memory_space<hbm>>)
      } else {
      }
      %dma_wait3A_317 = arith.constant 0 : i32
      %dma_wait3A_318 = tpu.memref_slice %arg3[%dma_wait3A_317] : memref<320000xi32, #tpu.memory_space<hbm>> -> memref<400xi32, #tpu.memory_space<hbm>>
      %dma_wait3A_319 = arith.constant 0 : i32
      %dma_wait3A_320 = tpu.memref_slice %arg3[%dma_wait3A_319] : memref<320000xi32, #tpu.memory_space<hbm>> -> memref<400xi32, #tpu.memory_space<hbm>>
      tpu.wait_dma2 semaphore(%arg19 : memref<!tpu.dma_semaphore, #tpu.memory_space<semaphore_mem>>) src(%dma_wait3A_320 : memref<400xi32, #tpu.memory_space<hbm>>) dst(%arg8 : memref<400xi32, #tpu.memory_space<vmem>>)
      %dma_wait3A_321 = arith.constant 0 : i32
      %dma_wait3A_322 = tpu.memref_slice %arg4[%dma_wait3A_321] : memref<320000xi32, #tpu.memory_space<hbm>> -> memref<400xi32, #tpu.memory_space<hbm>>
      %dma_wait3A_323 = arith.constant 0 : i32
      %dma_wait3A_324 = tpu.memref_slice %arg4[%dma_wait3A_323] : memref<320000xi32, #tpu.memory_space<hbm>> -> memref<400xi32, #tpu.memory_space<hbm>>
      tpu.wait_dma2 semaphore(%arg19 : memref<!tpu.dma_semaphore, #tpu.memory_space<semaphore_mem>>) src(%dma_wait3A_324 : memref<400xi32, #tpu.memory_space<hbm>>) dst(%arg9 : memref<400xi32, #tpu.memory_space<vmem>>)
      %mul3A_325 = arith.constant 2 : i32
      %mul3A_326 = arith.muli %mul3A_325, %scan3A_314 : i32
      %mul3A_327 = arith.constant 400 : i32
      %mul3A_328 = arith.muli %mul3A_326, %mul3A_327 : i32
      %add3A_329 = arith.addi %mul3A_2, %mul3A_328 : i32
      %dma_start3A_330 = arith.constant 0 : i32
      %dma_start3A_331 = tpu.memref_slice %arg5[%add3A_329, %dma_start3A_330] : memref<320000x16xf32, #tpu.memory_space<hbm>> -> memref<400x16xf32, #tpu.memory_space<hbm>>
      %dma_start3A_332 = arith.constant 0 : i32
      %dma_start3A_333 = tpu.memref_slice %arg5[%add3A_329, %dma_start3A_332] : memref<320000x16xf32, #tpu.memory_space<hbm>> -> memref<400x16xf32, #tpu.memory_space<hbm>>
      tpu.enqueue_dma source(%dma_start3A_333 : memref<400x16xf32, #tpu.memory_space<hbm>>) target(%arg16 : memref<400x16xf32, #tpu.memory_space<vmem>>) target_semaphore(%arg21 : memref<!tpu.dma_semaphore, #tpu.memory_space<semaphore_mem>>)
      %dma_start3A_334 = arith.constant 0 : i32
      %dma_start3A_335 = arith.constant 0 : i32
      %dma_start3A_336 = tpu.memref_slice %arg12[%dma_start3A_334, %dma_start3A_335] : memref<400x32xf32, #tpu.memory_space<vmem>> -> memref<80x32xf32, #tpu.memory_space<vmem>>
      %dma_start3A_337 = arith.constant 0 : i32
      %dma_start3A_338 = tpu.memref_slice %arg8[%dma_start3A_337] : memref<400xi32, #tpu.memory_space<vmem>> -> memref<80xi32, #tpu.memory_space<vmem>>
      %dma_start3A_339 = arith.constant 0 : i32
      %dma_start3A_340 = arith.constant 0 : i32
      %dma_start3A_341 = tpu.memref_slice %arg2[%dma_start3A_339, %dma_start3A_340] : memref<10000x32xf32, #tpu.memory_space<hbm>> -> memref<10000x32xf32, #tpu.memory_space<hbm>>
      tpu.enqueue_indirect_dma source(%dma_start3A_341 : memref<10000x32xf32, #tpu.memory_space<hbm>>) target(%dma_start3A_336 : memref<80x32xf32, #tpu.memory_space<vmem>>) offsets(%dma_start3A_338 : memref<80xi32, #tpu.memory_space<vmem>>) semaphore(%arg21 : memref<!tpu.dma_semaphore, #tpu.memory_space<semaphore_mem>>)
      %dma_start3A_342 = arith.constant 0 : i32
      %dma_start3A_343 = arith.constant 0 : i32
      %dma_start3A_344 = tpu.memref_slice %arg13[%dma_start3A_342, %dma_start3A_343] : memref<400x32xf32, #tpu.memory_space<vmem>> -> memref<80x32xf32, #tpu.memory_space<vmem>>
      %dma_start3A_345 = arith.constant 0 : i32
      %dma_start3A_346 = tpu.memref_slice %arg9[%dma_start3A_345] : memref<400xi32, #tpu.memory_space<vmem>> -> memref<80xi32, #tpu.memory_space<vmem>>
      %dma_start3A_347 = arith.constant 0 : i32
      %dma_start3A_348 = arith.constant 0 : i32
      %dma_start3A_349 = tpu.memref_slice %arg2[%dma_start3A_347, %dma_start3A_348] : memref<10000x32xf32, #tpu.memory_space<hbm>> -> memref<10000x32xf32, #tpu.memory_space<hbm>>
      tpu.enqueue_indirect_dma source(%dma_start3A_349 : memref<10000x32xf32, #tpu.memory_space<hbm>>) target(%dma_start3A_344 : memref<80x32xf32, #tpu.memory_space<vmem>>) offsets(%dma_start3A_346 : memref<80xi32, #tpu.memory_space<vmem>>) semaphore(%arg21 : memref<!tpu.dma_semaphore, #tpu.memory_space<semaphore_mem>>)
      %dma_start3A_350 = arith.constant 80 : i32
      %dma_start3A_351 = arith.constant 0 : i32
      %dma_start3A_352 = tpu.memref_slice %arg12[%dma_start3A_350, %dma_start3A_351] : memref<400x32xf32, #tpu.memory_space<vmem>> -> memref<80x32xf32, #tpu.memory_space<vmem>>
      %dma_start3A_353 = arith.constant 80 : i32
      %dma_start3A_354 = tpu.memref_slice %arg8[%dma_start3A_353] : memref<400xi32, #tpu.memory_space<vmem>> -> memref<80xi32, #tpu.memory_space<vmem>>
      %dma_start3A_355 = arith.constant 0 : i32
      %dma_start3A_356 = arith.constant 0 : i32
      %dma_start3A_357 = tpu.memref_slice %arg2[%dma_start3A_355, %dma_start3A_356] : memref<10000x32xf32, #tpu.memory_space<hbm>> -> memref<10000x32xf32, #tpu.memory_space<hbm>>
      tpu.enqueue_indirect_dma source(%dma_start3A_357 : memref<10000x32xf32, #tpu.memory_space<hbm>>) target(%dma_start3A_352 : memref<80x32xf32, #tpu.memory_space<vmem>>) offsets(%dma_start3A_354 : memref<80xi32, #tpu.memory_space<vmem>>) semaphore(%arg21 : memref<!tpu.dma_semaphore, #tpu.memory_space<semaphore_mem>>)
      %dma_start3A_358 = arith.constant 80 : i32
      %dma_start3A_359 = arith.constant 0 : i32
      %dma_start3A_360 = tpu.memref_slice %arg13[%dma_start3A_358, %dma_start3A_359] : memref<400x32xf32, #tpu.memory_space<vmem>> -> memref<80x32xf32, #tpu.memory_space<vmem>>
      %dma_start3A_361 = arith.constant 80 : i32
      %dma_start3A_362 = tpu.memref_slice %arg9[%dma_start3A_361] : memref<400xi32, #tpu.memory_space<vmem>> -> memref<80xi32, #tpu.memory_space<vmem>>
      %dma_start3A_363 = arith.constant 0 : i32
      %dma_start3A_364 = arith.constant 0 : i32
      %dma_start3A_365 = tpu.memref_slice %arg2[%dma_start3A_363, %dma_start3A_364] : memref<10000x32xf32, #tpu.memory_space<hbm>> -> memref<10000x32xf32, #tpu.memory_space<hbm>>
      tpu.enqueue_indirect_dma source(%dma_start3A_365 : memref<10000x32xf32, #tpu.memory_space<hbm>>) target(%dma_start3A_360 : memref<80x32xf32, #tpu.memory_space<vmem>>) offsets(%dma_start3A_362 : memref<80xi32, #tpu.memory_space<vmem>>) semaphore(%arg21 : memref<!tpu.dma_semaphore, #tpu.memory_space<semaphore_mem>>)
      %dma_start3A_366 = arith.constant 160 : i32
      %dma_start3A_367 = arith.constant 0 : i32
      %dma_start3A_368 = tpu.memref_slice %arg12[%dma_start3A_366, %dma_start3A_367] : memref<400x32xf32, #tpu.memory_space<vmem>> -> memref<80x32xf32, #tpu.memory_space<vmem>>
      %dma_start3A_369 = arith.constant 160 : i32
      %dma_start3A_370 = tpu.memref_slice %arg8[%dma_start3A_369] : memref<400xi32, #tpu.memory_space<vmem>> -> memref<80xi32, #tpu.memory_space<vmem>>
      %dma_start3A_371 = arith.constant 0 : i32
      %dma_start3A_372 = arith.constant 0 : i32
      %dma_start3A_373 = tpu.memref_slice %arg2[%dma_start3A_371, %dma_start3A_372] : memref<10000x32xf32, #tpu.memory_space<hbm>> -> memref<10000x32xf32, #tpu.memory_space<hbm>>
      tpu.enqueue_indirect_dma source(%dma_start3A_373 : memref<10000x32xf32, #tpu.memory_space<hbm>>) target(%dma_start3A_368 : memref<80x32xf32, #tpu.memory_space<vmem>>) offsets(%dma_start3A_370 : memref<80xi32, #tpu.memory_space<vmem>>) semaphore(%arg21 : memref<!tpu.dma_semaphore, #tpu.memory_space<semaphore_mem>>)
      %dma_start3A_374 = arith.constant 160 : i32
      %dma_start3A_375 = arith.constant 0 : i32
      %dma_start3A_376 = tpu.memref_slice %arg13[%dma_start3A_374, %dma_start3A_375] : memref<400x32xf32, #tpu.memory_space<vmem>> -> memref<80x32xf32, #tpu.memory_space<vmem>>
      %dma_start3A_377 = arith.constant 160 : i32
      %dma_start3A_378 = tpu.memref_slice %arg9[%dma_start3A_377] : memref<400xi32, #tpu.memory_space<vmem>> -> memref<80xi32, #tpu.memory_space<vmem>>
      %dma_start3A_379 = arith.constant 0 : i32
      %dma_start3A_380 = arith.constant 0 : i32
      %dma_start3A_381 = tpu.memref_slice %arg2[%dma_start3A_379, %dma_start3A_380] : memref<10000x32xf32, #tpu.memory_space<hbm>> -> memref<10000x32xf32, #tpu.memory_space<hbm>>
      tpu.enqueue_indirect_dma source(%dma_start3A_381 : memref<10000x32xf32, #tpu.memory_space<hbm>>) target(%dma_start3A_376 : memref<80x32xf32, #tpu.memory_space<vmem>>) offsets(%dma_start3A_378 : memref<80xi32, #tpu.memory_space<vmem>>) semaphore(%arg21 : memref<!tpu.dma_semaphore, #tpu.memory_space<semaphore_mem>>)
      %dma_start3A_382 = arith.constant 240 : i32
      %dma_start3A_383 = arith.constant 0 : i32
      %dma_start3A_384 = tpu.memref_slice %arg12[%dma_start3A_382, %dma_start3A_383] : memref<400x32xf32, #tpu.memory_space<vmem>> -> memref<80x32xf32, #tpu.memory_space<vmem>>
      %dma_start3A_385 = arith.constant 240 : i32
      %dma_start3A_386 = tpu.memref_slice %arg8[%dma_start3A_385] : memref<400xi32, #tpu.memory_space<vmem>> -> memref<80xi32, #tpu.memory_space<vmem>>
      %dma_start3A_387 = arith.constant 0 : i32
      %dma_start3A_388 = arith.constant 0 : i32
      %dma_start3A_389 = tpu.memref_slice %arg2[%dma_start3A_387, %dma_start3A_388] : memref<10000x32xf32, #tpu.memory_space<hbm>> -> memref<10000x32xf32, #tpu.memory_space<hbm>>
      tpu.enqueue_indirect_dma source(%dma_start3A_389 : memref<10000x32xf32, #tpu.memory_space<hbm>>) target(%dma_start3A_384 : memref<80x32xf32, #tpu.memory_space<vmem>>) offsets(%dma_start3A_386 : memref<80xi32, #tpu.memory_space<vmem>>) semaphore(%arg21 : memref<!tpu.dma_semaphore, #tpu.memory_space<semaphore_mem>>)
      %dma_start3A_390 = arith.constant 240 : i32
      %dma_start3A_391 = arith.constant 0 : i32
      %dma_start3A_392 = tpu.memref_slice %arg13[%dma_start3A_390, %dma_start3A_391] : memref<400x32xf32, #tpu.memory_space<vmem>> -> memref<80x32xf32, #tpu.memory_space<vmem>>
      %dma_start3A_393 = arith.constant 240 : i32
      %dma_start3A_394 = tpu.memref_slice %arg9[%dma_start3A_393] : memref<400xi32, #tpu.memory_space<vmem>> -> memref<80xi32, #tpu.memory_space<vmem>>
      %dma_start3A_395 = arith.constant 0 : i32
      %dma_start3A_396 = arith.constant 0 : i32
      %dma_start3A_397 = tpu.memref_slice %arg2[%dma_start3A_395, %dma_start3A_396] : memref<10000x32xf32, #tpu.memory_space<hbm>> -> memref<10000x32xf32, #tpu.memory_space<hbm>>
      tpu.enqueue_indirect_dma source(%dma_start3A_397 : memref<10000x32xf32, #tpu.memory_space<hbm>>) target(%dma_start3A_392 : memref<80x32xf32, #tpu.memory_space<vmem>>) offsets(%dma_start3A_394 : memref<80xi32, #tpu.memory_space<vmem>>) semaphore(%arg21 : memref<!tpu.dma_semaphore, #tpu.memory_space<semaphore_mem>>)
      %dma_start3A_398 = arith.constant 320 : i32
      %dma_start3A_399 = arith.constant 0 : i32
      %dma_start3A_400 = tpu.memref_slice %arg12[%dma_start3A_398, %dma_start3A_399] : memref<400x32xf32, #tpu.memory_space<vmem>> -> memref<80x32xf32, #tpu.memory_space<vmem>>
      %dma_start3A_401 = arith.constant 320 : i32
      %dma_start3A_402 = tpu.memref_slice %arg8[%dma_start3A_401] : memref<400xi32, #tpu.memory_space<vmem>> -> memref<80xi32, #tpu.memory_space<vmem>>
      %dma_start3A_403 = arith.constant 0 : i32
      %dma_start3A_404 = arith.constant 0 : i32
      %dma_start3A_405 = tpu.memref_slice %arg2[%dma_start3A_403, %dma_start3A_404] : memref<10000x32xf32, #tpu.memory_space<hbm>> -> memref<10000x32xf32, #tpu.memory_space<hbm>>
      tpu.enqueue_indirect_dma source(%dma_start3A_405 : memref<10000x32xf32, #tpu.memory_space<hbm>>) target(%dma_start3A_400 : memref<80x32xf32, #tpu.memory_space<vmem>>) offsets(%dma_start3A_402 : memref<80xi32, #tpu.memory_space<vmem>>) semaphore(%arg21 : memref<!tpu.dma_semaphore, #tpu.memory_space<semaphore_mem>>)
      %dma_start3A_406 = arith.constant 320 : i32
      %dma_start3A_407 = arith.constant 0 : i32
      %dma_start3A_408 = tpu.memref_slice %arg13[%dma_start3A_406, %dma_start3A_407] : memref<400x32xf32, #tpu.memory_space<vmem>> -> memref<80x32xf32, #tpu.memory_space<vmem>>
      %dma_start3A_409 = arith.constant 320 : i32
      %dma_start3A_410 = tpu.memref_slice %arg9[%dma_start3A_409] : memref<400xi32, #tpu.memory_space<vmem>> -> memref<80xi32, #tpu.memory_space<vmem>>
      %dma_start3A_411 = arith.constant 0 : i32
      %dma_start3A_412 = arith.constant 0 : i32
      %dma_start3A_413 = tpu.memref_slice %arg2[%dma_start3A_411, %dma_start3A_412] : memref<10000x32xf32, #tpu.memory_space<hbm>> -> memref<10000x32xf32, #tpu.memory_space<hbm>>
      tpu.enqueue_indirect_dma source(%dma_start3A_413 : memref<10000x32xf32, #tpu.memory_space<hbm>>) target(%dma_start3A_408 : memref<80x32xf32, #tpu.memory_space<vmem>>) offsets(%dma_start3A_410 : memref<80xi32, #tpu.memory_space<vmem>>) semaphore(%arg21 : memref<!tpu.dma_semaphore, #tpu.memory_space<semaphore_mem>>)
      %mul3A_414 = arith.constant 2 : i32
      %mul3A_415 = arith.muli %mul3A_414, %scan3A_314 : i32
      %add3A_416 = arith.constant 1 : i32
      %add3A_417 = arith.addi %mul3A_415, %add3A_416 : i32
      %mul3A_418 = arith.constant 400 : i32
      %mul3A_419 = arith.muli %add3A_417, %mul3A_418 : i32
      %add3A_420 = arith.addi %mul3A_2, %mul3A_419 : i32
      %dma_start3A_421 = tpu.memref_slice %arg3[%add3A_420] : memref<320000xi32, #tpu.memory_space<hbm>> -> memref<400xi32, #tpu.memory_space<hbm>>
      %dma_start3A_422 = tpu.memref_slice %arg3[%add3A_420] : memref<320000xi32, #tpu.memory_space<hbm>> -> memref<400xi32, #tpu.memory_space<hbm>>
      tpu.enqueue_dma source(%dma_start3A_422 : memref<400xi32, #tpu.memory_space<hbm>>) target(%arg10 : memref<400xi32, #tpu.memory_space<vmem>>) target_semaphore(%arg20 : memref<!tpu.dma_semaphore, #tpu.memory_space<semaphore_mem>>)
      %dma_start3A_423 = tpu.memref_slice %arg4[%add3A_420] : memref<320000xi32, #tpu.memory_space<hbm>> -> memref<400xi32, #tpu.memory_space<hbm>>
      %dma_start3A_424 = tpu.memref_slice %arg4[%add3A_420] : memref<320000xi32, #tpu.memory_space<hbm>> -> memref<400xi32, #tpu.memory_space<hbm>>
      tpu.enqueue_dma source(%dma_start3A_424 : memref<400xi32, #tpu.memory_space<hbm>>) target(%arg11 : memref<400xi32, #tpu.memory_space<vmem>>) target_semaphore(%arg20 : memref<!tpu.dma_semaphore, #tpu.memory_space<semaphore_mem>>)
      %dma_wait3A_425 = arith.constant 0 : i32
      %dma_wait3A_426 = tpu.memref_slice %arg5[%add3A_329, %dma_wait3A_425] : memref<320000x16xf32, #tpu.memory_space<hbm>> -> memref<400x16xf32, #tpu.memory_space<hbm>>
      %dma_wait3A_427 = arith.constant 0 : i32
      %dma_wait3A_428 = tpu.memref_slice %arg5[%add3A_329, %dma_wait3A_427] : memref<320000x16xf32, #tpu.memory_space<hbm>> -> memref<400x16xf32, #tpu.memory_space<hbm>>
      tpu.wait_dma2 semaphore(%arg21 : memref<!tpu.dma_semaphore, #tpu.memory_space<semaphore_mem>>) src(%dma_wait3A_428 : memref<400x16xf32, #tpu.memory_space<hbm>>) dst(%arg16 : memref<400x16xf32, #tpu.memory_space<vmem>>)
      %dma_wait3A_429 = arith.constant 0 : i32
      %dma_wait3A_430 = arith.constant 0 : i32
      %dma_wait3A_431 = tpu.memref_slice %arg12[%dma_wait3A_429, %dma_wait3A_430] : memref<400x32xf32, #tpu.memory_space<vmem>> -> memref<80x32xf32, #tpu.memory_space<vmem>>
      %dma_wait3A_432 = arith.constant 0 : i32
      %dma_wait3A_433 = tpu.memref_slice %arg8[%dma_wait3A_432] : memref<400xi32, #tpu.memory_space<vmem>> -> memref<80xi32, #tpu.memory_space<vmem>>
      %dma_wait3A_434 = arith.constant 0 : i32
      %dma_wait3A_435 = arith.constant 0 : i32
      %dma_wait3A_436 = tpu.memref_slice %arg2[%dma_wait3A_434, %dma_wait3A_435] : memref<10000x32xf32, #tpu.memory_space<hbm>> -> memref<10000x32xf32, #tpu.memory_space<hbm>>
      tpu.wait_indirect_dma semaphore(%arg21 : memref<!tpu.dma_semaphore, #tpu.memory_space<semaphore_mem>>) src(%dma_wait3A_436 : memref<10000x32xf32, #tpu.memory_space<hbm>>) dst(%dma_wait3A_431 : memref<80x32xf32, #tpu.memory_space<vmem>>)
      %dma_wait3A_437 = arith.constant 0 : i32
      %dma_wait3A_438 = arith.constant 0 : i32
      %dma_wait3A_439 = tpu.memref_slice %arg13[%dma_wait3A_437, %dma_wait3A_438] : memref<400x32xf32, #tpu.memory_space<vmem>> -> memref<80x32xf32, #tpu.memory_space<vmem>>
      %dma_wait3A_440 = arith.constant 0 : i32
      %dma_wait3A_441 = tpu.memref_slice %arg9[%dma_wait3A_440] : memref<400xi32, #tpu.memory_space<vmem>> -> memref<80xi32, #tpu.memory_space<vmem>>
      %dma_wait3A_442 = arith.constant 0 : i32
      %dma_wait3A_443 = arith.constant 0 : i32
      %dma_wait3A_444 = tpu.memref_slice %arg2[%dma_wait3A_442, %dma_wait3A_443] : memref<10000x32xf32, #tpu.memory_space<hbm>> -> memref<10000x32xf32, #tpu.memory_space<hbm>>
      tpu.wait_indirect_dma semaphore(%arg21 : memref<!tpu.dma_semaphore, #tpu.memory_space<semaphore_mem>>) src(%dma_wait3A_444 : memref<10000x32xf32, #tpu.memory_space<hbm>>) dst(%dma_wait3A_439 : memref<80x32xf32, #tpu.memory_space<vmem>>)
      %dma_wait3A_445 = arith.constant 80 : i32
      %dma_wait3A_446 = arith.constant 0 : i32
      %dma_wait3A_447 = tpu.memref_slice %arg12[%dma_wait3A_445, %dma_wait3A_446] : memref<400x32xf32, #tpu.memory_space<vmem>> -> memref<80x32xf32, #tpu.memory_space<vmem>>
      %dma_wait3A_448 = arith.constant 80 : i32
      %dma_wait3A_449 = tpu.memref_slice %arg8[%dma_wait3A_448] : memref<400xi32, #tpu.memory_space<vmem>> -> memref<80xi32, #tpu.memory_space<vmem>>
      %dma_wait3A_450 = arith.constant 0 : i32
      %dma_wait3A_451 = arith.constant 0 : i32
      %dma_wait3A_452 = tpu.memref_slice %arg2[%dma_wait3A_450, %dma_wait3A_451] : memref<10000x32xf32, #tpu.memory_space<hbm>> -> memref<10000x32xf32, #tpu.memory_space<hbm>>
      tpu.wait_indirect_dma semaphore(%arg21 : memref<!tpu.dma_semaphore, #tpu.memory_space<semaphore_mem>>) src(%dma_wait3A_452 : memref<10000x32xf32, #tpu.memory_space<hbm>>) dst(%dma_wait3A_447 : memref<80x32xf32, #tpu.memory_space<vmem>>)
      %dma_wait3A_453 = arith.constant 80 : i32
      %dma_wait3A_454 = arith.constant 0 : i32
      %dma_wait3A_455 = tpu.memref_slice %arg13[%dma_wait3A_453, %dma_wait3A_454] : memref<400x32xf32, #tpu.memory_space<vmem>> -> memref<80x32xf32, #tpu.memory_space<vmem>>
      %dma_wait3A_456 = arith.constant 80 : i32
      %dma_wait3A_457 = tpu.memref_slice %arg9[%dma_wait3A_456] : memref<400xi32, #tpu.memory_space<vmem>> -> memref<80xi32, #tpu.memory_space<vmem>>
      %dma_wait3A_458 = arith.constant 0 : i32
      %dma_wait3A_459 = arith.constant 0 : i32
      %dma_wait3A_460 = tpu.memref_slice %arg2[%dma_wait3A_458, %dma_wait3A_459] : memref<10000x32xf32, #tpu.memory_space<hbm>> -> memref<10000x32xf32, #tpu.memory_space<hbm>>
      tpu.wait_indirect_dma semaphore(%arg21 : memref<!tpu.dma_semaphore, #tpu.memory_space<semaphore_mem>>) src(%dma_wait3A_460 : memref<10000x32xf32, #tpu.memory_space<hbm>>) dst(%dma_wait3A_455 : memref<80x32xf32, #tpu.memory_space<vmem>>)
      %dma_wait3A_461 = arith.constant 160 : i32
      %dma_wait3A_462 = arith.constant 0 : i32
      %dma_wait3A_463 = tpu.memref_slice %arg12[%dma_wait3A_461, %dma_wait3A_462] : memref<400x32xf32, #tpu.memory_space<vmem>> -> memref<80x32xf32, #tpu.memory_space<vmem>>
      %dma_wait3A_464 = arith.constant 160 : i32
      %dma_wait3A_465 = tpu.memref_slice %arg8[%dma_wait3A_464] : memref<400xi32, #tpu.memory_space<vmem>> -> memref<80xi32, #tpu.memory_space<vmem>>
      %dma_wait3A_466 = arith.constant 0 : i32
      %dma_wait3A_467 = arith.constant 0 : i32
      %dma_wait3A_468 = tpu.memref_slice %arg2[%dma_wait3A_466, %dma_wait3A_467] : memref<10000x32xf32, #tpu.memory_space<hbm>> -> memref<10000x32xf32, #tpu.memory_space<hbm>>
      tpu.wait_indirect_dma semaphore(%arg21 : memref<!tpu.dma_semaphore, #tpu.memory_space<semaphore_mem>>) src(%dma_wait3A_468 : memref<10000x32xf32, #tpu.memory_space<hbm>>) dst(%dma_wait3A_463 : memref<80x32xf32, #tpu.memory_space<vmem>>)
      %dma_wait3A_469 = arith.constant 160 : i32
      %dma_wait3A_470 = arith.constant 0 : i32
      %dma_wait3A_471 = tpu.memref_slice %arg13[%dma_wait3A_469, %dma_wait3A_470] : memref<400x32xf32, #tpu.memory_space<vmem>> -> memref<80x32xf32, #tpu.memory_space<vmem>>
      %dma_wait3A_472 = arith.constant 160 : i32
      %dma_wait3A_473 = tpu.memref_slice %arg9[%dma_wait3A_472] : memref<400xi32, #tpu.memory_space<vmem>> -> memref<80xi32, #tpu.memory_space<vmem>>
      %dma_wait3A_474 = arith.constant 0 : i32
      %dma_wait3A_475 = arith.constant 0 : i32
      %dma_wait3A_476 = tpu.memref_slice %arg2[%dma_wait3A_474, %dma_wait3A_475] : memref<10000x32xf32, #tpu.memory_space<hbm>> -> memref<10000x32xf32, #tpu.memory_space<hbm>>
      tpu.wait_indirect_dma semaphore(%arg21 : memref<!tpu.dma_semaphore, #tpu.memory_space<semaphore_mem>>) src(%dma_wait3A_476 : memref<10000x32xf32, #tpu.memory_space<hbm>>) dst(%dma_wait3A_471 : memref<80x32xf32, #tpu.memory_space<vmem>>)
      %dma_wait3A_477 = arith.constant 240 : i32
      %dma_wait3A_478 = arith.constant 0 : i32
      %dma_wait3A_479 = tpu.memref_slice %arg12[%dma_wait3A_477, %dma_wait3A_478] : memref<400x32xf32, #tpu.memory_space<vmem>> -> memref<80x32xf32, #tpu.memory_space<vmem>>
      %dma_wait3A_480 = arith.constant 240 : i32
      %dma_wait3A_481 = tpu.memref_slice %arg8[%dma_wait3A_480] : memref<400xi32, #tpu.memory_space<vmem>> -> memref<80xi32, #tpu.memory_space<vmem>>
      %dma_wait3A_482 = arith.constant 0 : i32
      %dma_wait3A_483 = arith.constant 0 : i32
      %dma_wait3A_484 = tpu.memref_slice %arg2[%dma_wait3A_482, %dma_wait3A_483] : memref<10000x32xf32, #tpu.memory_space<hbm>> -> memref<10000x32xf32, #tpu.memory_space<hbm>>
      tpu.wait_indirect_dma semaphore(%arg21 : memref<!tpu.dma_semaphore, #tpu.memory_space<semaphore_mem>>) src(%dma_wait3A_484 : memref<10000x32xf32, #tpu.memory_space<hbm>>) dst(%dma_wait3A_479 : memref<80x32xf32, #tpu.memory_space<vmem>>)
      %dma_wait3A_485 = arith.constant 240 : i32
      %dma_wait3A_486 = arith.constant 0 : i32
      %dma_wait3A_487 = tpu.memref_slice %arg13[%dma_wait3A_485, %dma_wait3A_486] : memref<400x32xf32, #tpu.memory_space<vmem>> -> memref<80x32xf32, #tpu.memory_space<vmem>>
      %dma_wait3A_488 = arith.constant 240 : i32
      %dma_wait3A_489 = tpu.memref_slice %arg9[%dma_wait3A_488] : memref<400xi32, #tpu.memory_space<vmem>> -> memref<80xi32, #tpu.memory_space<vmem>>
      %dma_wait3A_490 = arith.constant 0 : i32
      %dma_wait3A_491 = arith.constant 0 : i32
      %dma_wait3A_492 = tpu.memref_slice %arg2[%dma_wait3A_490, %dma_wait3A_491] : memref<10000x32xf32, #tpu.memory_space<hbm>> -> memref<10000x32xf32, #tpu.memory_space<hbm>>
      tpu.wait_indirect_dma semaphore(%arg21 : memref<!tpu.dma_semaphore, #tpu.memory_space<semaphore_mem>>) src(%dma_wait3A_492 : memref<10000x32xf32, #tpu.memory_space<hbm>>) dst(%dma_wait3A_487 : memref<80x32xf32, #tpu.memory_space<vmem>>)
      %dma_wait3A_493 = arith.constant 320 : i32
      %dma_wait3A_494 = arith.constant 0 : i32
      %dma_wait3A_495 = tpu.memref_slice %arg12[%dma_wait3A_493, %dma_wait3A_494] : memref<400x32xf32, #tpu.memory_space<vmem>> -> memref<80x32xf32, #tpu.memory_space<vmem>>
      %dma_wait3A_496 = arith.constant 320 : i32
      %dma_wait3A_497 = tpu.memref_slice %arg8[%dma_wait3A_496] : memref<400xi32, #tpu.memory_space<vmem>> -> memref<80xi32, #tpu.memory_space<vmem>>
      %dma_wait3A_498 = arith.constant 0 : i32
      %dma_wait3A_499 = arith.constant 0 : i32
      %dma_wait3A_500 = tpu.memref_slice %arg2[%dma_wait3A_498, %dma_wait3A_499] : memref<10000x32xf32, #tpu.memory_space<hbm>> -> memref<10000x32xf32, #tpu.memory_space<hbm>>
      tpu.wait_indirect_dma semaphore(%arg21 : memref<!tpu.dma_semaphore, #tpu.memory_space<semaphore_mem>>) src(%dma_wait3A_500 : memref<10000x32xf32, #tpu.memory_space<hbm>>) dst(%dma_wait3A_495 : memref<80x32xf32, #tpu.memory_space<vmem>>)
      %dma_wait3A_501 = arith.constant 320 : i32
      %dma_wait3A_502 = arith.constant 0 : i32
      %dma_wait3A_503 = tpu.memref_slice %arg13[%dma_wait3A_501, %dma_wait3A_502] : memref<400x32xf32, #tpu.memory_space<vmem>> -> memref<80x32xf32, #tpu.memory_space<vmem>>
      %dma_wait3A_504 = arith.constant 320 : i32
      %dma_wait3A_505 = tpu.memref_slice %arg9[%dma_wait3A_504] : memref<400xi32, #tpu.memory_space<vmem>> -> memref<80xi32, #tpu.memory_space<vmem>>
      %dma_wait3A_506 = arith.constant 0 : i32
      %dma_wait3A_507 = arith.constant 0 : i32
      %dma_wait3A_508 = tpu.memref_slice %arg2[%dma_wait3A_506, %dma_wait3A_507] : memref<10000x32xf32, #tpu.memory_space<hbm>> -> memref<10000x32xf32, #tpu.memory_space<hbm>>
      tpu.wait_indirect_dma semaphore(%arg21 : memref<!tpu.dma_semaphore, #tpu.memory_space<semaphore_mem>>) src(%dma_wait3A_508 : memref<10000x32xf32, #tpu.memory_space<hbm>>) dst(%dma_wait3A_503 : memref<80x32xf32, #tpu.memory_space<vmem>>)
      %get3A_509 = arith.constant 0 : index
      %get3A_510 = tpu.vector_load %arg8[%get3A_509] {strides = array<i32>} : memref<400xi32, #tpu.memory_space<vmem>>, vector<16xi32>,
      tpu.vector_store_idx %arg18[%get3A_510], %broadcast_in_dim3A_8 {add = true} : memref<10000xf32, #tpu.memory_space<vmem>>[vector<16xi32>], vector<16xf32>,
      %get3A_511 = arith.constant 16 : index
      %get3A_512 = tpu.vector_load %arg8[%get3A_511] {strides = array<i32>} : memref<400xi32, #tpu.memory_space<vmem>>, vector<16xi32>,
      tpu.vector_store_idx %arg18[%get3A_512], %broadcast_in_dim3A_8 {add = true} : memref<10000xf32, #tpu.memory_space<vmem>>[vector<16xi32>], vector<16xf32>,
      %get3A_513 = arith.constant 32 : index
      %get3A_514 = tpu.vector_load %arg8[%get3A_513] {strides = array<i32>} : memref<400xi32, #tpu.memory_space<vmem>>, vector<16xi32>,
      tpu.vector_store_idx %arg18[%get3A_514], %broadcast_in_dim3A_8 {add = true} : memref<10000xf32, #tpu.memory_space<vmem>>[vector<16xi32>], vector<16xf32>,
      %get3A_515 = arith.constant 48 : index
      %get3A_516 = tpu.vector_load %arg8[%get3A_515] {strides = array<i32>} : memref<400xi32, #tpu.memory_space<vmem>>, vector<16xi32>,
      tpu.vector_store_idx %arg18[%get3A_516], %broadcast_in_dim3A_8 {add = true} : memref<10000xf32, #tpu.memory_space<vmem>>[vector<16xi32>], vector<16xf32>,
      %get3A_517 = arith.constant 64 : index
      %get3A_518 = tpu.vector_load %arg8[%get3A_517] {strides = array<i32>} : memref<400xi32, #tpu.memory_space<vmem>>, vector<16xi32>,
      tpu.vector_store_idx %arg18[%get3A_518], %broadcast_in_dim3A_8 {add = true} : memref<10000xf32, #tpu.memory_space<vmem>>[vector<16xi32>], vector<16xf32>,
      %get3A_519 = arith.constant 80 : index
      %get3A_520 = tpu.vector_load %arg8[%get3A_519] {strides = array<i32>} : memref<400xi32, #tpu.memory_space<vmem>>, vector<16xi32>,
      tpu.vector_store_idx %arg18[%get3A_520], %broadcast_in_dim3A_8 {add = true} : memref<10000xf32, #tpu.memory_space<vmem>>[vector<16xi32>], vector<16xf32>,
      %get3A_521 = arith.constant 96 : index
      %get3A_522 = tpu.vector_load %arg8[%get3A_521] {strides = array<i32>} : memref<400xi32, #tpu.memory_space<vmem>>, vector<16xi32>,
      tpu.vector_store_idx %arg18[%get3A_522], %broadcast_in_dim3A_8 {add = true} : memref<10000xf32, #tpu.memory_space<vmem>>[vector<16xi32>], vector<16xf32>,
      %get3A_523 = arith.constant 112 : index
      %get3A_524 = tpu.vector_load %arg8[%get3A_523] {strides = array<i32>} : memref<400xi32, #tpu.memory_space<vmem>>, vector<16xi32>,
      tpu.vector_store_idx %arg18[%get3A_524], %broadcast_in_dim3A_8 {add = true} : memref<10000xf32, #tpu.memory_space<vmem>>[vector<16xi32>], vector<16xf32>,
      %get3A_525 = arith.constant 128 : index
      %get3A_526 = tpu.vector_load %arg8[%get3A_525] {strides = array<i32>} : memref<400xi32, #tpu.memory_space<vmem>>, vector<16xi32>,
      tpu.vector_store_idx %arg18[%get3A_526], %broadcast_in_dim3A_8 {add = true} : memref<10000xf32, #tpu.memory_space<vmem>>[vector<16xi32>], vector<16xf32>,
      %get3A_527 = arith.constant 144 : index
      %get3A_528 = tpu.vector_load %arg8[%get3A_527] {strides = array<i32>} : memref<400xi32, #tpu.memory_space<vmem>>, vector<16xi32>,
      tpu.vector_store_idx %arg18[%get3A_528], %broadcast_in_dim3A_8 {add = true} : memref<10000xf32, #tpu.memory_space<vmem>>[vector<16xi32>], vector<16xf32>,
      %get3A_529 = arith.constant 160 : index
      %get3A_530 = tpu.vector_load %arg8[%get3A_529] {strides = array<i32>} : memref<400xi32, #tpu.memory_space<vmem>>, vector<16xi32>,
      tpu.vector_store_idx %arg18[%get3A_530], %broadcast_in_dim3A_8 {add = true} : memref<10000xf32, #tpu.memory_space<vmem>>[vector<16xi32>], vector<16xf32>,
      %get3A_531 = arith.constant 176 : index
      %get3A_532 = tpu.vector_load %arg8[%get3A_531] {strides = array<i32>} : memref<400xi32, #tpu.memory_space<vmem>>, vector<16xi32>,
      tpu.vector_store_idx %arg18[%get3A_532], %broadcast_in_dim3A_8 {add = true} : memref<10000xf32, #tpu.memory_space<vmem>>[vector<16xi32>], vector<16xf32>,
      %get3A_533 = arith.constant 192 : index
      %get3A_534 = tpu.vector_load %arg8[%get3A_533] {strides = array<i32>} : memref<400xi32, #tpu.memory_space<vmem>>, vector<16xi32>,
      tpu.vector_store_idx %arg18[%get3A_534], %broadcast_in_dim3A_8 {add = true} : memref<10000xf32, #tpu.memory_space<vmem>>[vector<16xi32>], vector<16xf32>,
      %get3A_535 = arith.constant 208 : index
      %get3A_536 = tpu.vector_load %arg8[%get3A_535] {strides = array<i32>} : memref<400xi32, #tpu.memory_space<vmem>>, vector<16xi32>,
      tpu.vector_store_idx %arg18[%get3A_536], %broadcast_in_dim3A_8 {add = true} : memref<10000xf32, #tpu.memory_space<vmem>>[vector<16xi32>], vector<16xf32>,
      %get3A_537 = arith.constant 224 : index
      %get3A_538 = tpu.vector_load %arg8[%get3A_537] {strides = array<i32>} : memref<400xi32, #tpu.memory_space<vmem>>, vector<16xi32>,
      tpu.vector_store_idx %arg18[%get3A_538], %broadcast_in_dim3A_8 {add = true} : memref<10000xf32, #tpu.memory_space<vmem>>[vector<16xi32>], vector<16xf32>,
      %get3A_539 = arith.constant 240 : index
      %get3A_540 = tpu.vector_load %arg8[%get3A_539] {strides = array<i32>} : memref<400xi32, #tpu.memory_space<vmem>>, vector<16xi32>,
      tpu.vector_store_idx %arg18[%get3A_540], %broadcast_in_dim3A_8 {add = true} : memref<10000xf32, #tpu.memory_space<vmem>>[vector<16xi32>], vector<16xf32>,
      %get3A_541 = arith.constant 256 : index
      %get3A_542 = tpu.vector_load %arg8[%get3A_541] {strides = array<i32>} : memref<400xi32, #tpu.memory_space<vmem>>, vector<16xi32>,
      tpu.vector_store_idx %arg18[%get3A_542], %broadcast_in_dim3A_8 {add = true} : memref<10000xf32, #tpu.memory_space<vmem>>[vector<16xi32>], vector<16xf32>,
      %get3A_543 = arith.constant 272 : index
      %get3A_544 = tpu.vector_load %arg8[%get3A_543] {strides = array<i32>} : memref<400xi32, #tpu.memory_space<vmem>>, vector<16xi32>,
      tpu.vector_store_idx %arg18[%get3A_544], %broadcast_in_dim3A_8 {add = true} : memref<10000xf32, #tpu.memory_space<vmem>>[vector<16xi32>], vector<16xf32>,
      %get3A_545 = arith.constant 288 : index
      %get3A_546 = tpu.vector_load %arg8[%get3A_545] {strides = array<i32>} : memref<400xi32, #tpu.memory_space<vmem>>, vector<16xi32>,
      tpu.vector_store_idx %arg18[%get3A_546], %broadcast_in_dim3A_8 {add = true} : memref<10000xf32, #tpu.memory_space<vmem>>[vector<16xi32>], vector<16xf32>,
      %get3A_547 = arith.constant 304 : index
      %get3A_548 = tpu.vector_load %arg8[%get3A_547] {strides = array<i32>} : memref<400xi32, #tpu.memory_space<vmem>>, vector<16xi32>,
      tpu.vector_store_idx %arg18[%get3A_548], %broadcast_in_dim3A_8 {add = true} : memref<10000xf32, #tpu.memory_space<vmem>>[vector<16xi32>], vector<16xf32>,
      %get3A_549 = arith.constant 320 : index
      %get3A_550 = tpu.vector_load %arg8[%get3A_549] {strides = array<i32>} : memref<400xi32, #tpu.memory_space<vmem>>, vector<16xi32>,
      tpu.vector_store_idx %arg18[%get3A_550], %broadcast_in_dim3A_8 {add = true} : memref<10000xf32, #tpu.memory_space<vmem>>[vector<16xi32>], vector<16xf32>,
      %get3A_551 = arith.constant 336 : index
      %get3A_552 = tpu.vector_load %arg8[%get3A_551] {strides = array<i32>} : memref<400xi32, #tpu.memory_space<vmem>>, vector<16xi32>,
      tpu.vector_store_idx %arg18[%get3A_552], %broadcast_in_dim3A_8 {add = true} : memref<10000xf32, #tpu.memory_space<vmem>>[vector<16xi32>], vector<16xf32>,
      %get3A_553 = arith.constant 352 : index
      %get3A_554 = tpu.vector_load %arg8[%get3A_553] {strides = array<i32>} : memref<400xi32, #tpu.memory_space<vmem>>, vector<16xi32>,
      tpu.vector_store_idx %arg18[%get3A_554], %broadcast_in_dim3A_8 {add = true} : memref<10000xf32, #tpu.memory_space<vmem>>[vector<16xi32>], vector<16xf32>,
      %get3A_555 = arith.constant 368 : index
      %get3A_556 = tpu.vector_load %arg8[%get3A_555] {strides = array<i32>} : memref<400xi32, #tpu.memory_space<vmem>>, vector<16xi32>,
      tpu.vector_store_idx %arg18[%get3A_556], %broadcast_in_dim3A_8 {add = true} : memref<10000xf32, #tpu.memory_space<vmem>>[vector<16xi32>], vector<16xf32>,
      %get3A_557 = arith.constant 384 : index
      %get3A_558 = tpu.vector_load %arg8[%get3A_557] {strides = array<i32>} : memref<400xi32, #tpu.memory_space<vmem>>, vector<16xi32>,
      tpu.vector_store_idx %arg18[%get3A_558], %broadcast_in_dim3A_8 {add = true} : memref<10000xf32, #tpu.memory_space<vmem>>[vector<16xi32>], vector<16xf32>,
      %mul3A_559 = arith.constant 2 : i32
      %mul3A_560 = arith.muli %mul3A_559, %scan3A_314 : i32
      %mul3A_561 = arith.constant 400 : i32
      %mul3A_562 = arith.muli %mul3A_560, %mul3A_561 : i32
      %add3A_563 = arith.addi %mul3A_2, %mul3A_562 : i32
      %dma_start3A_564 = arith.constant 0 : i32
      %dma_start3A_565 = tpu.memref_slice %arg6[%add3A_563, %dma_start3A_564] : memref<320000x128xf32, #tpu.memory_space<hbm>> -> memref<400x32xf32, #tpu.memory_space<hbm>>
      %dma_start3A_566 = arith.constant 0 : i32
      %dma_start3A_567 = tpu.memref_slice %arg6[%add3A_563, %dma_start3A_566] : memref<320000x128xf32, #tpu.memory_space<hbm>> -> memref<400x32xf32, #tpu.memory_space<hbm>>
      tpu.enqueue_dma source(%arg12 : memref<400x32xf32, #tpu.memory_space<vmem>>) target(%dma_start3A_567 : memref<400x32xf32, #tpu.memory_space<hbm>>) target_semaphore(%arg22 : memref<!tpu.dma_semaphore, #tpu.memory_space<semaphore_mem>>)
      %dma_start3A_568 = arith.constant 32 : i32
      %dma_start3A_569 = tpu.memref_slice %arg6[%add3A_563, %dma_start3A_568] : memref<320000x128xf32, #tpu.memory_space<hbm>> -> memref<400x32xf32, #tpu.memory_space<hbm>>
      %dma_start3A_570 = arith.constant 32 : i32
      %dma_start3A_571 = tpu.memref_slice %arg6[%add3A_563, %dma_start3A_570] : memref<320000x128xf32, #tpu.memory_space<hbm>> -> memref<400x32xf32, #tpu.memory_space<hbm>>
      tpu.enqueue_dma source(%arg13 : memref<400x32xf32, #tpu.memory_space<vmem>>) target(%dma_start3A_571 : memref<400x32xf32, #tpu.memory_space<hbm>>) target_semaphore(%arg22 : memref<!tpu.dma_semaphore, #tpu.memory_space<semaphore_mem>>)
      %dma_start3A_572 = arith.constant 64 : i32
      %dma_start3A_573 = tpu.memref_slice %arg6[%add3A_563, %dma_start3A_572] : memref<320000x128xf32, #tpu.memory_space<hbm>> -> memref<400x16xf32, #tpu.memory_space<hbm>>
      %dma_start3A_574 = arith.constant 64 : i32
      %dma_start3A_575 = tpu.memref_slice %arg6[%add3A_563, %dma_start3A_574] : memref<320000x128xf32, #tpu.memory_space<hbm>> -> memref<400x16xf32, #tpu.memory_space<hbm>>
      tpu.enqueue_dma source(%arg16 : memref<400x16xf32, #tpu.memory_space<vmem>>) target(%dma_start3A_575 : memref<400x16xf32, #tpu.memory_space<hbm>>) target_semaphore(%arg22 : memref<!tpu.dma_semaphore, #tpu.memory_space<semaphore_mem>>)
      %gt3A_576 = arith.constant 0 : i32
      %gt3A_577 = arith.cmpi sgt, %scan3A_314, %gt3A_576 : i32
      %convert_element_type3A_578 = arith.extui %gt3A_577 : i1 to i32
      %cond3A_579 = arith.constant 0 : i32
      %cond3A_580 = arith.cmpi ne, %convert_element_type3A_578, %cond3A_579 : i32
      scf.if %cond3A_580 {
        %dma_wait3A_844 = arith.constant 0 : i32
        %dma_wait3A_845 = arith.constant 0 : i32
        %dma_wait3A_846 = tpu.memref_slice %arg6[%dma_wait3A_844, %dma_wait3A_845] : memref<320000x128xf32, #tpu.memory_space<hbm>> -> memref<400x32xf32, #tpu.memory_space<hbm>>
        %dma_wait3A_847 = arith.constant 0 : i32
        %dma_wait3A_848 = arith.constant 0 : i32
        %dma_wait3A_849 = tpu.memref_slice %arg6[%dma_wait3A_847, %dma_wait3A_848] : memref<320000x128xf32, #tpu.memory_space<hbm>> -> memref<400x32xf32, #tpu.memory_space<hbm>>
        tpu.wait_dma2 semaphore(%arg23 : memref<!tpu.dma_semaphore, #tpu.memory_space<semaphore_mem>>) src(%arg14 : memref<400x32xf32, #tpu.memory_space<vmem>>) dst(%dma_wait3A_849 : memref<400x32xf32, #tpu.memory_space<hbm>>)
        %dma_wait3A_850 = arith.constant 0 : i32
        %dma_wait3A_851 = arith.constant 32 : i32
        %dma_wait3A_852 = tpu.memref_slice %arg6[%dma_wait3A_850, %dma_wait3A_851] : memref<320000x128xf32, #tpu.memory_space<hbm>> -> memref<400x32xf32, #tpu.memory_space<hbm>>
        %dma_wait3A_853 = arith.constant 0 : i32
        %dma_wait3A_854 = arith.constant 32 : i32
        %dma_wait3A_855 = tpu.memref_slice %arg6[%dma_wait3A_853, %dma_wait3A_854] : memref<320000x128xf32, #tpu.memory_space<hbm>> -> memref<400x32xf32, #tpu.memory_space<hbm>>
        tpu.wait_dma2 semaphore(%arg23 : memref<!tpu.dma_semaphore, #tpu.memory_space<semaphore_mem>>) src(%arg15 : memref<400x32xf32, #tpu.memory_space<vmem>>) dst(%dma_wait3A_855 : memref<400x32xf32, #tpu.memory_space<hbm>>)
        %dma_wait3A_856 = arith.constant 0 : i32
        %dma_wait3A_857 = arith.constant 64 : i32
        %dma_wait3A_858 = tpu.memref_slice %arg6[%dma_wait3A_856, %dma_wait3A_857] : memref<320000x128xf32, #tpu.memory_space<hbm>> -> memref<400x16xf32, #tpu.memory_space<hbm>>
        %dma_wait3A_859 = arith.constant 0 : i32
        %dma_wait3A_860 = arith.constant 64 : i32
        %dma_wait3A_861 = tpu.memref_slice %arg6[%dma_wait3A_859, %dma_wait3A_860] : memref<320000x128xf32, #tpu.memory_space<hbm>> -> memref<400x16xf32, #tpu.memory_space<hbm>>
        tpu.wait_dma2 semaphore(%arg23 : memref<!tpu.dma_semaphore, #tpu.memory_space<semaphore_mem>>) src(%arg17 : memref<400x16xf32, #tpu.memory_space<vmem>>) dst(%dma_wait3A_861 : memref<400x16xf32, #tpu.memory_space<hbm>>)
      } else {
      }
      %dma_wait3A_581 = arith.constant 0 : i32
      %dma_wait3A_582 = tpu.memref_slice %arg3[%dma_wait3A_581] : memref<320000xi32, #tpu.memory_space<hbm>> -> memref<400xi32, #tpu.memory_space<hbm>>
      %dma_wait3A_583 = arith.constant 0 : i32
      %dma_wait3A_584 = tpu.memref_slice %arg3[%dma_wait3A_583] : memref<320000xi32, #tpu.memory_space<hbm>> -> memref<400xi32, #tpu.memory_space<hbm>>
      tpu.wait_dma2 semaphore(%arg20 : memref<!tpu.dma_semaphore, #tpu.memory_space<semaphore_mem>>) src(%dma_wait3A_584 : memref<400xi32, #tpu.memory_space<hbm>>) dst(%arg10 : memref<400xi32, #tpu.memory_space<vmem>>)
      %dma_wait3A_585 = arith.constant 0 : i32
      %dma_wait3A_586 = tpu.memref_slice %arg4[%dma_wait3A_585] : memref<320000xi32, #tpu.memory_space<hbm>> -> memref<400xi32, #tpu.memory_space<hbm>>
      %dma_wait3A_587 = arith.constant 0 : i32
      %dma_wait3A_588 = tpu.memref_slice %arg4[%dma_wait3A_587] : memref<320000xi32, #tpu.memory_space<hbm>> -> memref<400xi32, #tpu.memory_space<hbm>>
      tpu.wait_dma2 semaphore(%arg20 : memref<!tpu.dma_semaphore, #tpu.memory_space<semaphore_mem>>) src(%dma_wait3A_588 : memref<400xi32, #tpu.memory_space<hbm>>) dst(%arg11 : memref<400xi32, #tpu.memory_space<vmem>>)
      %mul3A_589 = arith.constant 2 : i32
      %mul3A_590 = arith.muli %mul3A_589, %scan3A_314 : i32
      %add3A_591 = arith.constant 1 : i32
      %add3A_592 = arith.addi %mul3A_590, %add3A_591 : i32
      %mul3A_593 = arith.constant 400 : i32
      %mul3A_594 = arith.muli %add3A_592, %mul3A_593 : i32
      %add3A_595 = arith.addi %mul3A_2, %mul3A_594 : i32
      %dma_start3A_596 = arith.constant 0 : i32
      %dma_start3A_597 = tpu.memref_slice %arg5[%add3A_595, %dma_start3A_596] : memref<320000x16xf32, #tpu.memory_space<hbm>> -> memref<400x16xf32, #tpu.memory_space<hbm>>
      %dma_start3A_598 = arith.constant 0 : i32
      %dma_start3A_599 = tpu.memref_slice %arg5[%add3A_595, %dma_start3A_598] : memref<320000x16xf32, #tpu.memory_space<hbm>> -> memref<400x16xf32, #tpu.memory_space<hbm>>
      tpu.enqueue_dma source(%dma_start3A_599 : memref<400x16xf32, #tpu.memory_space<hbm>>) target(%arg17 : memref<400x16xf32, #tpu.memory_space<vmem>>) target_semaphore(%arg21 : memref<!tpu.dma_semaphore, #tpu.memory_space<semaphore_mem>>)
      %dma_start3A_600 = arith.constant 0 : i32
      %dma_start3A_601 = arith.constant 0 : i32
      %dma_start3A_602 = tpu.memref_slice %arg14[%dma_start3A_600, %dma_start3A_601] : memref<400x32xf32, #tpu.memory_space<vmem>> -> memref<80x32xf32, #tpu.memory_space<vmem>>
      %dma_start3A_603 = arith.constant 0 : i32
      %dma_start3A_604 = tpu.memref_slice %arg10[%dma_start3A_603] : memref<400xi32, #tpu.memory_space<vmem>> -> memref<80xi32, #tpu.memory_space<vmem>>
      %dma_start3A_605 = arith.constant 0 : i32
      %dma_start3A_606 = arith.constant 0 : i32
      %dma_start3A_607 = tpu.memref_slice %arg2[%dma_start3A_605, %dma_start3A_606] : memref<10000x32xf32, #tpu.memory_space<hbm>> -> memref<10000x32xf32, #tpu.memory_space<hbm>>
      tpu.enqueue_indirect_dma source(%dma_start3A_607 : memref<10000x32xf32, #tpu.memory_space<hbm>>) target(%dma_start3A_602 : memref<80x32xf32, #tpu.memory_space<vmem>>) offsets(%dma_start3A_604 : memref<80xi32, #tpu.memory_space<vmem>>) semaphore(%arg21 : memref<!tpu.dma_semaphore, #tpu.memory_space<semaphore_mem>>)
      %dma_start3A_608 = arith.constant 0 : i32
      %dma_start3A_609 = arith.constant 0 : i32
      %dma_start3A_610 = tpu.memref_slice %arg15[%dma_start3A_608, %dma_start3A_609] : memref<400x32xf32, #tpu.memory_space<vmem>> -> memref<80x32xf32, #tpu.memory_space<vmem>>
      %dma_start3A_611 = arith.constant 0 : i32
      %dma_start3A_612 = tpu.memref_slice %arg11[%dma_start3A_611] : memref<400xi32, #tpu.memory_space<vmem>> -> memref<80xi32, #tpu.memory_space<vmem>>
      %dma_start3A_613 = arith.constant 0 : i32
      %dma_start3A_614 = arith.constant 0 : i32
      %dma_start3A_615 = tpu.memref_slice %arg2[%dma_start3A_613, %dma_start3A_614] : memref<10000x32xf32, #tpu.memory_space<hbm>> -> memref<10000x32xf32, #tpu.memory_space<hbm>>
      tpu.enqueue_indirect_dma source(%dma_start3A_615 : memref<10000x32xf32, #tpu.memory_space<hbm>>) target(%dma_start3A_610 : memref<80x32xf32, #tpu.memory_space<vmem>>) offsets(%dma_start3A_612 : memref<80xi32, #tpu.memory_space<vmem>>) semaphore(%arg21 : memref<!tpu.dma_semaphore, #tpu.memory_space<semaphore_mem>>)
      %dma_start3A_616 = arith.constant 80 : i32
      %dma_start3A_617 = arith.constant 0 : i32
      %dma_start3A_618 = tpu.memref_slice %arg14[%dma_start3A_616, %dma_start3A_617] : memref<400x32xf32, #tpu.memory_space<vmem>> -> memref<80x32xf32, #tpu.memory_space<vmem>>
      %dma_start3A_619 = arith.constant 80 : i32
      %dma_start3A_620 = tpu.memref_slice %arg10[%dma_start3A_619] : memref<400xi32, #tpu.memory_space<vmem>> -> memref<80xi32, #tpu.memory_space<vmem>>
      %dma_start3A_621 = arith.constant 0 : i32
      %dma_start3A_622 = arith.constant 0 : i32
      %dma_start3A_623 = tpu.memref_slice %arg2[%dma_start3A_621, %dma_start3A_622] : memref<10000x32xf32, #tpu.memory_space<hbm>> -> memref<10000x32xf32, #tpu.memory_space<hbm>>
      tpu.enqueue_indirect_dma source(%dma_start3A_623 : memref<10000x32xf32, #tpu.memory_space<hbm>>) target(%dma_start3A_618 : memref<80x32xf32, #tpu.memory_space<vmem>>) offsets(%dma_start3A_620 : memref<80xi32, #tpu.memory_space<vmem>>) semaphore(%arg21 : memref<!tpu.dma_semaphore, #tpu.memory_space<semaphore_mem>>)
      %dma_start3A_624 = arith.constant 80 : i32
      %dma_start3A_625 = arith.constant 0 : i32
      %dma_start3A_626 = tpu.memref_slice %arg15[%dma_start3A_624, %dma_start3A_625] : memref<400x32xf32, #tpu.memory_space<vmem>> -> memref<80x32xf32, #tpu.memory_space<vmem>>
      %dma_start3A_627 = arith.constant 80 : i32
      %dma_start3A_628 = tpu.memref_slice %arg11[%dma_start3A_627] : memref<400xi32, #tpu.memory_space<vmem>> -> memref<80xi32, #tpu.memory_space<vmem>>
      %dma_start3A_629 = arith.constant 0 : i32
      %dma_start3A_630 = arith.constant 0 : i32
      %dma_start3A_631 = tpu.memref_slice %arg2[%dma_start3A_629, %dma_start3A_630] : memref<10000x32xf32, #tpu.memory_space<hbm>> -> memref<10000x32xf32, #tpu.memory_space<hbm>>
      tpu.enqueue_indirect_dma source(%dma_start3A_631 : memref<10000x32xf32, #tpu.memory_space<hbm>>) target(%dma_start3A_626 : memref<80x32xf32, #tpu.memory_space<vmem>>) offsets(%dma_start3A_628 : memref<80xi32, #tpu.memory_space<vmem>>) semaphore(%arg21 : memref<!tpu.dma_semaphore, #tpu.memory_space<semaphore_mem>>)
      %dma_start3A_632 = arith.constant 160 : i32
      %dma_start3A_633 = arith.constant 0 : i32
      %dma_start3A_634 = tpu.memref_slice %arg14[%dma_start3A_632, %dma_start3A_633] : memref<400x32xf32, #tpu.memory_space<vmem>> -> memref<80x32xf32, #tpu.memory_space<vmem>>
      %dma_start3A_635 = arith.constant 160 : i32
      %dma_start3A_636 = tpu.memref_slice %arg10[%dma_start3A_635] : memref<400xi32, #tpu.memory_space<vmem>> -> memref<80xi32, #tpu.memory_space<vmem>>
      %dma_start3A_637 = arith.constant 0 : i32
      %dma_start3A_638 = arith.constant 0 : i32
      %dma_start3A_639 = tpu.memref_slice %arg2[%dma_start3A_637, %dma_start3A_638] : memref<10000x32xf32, #tpu.memory_space<hbm>> -> memref<10000x32xf32, #tpu.memory_space<hbm>>
      tpu.enqueue_indirect_dma source(%dma_start3A_639 : memref<10000x32xf32, #tpu.memory_space<hbm>>) target(%dma_start3A_634 : memref<80x32xf32, #tpu.memory_space<vmem>>) offsets(%dma_start3A_636 : memref<80xi32, #tpu.memory_space<vmem>>) semaphore(%arg21 : memref<!tpu.dma_semaphore, #tpu.memory_space<semaphore_mem>>)
      %dma_start3A_640 = arith.constant 160 : i32
      %dma_start3A_641 = arith.constant 0 : i32
      %dma_start3A_642 = tpu.memref_slice %arg15[%dma_start3A_640, %dma_start3A_641] : memref<400x32xf32, #tpu.memory_space<vmem>> -> memref<80x32xf32, #tpu.memory_space<vmem>>
      %dma_start3A_643 = arith.constant 160 : i32
      %dma_start3A_644 = tpu.memref_slice %arg11[%dma_start3A_643] : memref<400xi32, #tpu.memory_space<vmem>> -> memref<80xi32, #tpu.memory_space<vmem>>
      %dma_start3A_645 = arith.constant 0 : i32
      %dma_start3A_646 = arith.constant 0 : i32
      %dma_start3A_647 = tpu.memref_slice %arg2[%dma_start3A_645, %dma_start3A_646] : memref<10000x32xf32, #tpu.memory_space<hbm>> -> memref<10000x32xf32, #tpu.memory_space<hbm>>
      tpu.enqueue_indirect_dma source(%dma_start3A_647 : memref<10000x32xf32, #tpu.memory_space<hbm>>) target(%dma_start3A_642 : memref<80x32xf32, #tpu.memory_space<vmem>>) offsets(%dma_start3A_644 : memref<80xi32, #tpu.memory_space<vmem>>) semaphore(%arg21 : memref<!tpu.dma_semaphore, #tpu.memory_space<semaphore_mem>>)
      %dma_start3A_648 = arith.constant 240 : i32
      %dma_start3A_649 = arith.constant 0 : i32
      %dma_start3A_650 = tpu.memref_slice %arg14[%dma_start3A_648, %dma_start3A_649] : memref<400x32xf32, #tpu.memory_space<vmem>> -> memref<80x32xf32, #tpu.memory_space<vmem>>
      %dma_start3A_651 = arith.constant 240 : i32
      %dma_start3A_652 = tpu.memref_slice %arg10[%dma_start3A_651] : memref<400xi32, #tpu.memory_space<vmem>> -> memref<80xi32, #tpu.memory_space<vmem>>
      %dma_start3A_653 = arith.constant 0 : i32
      %dma_start3A_654 = arith.constant 0 : i32
      %dma_start3A_655 = tpu.memref_slice %arg2[%dma_start3A_653, %dma_start3A_654] : memref<10000x32xf32, #tpu.memory_space<hbm>> -> memref<10000x32xf32, #tpu.memory_space<hbm>>
      tpu.enqueue_indirect_dma source(%dma_start3A_655 : memref<10000x32xf32, #tpu.memory_space<hbm>>) target(%dma_start3A_650 : memref<80x32xf32, #tpu.memory_space<vmem>>) offsets(%dma_start3A_652 : memref<80xi32, #tpu.memory_space<vmem>>) semaphore(%arg21 : memref<!tpu.dma_semaphore, #tpu.memory_space<semaphore_mem>>)
      %dma_start3A_656 = arith.constant 240 : i32
      %dma_start3A_657 = arith.constant 0 : i32
      %dma_start3A_658 = tpu.memref_slice %arg15[%dma_start3A_656, %dma_start3A_657] : memref<400x32xf32, #tpu.memory_space<vmem>> -> memref<80x32xf32, #tpu.memory_space<vmem>>
      %dma_start3A_659 = arith.constant 240 : i32
      %dma_start3A_660 = tpu.memref_slice %arg11[%dma_start3A_659] : memref<400xi32, #tpu.memory_space<vmem>> -> memref<80xi32, #tpu.memory_space<vmem>>
      %dma_start3A_661 = arith.constant 0 : i32
      %dma_start3A_662 = arith.constant 0 : i32
      %dma_start3A_663 = tpu.memref_slice %arg2[%dma_start3A_661, %dma_start3A_662] : memref<10000x32xf32, #tpu.memory_space<hbm>> -> memref<10000x32xf32, #tpu.memory_space<hbm>>
      tpu.enqueue_indirect_dma source(%dma_start3A_663 : memref<10000x32xf32, #tpu.memory_space<hbm>>) target(%dma_start3A_658 : memref<80x32xf32, #tpu.memory_space<vmem>>) offsets(%dma_start3A_660 : memref<80xi32, #tpu.memory_space<vmem>>) semaphore(%arg21 : memref<!tpu.dma_semaphore, #tpu.memory_space<semaphore_mem>>)
      %dma_start3A_664 = arith.constant 320 : i32
      %dma_start3A_665 = arith.constant 0 : i32
      %dma_start3A_666 = tpu.memref_slice %arg14[%dma_start3A_664, %dma_start3A_665] : memref<400x32xf32, #tpu.memory_space<vmem>> -> memref<80x32xf32, #tpu.memory_space<vmem>>
      %dma_start3A_667 = arith.constant 320 : i32
      %dma_start3A_668 = tpu.memref_slice %arg10[%dma_start3A_667] : memref<400xi32, #tpu.memory_space<vmem>> -> memref<80xi32, #tpu.memory_space<vmem>>
      %dma_start3A_669 = arith.constant 0 : i32
      %dma_start3A_670 = arith.constant 0 : i32
      %dma_start3A_671 = tpu.memref_slice %arg2[%dma_start3A_669, %dma_start3A_670] : memref<10000x32xf32, #tpu.memory_space<hbm>> -> memref<10000x32xf32, #tpu.memory_space<hbm>>
      tpu.enqueue_indirect_dma source(%dma_start3A_671 : memref<10000x32xf32, #tpu.memory_space<hbm>>) target(%dma_start3A_666 : memref<80x32xf32, #tpu.memory_space<vmem>>) offsets(%dma_start3A_668 : memref<80xi32, #tpu.memory_space<vmem>>) semaphore(%arg21 : memref<!tpu.dma_semaphore, #tpu.memory_space<semaphore_mem>>)
      %dma_start3A_672 = arith.constant 320 : i32
      %dma_start3A_673 = arith.constant 0 : i32
      %dma_start3A_674 = tpu.memref_slice %arg15[%dma_start3A_672, %dma_start3A_673] : memref<400x32xf32, #tpu.memory_space<vmem>> -> memref<80x32xf32, #tpu.memory_space<vmem>>
      %dma_start3A_675 = arith.constant 320 : i32
      %dma_start3A_676 = tpu.memref_slice %arg11[%dma_start3A_675] : memref<400xi32, #tpu.memory_space<vmem>> -> memref<80xi32, #tpu.memory_space<vmem>>
      %dma_start3A_677 = arith.constant 0 : i32
      %dma_start3A_678 = arith.constant 0 : i32
      %dma_start3A_679 = tpu.memref_slice %arg2[%dma_start3A_677, %dma_start3A_678] : memref<10000x32xf32, #tpu.memory_space<hbm>> -> memref<10000x32xf32, #tpu.memory_space<hbm>>
      tpu.enqueue_indirect_dma source(%dma_start3A_679 : memref<10000x32xf32, #tpu.memory_space<hbm>>) target(%dma_start3A_674 : memref<80x32xf32, #tpu.memory_space<vmem>>) offsets(%dma_start3A_676 : memref<80xi32, #tpu.memory_space<vmem>>) semaphore(%arg21 : memref<!tpu.dma_semaphore, #tpu.memory_space<semaphore_mem>>)
      %mul3A_680 = arith.constant 2 : i32
      %mul3A_681 = arith.muli %mul3A_680, %scan3A_314 : i32
      %add3A_682 = arith.constant 2 : i32
      %add3A_683 = arith.addi %mul3A_681, %add3A_682 : i32
      %mul3A_684 = arith.constant 400 : i32
      %mul3A_685 = arith.muli %add3A_683, %mul3A_684 : i32
      %add3A_686 = arith.addi %mul3A_2, %mul3A_685 : i32
      %dma_start3A_687 = tpu.memref_slice %arg3[%add3A_686] : memref<320000xi32, #tpu.memory_space<hbm>> -> memref<400xi32, #tpu.memory_space<hbm>>
      %dma_start3A_688 = tpu.memref_slice %arg3[%add3A_686] : memref<320000xi32, #tpu.memory_space<hbm>> -> memref<400xi32, #tpu.memory_space<hbm>>
      tpu.enqueue_dma source(%dma_start3A_688 : memref<400xi32, #tpu.memory_space<hbm>>) target(%arg8 : memref<400xi32, #tpu.memory_space<vmem>>) target_semaphore(%arg19 : memref<!tpu.dma_semaphore, #tpu.memory_space<semaphore_mem>>)
      %dma_start3A_689 = tpu.memref_slice %arg4[%add3A_686] : memref<320000xi32, #tpu.memory_space<hbm>> -> memref<400xi32, #tpu.memory_space<hbm>>
      %dma_start3A_690 = tpu.memref_slice %arg4[%add3A_686] : memref<320000xi32, #tpu.memory_space<hbm>> -> memref<400xi32, #tpu.memory_space<hbm>>
      tpu.enqueue_dma source(%dma_start3A_690 : memref<400xi32, #tpu.memory_space<hbm>>) target(%arg9 : memref<400xi32, #tpu.memory_space<vmem>>) target_semaphore(%arg19 : memref<!tpu.dma_semaphore, #tpu.memory_space<semaphore_mem>>)
      %dma_wait3A_691 = arith.constant 0 : i32
      %dma_wait3A_692 = tpu.memref_slice %arg5[%add3A_595, %dma_wait3A_691] : memref<320000x16xf32, #tpu.memory_space<hbm>> -> memref<400x16xf32, #tpu.memory_space<hbm>>
      %dma_wait3A_693 = arith.constant 0 : i32
      %dma_wait3A_694 = tpu.memref_slice %arg5[%add3A_595, %dma_wait3A_693] : memref<320000x16xf32, #tpu.memory_space<hbm>> -> memref<400x16xf32, #tpu.memory_space<hbm>>
      tpu.wait_dma2 semaphore(%arg21 : memref<!tpu.dma_semaphore, #tpu.memory_space<semaphore_mem>>) src(%dma_wait3A_694 : memref<400x16xf32, #tpu.memory_space<hbm>>) dst(%arg17 : memref<400x16xf32, #tpu.memory_space<vmem>>)
      %dma_wait3A_695 = arith.constant 0 : i32
      %dma_wait3A_696 = arith.constant 0 : i32
      %dma_wait3A_697 = tpu.memref_slice %arg14[%dma_wait3A_695, %dma_wait3A_696] : memref<400x32xf32, #tpu.memory_space<vmem>> -> memref<80x32xf32, #tpu.memory_space<vmem>>
      %dma_wait3A_698 = arith.constant 0 : i32
      %dma_wait3A_699 = tpu.memref_slice %arg10[%dma_wait3A_698] : memref<400xi32, #tpu.memory_space<vmem>> -> memref<80xi32, #tpu.memory_space<vmem>>
      %dma_wait3A_700 = arith.constant 0 : i32
      %dma_wait3A_701 = arith.constant 0 : i32
      %dma_wait3A_702 = tpu.memref_slice %arg2[%dma_wait3A_700, %dma_wait3A_701] : memref<10000x32xf32, #tpu.memory_space<hbm>> -> memref<10000x32xf32, #tpu.memory_space<hbm>>
      tpu.wait_indirect_dma semaphore(%arg21 : memref<!tpu.dma_semaphore, #tpu.memory_space<semaphore_mem>>) src(%dma_wait3A_702 : memref<10000x32xf32, #tpu.memory_space<hbm>>) dst(%dma_wait3A_697 : memref<80x32xf32, #tpu.memory_space<vmem>>)
      %dma_wait3A_703 = arith.constant 0 : i32
      %dma_wait3A_704 = arith.constant 0 : i32
      %dma_wait3A_705 = tpu.memref_slice %arg15[%dma_wait3A_703, %dma_wait3A_704] : memref<400x32xf32, #tpu.memory_space<vmem>> -> memref<80x32xf32, #tpu.memory_space<vmem>>
      %dma_wait3A_706 = arith.constant 0 : i32
      %dma_wait3A_707 = tpu.memref_slice %arg11[%dma_wait3A_706] : memref<400xi32, #tpu.memory_space<vmem>> -> memref<80xi32, #tpu.memory_space<vmem>>
      %dma_wait3A_708 = arith.constant 0 : i32
      %dma_wait3A_709 = arith.constant 0 : i32
      %dma_wait3A_710 = tpu.memref_slice %arg2[%dma_wait3A_708, %dma_wait3A_709] : memref<10000x32xf32, #tpu.memory_space<hbm>> -> memref<10000x32xf32, #tpu.memory_space<hbm>>
      tpu.wait_indirect_dma semaphore(%arg21 : memref<!tpu.dma_semaphore, #tpu.memory_space<semaphore_mem>>) src(%dma_wait3A_710 : memref<10000x32xf32, #tpu.memory_space<hbm>>) dst(%dma_wait3A_705 : memref<80x32xf32, #tpu.memory_space<vmem>>)
      %dma_wait3A_711 = arith.constant 80 : i32
      %dma_wait3A_712 = arith.constant 0 : i32
      %dma_wait3A_713 = tpu.memref_slice %arg14[%dma_wait3A_711, %dma_wait3A_712] : memref<400x32xf32, #tpu.memory_space<vmem>> -> memref<80x32xf32, #tpu.memory_space<vmem>>
      %dma_wait3A_714 = arith.constant 80 : i32
      %dma_wait3A_715 = tpu.memref_slice %arg10[%dma_wait3A_714] : memref<400xi32, #tpu.memory_space<vmem>> -> memref<80xi32, #tpu.memory_space<vmem>>
      %dma_wait3A_716 = arith.constant 0 : i32
      %dma_wait3A_717 = arith.constant 0 : i32
      %dma_wait3A_718 = tpu.memref_slice %arg2[%dma_wait3A_716, %dma_wait3A_717] : memref<10000x32xf32, #tpu.memory_space<hbm>> -> memref<10000x32xf32, #tpu.memory_space<hbm>>
      tpu.wait_indirect_dma semaphore(%arg21 : memref<!tpu.dma_semaphore, #tpu.memory_space<semaphore_mem>>) src(%dma_wait3A_718 : memref<10000x32xf32, #tpu.memory_space<hbm>>) dst(%dma_wait3A_713 : memref<80x32xf32, #tpu.memory_space<vmem>>)
      %dma_wait3A_719 = arith.constant 80 : i32
      %dma_wait3A_720 = arith.constant 0 : i32
      %dma_wait3A_721 = tpu.memref_slice %arg15[%dma_wait3A_719, %dma_wait3A_720] : memref<400x32xf32, #tpu.memory_space<vmem>> -> memref<80x32xf32, #tpu.memory_space<vmem>>
      %dma_wait3A_722 = arith.constant 80 : i32
      %dma_wait3A_723 = tpu.memref_slice %arg11[%dma_wait3A_722] : memref<400xi32, #tpu.memory_space<vmem>> -> memref<80xi32, #tpu.memory_space<vmem>>
      %dma_wait3A_724 = arith.constant 0 : i32
      %dma_wait3A_725 = arith.constant 0 : i32
      %dma_wait3A_726 = tpu.memref_slice %arg2[%dma_wait3A_724, %dma_wait3A_725] : memref<10000x32xf32, #tpu.memory_space<hbm>> -> memref<10000x32xf32, #tpu.memory_space<hbm>>
      tpu.wait_indirect_dma semaphore(%arg21 : memref<!tpu.dma_semaphore, #tpu.memory_space<semaphore_mem>>) src(%dma_wait3A_726 : memref<10000x32xf32, #tpu.memory_space<hbm>>) dst(%dma_wait3A_721 : memref<80x32xf32, #tpu.memory_space<vmem>>)
      %dma_wait3A_727 = arith.constant 160 : i32
      %dma_wait3A_728 = arith.constant 0 : i32
      %dma_wait3A_729 = tpu.memref_slice %arg14[%dma_wait3A_727, %dma_wait3A_728] : memref<400x32xf32, #tpu.memory_space<vmem>> -> memref<80x32xf32, #tpu.memory_space<vmem>>
      %dma_wait3A_730 = arith.constant 160 : i32
      %dma_wait3A_731 = tpu.memref_slice %arg10[%dma_wait3A_730] : memref<400xi32, #tpu.memory_space<vmem>> -> memref<80xi32, #tpu.memory_space<vmem>>
      %dma_wait3A_732 = arith.constant 0 : i32
      %dma_wait3A_733 = arith.constant 0 : i32
      %dma_wait3A_734 = tpu.memref_slice %arg2[%dma_wait3A_732, %dma_wait3A_733] : memref<10000x32xf32, #tpu.memory_space<hbm>> -> memref<10000x32xf32, #tpu.memory_space<hbm>>
      tpu.wait_indirect_dma semaphore(%arg21 : memref<!tpu.dma_semaphore, #tpu.memory_space<semaphore_mem>>) src(%dma_wait3A_734 : memref<10000x32xf32, #tpu.memory_space<hbm>>) dst(%dma_wait3A_729 : memref<80x32xf32, #tpu.memory_space<vmem>>)
      %dma_wait3A_735 = arith.constant 160 : i32
      %dma_wait3A_736 = arith.constant 0 : i32
      %dma_wait3A_737 = tpu.memref_slice %arg15[%dma_wait3A_735, %dma_wait3A_736] : memref<400x32xf32, #tpu.memory_space<vmem>> -> memref<80x32xf32, #tpu.memory_space<vmem>>
      %dma_wait3A_738 = arith.constant 160 : i32
      %dma_wait3A_739 = tpu.memref_slice %arg11[%dma_wait3A_738] : memref<400xi32, #tpu.memory_space<vmem>> -> memref<80xi32, #tpu.memory_space<vmem>>
      %dma_wait3A_740 = arith.constant 0 : i32
      %dma_wait3A_741 = arith.constant 0 : i32
      %dma_wait3A_742 = tpu.memref_slice %arg2[%dma_wait3A_740, %dma_wait3A_741] : memref<10000x32xf32, #tpu.memory_space<hbm>> -> memref<10000x32xf32, #tpu.memory_space<hbm>>
      tpu.wait_indirect_dma semaphore(%arg21 : memref<!tpu.dma_semaphore, #tpu.memory_space<semaphore_mem>>) src(%dma_wait3A_742 : memref<10000x32xf32, #tpu.memory_space<hbm>>) dst(%dma_wait3A_737 : memref<80x32xf32, #tpu.memory_space<vmem>>)
      %dma_wait3A_743 = arith.constant 240 : i32
      %dma_wait3A_744 = arith.constant 0 : i32
      %dma_wait3A_745 = tpu.memref_slice %arg14[%dma_wait3A_743, %dma_wait3A_744] : memref<400x32xf32, #tpu.memory_space<vmem>> -> memref<80x32xf32, #tpu.memory_space<vmem>>
      %dma_wait3A_746 = arith.constant 240 : i32
      %dma_wait3A_747 = tpu.memref_slice %arg10[%dma_wait3A_746] : memref<400xi32, #tpu.memory_space<vmem>> -> memref<80xi32, #tpu.memory_space<vmem>>
      %dma_wait3A_748 = arith.constant 0 : i32
      %dma_wait3A_749 = arith.constant 0 : i32
      %dma_wait3A_750 = tpu.memref_slice %arg2[%dma_wait3A_748, %dma_wait3A_749] : memref<10000x32xf32, #tpu.memory_space<hbm>> -> memref<10000x32xf32, #tpu.memory_space<hbm>>
      tpu.wait_indirect_dma semaphore(%arg21 : memref<!tpu.dma_semaphore, #tpu.memory_space<semaphore_mem>>) src(%dma_wait3A_750 : memref<10000x32xf32, #tpu.memory_space<hbm>>) dst(%dma_wait3A_745 : memref<80x32xf32, #tpu.memory_space<vmem>>)
      %dma_wait3A_751 = arith.constant 240 : i32
      %dma_wait3A_752 = arith.constant 0 : i32
      %dma_wait3A_753 = tpu.memref_slice %arg15[%dma_wait3A_751, %dma_wait3A_752] : memref<400x32xf32, #tpu.memory_space<vmem>> -> memref<80x32xf32, #tpu.memory_space<vmem>>
      %dma_wait3A_754 = arith.constant 240 : i32
      %dma_wait3A_755 = tpu.memref_slice %arg11[%dma_wait3A_754] : memref<400xi32, #tpu.memory_space<vmem>> -> memref<80xi32, #tpu.memory_space<vmem>>
      %dma_wait3A_756 = arith.constant 0 : i32
      %dma_wait3A_757 = arith.constant 0 : i32
      %dma_wait3A_758 = tpu.memref_slice %arg2[%dma_wait3A_756, %dma_wait3A_757] : memref<10000x32xf32, #tpu.memory_space<hbm>> -> memref<10000x32xf32, #tpu.memory_space<hbm>>
      tpu.wait_indirect_dma semaphore(%arg21 : memref<!tpu.dma_semaphore, #tpu.memory_space<semaphore_mem>>) src(%dma_wait3A_758 : memref<10000x32xf32, #tpu.memory_space<hbm>>) dst(%dma_wait3A_753 : memref<80x32xf32, #tpu.memory_space<vmem>>)
      %dma_wait3A_759 = arith.constant 320 : i32
      %dma_wait3A_760 = arith.constant 0 : i32
      %dma_wait3A_761 = tpu.memref_slice %arg14[%dma_wait3A_759, %dma_wait3A_760] : memref<400x32xf32, #tpu.memory_space<vmem>> -> memref<80x32xf32, #tpu.memory_space<vmem>>
      %dma_wait3A_762 = arith.constant 320 : i32
      %dma_wait3A_763 = tpu.memref_slice %arg10[%dma_wait3A_762] : memref<400xi32, #tpu.memory_space<vmem>> -> memref<80xi32, #tpu.memory_space<vmem>>
      %dma_wait3A_764 = arith.constant 0 : i32
      %dma_wait3A_765 = arith.constant 0 : i32
      %dma_wait3A_766 = tpu.memref_slice %arg2[%dma_wait3A_764, %dma_wait3A_765] : memref<10000x32xf32, #tpu.memory_space<hbm>> -> memref<10000x32xf32, #tpu.memory_space<hbm>>
      tpu.wait_indirect_dma semaphore(%arg21 : memref<!tpu.dma_semaphore, #tpu.memory_space<semaphore_mem>>) src(%dma_wait3A_766 : memref<10000x32xf32, #tpu.memory_space<hbm>>) dst(%dma_wait3A_761 : memref<80x32xf32, #tpu.memory_space<vmem>>)
      %dma_wait3A_767 = arith.constant 320 : i32
      %dma_wait3A_768 = arith.constant 0 : i32
      %dma_wait3A_769 = tpu.memref_slice %arg15[%dma_wait3A_767, %dma_wait3A_768] : memref<400x32xf32, #tpu.memory_space<vmem>> -> memref<80x32xf32, #tpu.memory_space<vmem>>
      %dma_wait3A_770 = arith.constant 320 : i32
      %dma_wait3A_771 = tpu.memref_slice %arg11[%dma_wait3A_770] : memref<400xi32, #tpu.memory_space<vmem>> -> memref<80xi32, #tpu.memory_space<vmem>>
      %dma_wait3A_772 = arith.constant 0 : i32
      %dma_wait3A_773 = arith.constant 0 : i32
      %dma_wait3A_774 = tpu.memref_slice %arg2[%dma_wait3A_772, %dma_wait3A_773] : memref<10000x32xf32, #tpu.memory_space<hbm>> -> memref<10000x32xf32, #tpu.memory_space<hbm>>
      tpu.wait_indirect_dma semaphore(%arg21 : memref<!tpu.dma_semaphore, #tpu.memory_space<semaphore_mem>>) src(%dma_wait3A_774 : memref<10000x32xf32, #tpu.memory_space<hbm>>) dst(%dma_wait3A_769 : memref<80x32xf32, #tpu.memory_space<vmem>>)
      %get3A_775 = arith.constant 0 : index
      %get3A_776 = tpu.vector_load %arg10[%get3A_775] {strides = array<i32>} : memref<400xi32, #tpu.memory_space<vmem>>, vector<16xi32>,
      tpu.vector_store_idx %arg18[%get3A_776], %broadcast_in_dim3A_8 {add = true} : memref<10000xf32, #tpu.memory_space<vmem>>[vector<16xi32>], vector<16xf32>,
      %get3A_777 = arith.constant 16 : index
      %get3A_778 = tpu.vector_load %arg10[%get3A_777] {strides = array<i32>} : memref<400xi32, #tpu.memory_space<vmem>>, vector<16xi32>,
      tpu.vector_store_idx %arg18[%get3A_778], %broadcast_in_dim3A_8 {add = true} : memref<10000xf32, #tpu.memory_space<vmem>>[vector<16xi32>], vector<16xf32>,
      %get3A_779 = arith.constant 32 : index
      %get3A_780 = tpu.vector_load %arg10[%get3A_779] {strides = array<i32>} : memref<400xi32, #tpu.memory_space<vmem>>, vector<16xi32>,
      tpu.vector_store_idx %arg18[%get3A_780], %broadcast_in_dim3A_8 {add = true} : memref<10000xf32, #tpu.memory_space<vmem>>[vector<16xi32>], vector<16xf32>,
      %get3A_781 = arith.constant 48 : index
      %get3A_782 = tpu.vector_load %arg10[%get3A_781] {strides = array<i32>} : memref<400xi32, #tpu.memory_space<vmem>>, vector<16xi32>,
      tpu.vector_store_idx %arg18[%get3A_782], %broadcast_in_dim3A_8 {add = true} : memref<10000xf32, #tpu.memory_space<vmem>>[vector<16xi32>], vector<16xf32>,
      %get3A_783 = arith.constant 64 : index
      %get3A_784 = tpu.vector_load %arg10[%get3A_783] {strides = array<i32>} : memref<400xi32, #tpu.memory_space<vmem>>, vector<16xi32>,
      tpu.vector_store_idx %arg18[%get3A_784], %broadcast_in_dim3A_8 {add = true} : memref<10000xf32, #tpu.memory_space<vmem>>[vector<16xi32>], vector<16xf32>,
      %get3A_785 = arith.constant 80 : index
      %get3A_786 = tpu.vector_load %arg10[%get3A_785] {strides = array<i32>} : memref<400xi32, #tpu.memory_space<vmem>>, vector<16xi32>,
      tpu.vector_store_idx %arg18[%get3A_786], %broadcast_in_dim3A_8 {add = true} : memref<10000xf32, #tpu.memory_space<vmem>>[vector<16xi32>], vector<16xf32>,
      %get3A_787 = arith.constant 96 : index
      %get3A_788 = tpu.vector_load %arg10[%get3A_787] {strides = array<i32>} : memref<400xi32, #tpu.memory_space<vmem>>, vector<16xi32>,
      tpu.vector_store_idx %arg18[%get3A_788], %broadcast_in_dim3A_8 {add = true} : memref<10000xf32, #tpu.memory_space<vmem>>[vector<16xi32>], vector<16xf32>,
      %get3A_789 = arith.constant 112 : index
      %get3A_790 = tpu.vector_load %arg10[%get3A_789] {strides = array<i32>} : memref<400xi32, #tpu.memory_space<vmem>>, vector<16xi32>,
      tpu.vector_store_idx %arg18[%get3A_790], %broadcast_in_dim3A_8 {add = true} : memref<10000xf32, #tpu.memory_space<vmem>>[vector<16xi32>], vector<16xf32>,
      %get3A_791 = arith.constant 128 : index
      %get3A_792 = tpu.vector_load %arg10[%get3A_791] {strides = array<i32>} : memref<400xi32, #tpu.memory_space<vmem>>, vector<16xi32>,
      tpu.vector_store_idx %arg18[%get3A_792], %broadcast_in_dim3A_8 {add = true} : memref<10000xf32, #tpu.memory_space<vmem>>[vector<16xi32>], vector<16xf32>,
      %get3A_793 = arith.constant 144 : index
      %get3A_794 = tpu.vector_load %arg10[%get3A_793] {strides = array<i32>} : memref<400xi32, #tpu.memory_space<vmem>>, vector<16xi32>,
      tpu.vector_store_idx %arg18[%get3A_794], %broadcast_in_dim3A_8 {add = true} : memref<10000xf32, #tpu.memory_space<vmem>>[vector<16xi32>], vector<16xf32>,
      %get3A_795 = arith.constant 160 : index
      %get3A_796 = tpu.vector_load %arg10[%get3A_795] {strides = array<i32>} : memref<400xi32, #tpu.memory_space<vmem>>, vector<16xi32>,
      tpu.vector_store_idx %arg18[%get3A_796], %broadcast_in_dim3A_8 {add = true} : memref<10000xf32, #tpu.memory_space<vmem>>[vector<16xi32>], vector<16xf32>,
      %get3A_797 = arith.constant 176 : index
      %get3A_798 = tpu.vector_load %arg10[%get3A_797] {strides = array<i32>} : memref<400xi32, #tpu.memory_space<vmem>>, vector<16xi32>,
      tpu.vector_store_idx %arg18[%get3A_798], %broadcast_in_dim3A_8 {add = true} : memref<10000xf32, #tpu.memory_space<vmem>>[vector<16xi32>], vector<16xf32>,
      %get3A_799 = arith.constant 192 : index
      %get3A_800 = tpu.vector_load %arg10[%get3A_799] {strides = array<i32>} : memref<400xi32, #tpu.memory_space<vmem>>, vector<16xi32>,
      tpu.vector_store_idx %arg18[%get3A_800], %broadcast_in_dim3A_8 {add = true} : memref<10000xf32, #tpu.memory_space<vmem>>[vector<16xi32>], vector<16xf32>,
      %get3A_801 = arith.constant 208 : index
      %get3A_802 = tpu.vector_load %arg10[%get3A_801] {strides = array<i32>} : memref<400xi32, #tpu.memory_space<vmem>>, vector<16xi32>,
      tpu.vector_store_idx %arg18[%get3A_802], %broadcast_in_dim3A_8 {add = true} : memref<10000xf32, #tpu.memory_space<vmem>>[vector<16xi32>], vector<16xf32>,
      %get3A_803 = arith.constant 224 : index
      %get3A_804 = tpu.vector_load %arg10[%get3A_803] {strides = array<i32>} : memref<400xi32, #tpu.memory_space<vmem>>, vector<16xi32>,
      tpu.vector_store_idx %arg18[%get3A_804], %broadcast_in_dim3A_8 {add = true} : memref<10000xf32, #tpu.memory_space<vmem>>[vector<16xi32>], vector<16xf32>,
      %get3A_805 = arith.constant 240 : index
      %get3A_806 = tpu.vector_load %arg10[%get3A_805] {strides = array<i32>} : memref<400xi32, #tpu.memory_space<vmem>>, vector<16xi32>,
      tpu.vector_store_idx %arg18[%get3A_806], %broadcast_in_dim3A_8 {add = true} : memref<10000xf32, #tpu.memory_space<vmem>>[vector<16xi32>], vector<16xf32>,
      %get3A_807 = arith.constant 256 : index
      %get3A_808 = tpu.vector_load %arg10[%get3A_807] {strides = array<i32>} : memref<400xi32, #tpu.memory_space<vmem>>, vector<16xi32>,
      tpu.vector_store_idx %arg18[%get3A_808], %broadcast_in_dim3A_8 {add = true} : memref<10000xf32, #tpu.memory_space<vmem>>[vector<16xi32>], vector<16xf32>,
      %get3A_809 = arith.constant 272 : index
      %get3A_810 = tpu.vector_load %arg10[%get3A_809] {strides = array<i32>} : memref<400xi32, #tpu.memory_space<vmem>>, vector<16xi32>,
      tpu.vector_store_idx %arg18[%get3A_810], %broadcast_in_dim3A_8 {add = true} : memref<10000xf32, #tpu.memory_space<vmem>>[vector<16xi32>], vector<16xf32>,
      %get3A_811 = arith.constant 288 : index
      %get3A_812 = tpu.vector_load %arg10[%get3A_811] {strides = array<i32>} : memref<400xi32, #tpu.memory_space<vmem>>, vector<16xi32>,
      tpu.vector_store_idx %arg18[%get3A_812], %broadcast_in_dim3A_8 {add = true} : memref<10000xf32, #tpu.memory_space<vmem>>[vector<16xi32>], vector<16xf32>,
      %get3A_813 = arith.constant 304 : index
      %get3A_814 = tpu.vector_load %arg10[%get3A_813] {strides = array<i32>} : memref<400xi32, #tpu.memory_space<vmem>>, vector<16xi32>,
      tpu.vector_store_idx %arg18[%get3A_814], %broadcast_in_dim3A_8 {add = true} : memref<10000xf32, #tpu.memory_space<vmem>>[vector<16xi32>], vector<16xf32>,
      %get3A_815 = arith.constant 320 : index
      %get3A_816 = tpu.vector_load %arg10[%get3A_815] {strides = array<i32>} : memref<400xi32, #tpu.memory_space<vmem>>, vector<16xi32>,
      tpu.vector_store_idx %arg18[%get3A_816], %broadcast_in_dim3A_8 {add = true} : memref<10000xf32, #tpu.memory_space<vmem>>[vector<16xi32>], vector<16xf32>,
      %get3A_817 = arith.constant 336 : index
      %get3A_818 = tpu.vector_load %arg10[%get3A_817] {strides = array<i32>} : memref<400xi32, #tpu.memory_space<vmem>>, vector<16xi32>,
      tpu.vector_store_idx %arg18[%get3A_818], %broadcast_in_dim3A_8 {add = true} : memref<10000xf32, #tpu.memory_space<vmem>>[vector<16xi32>], vector<16xf32>,
      %get3A_819 = arith.constant 352 : index
      %get3A_820 = tpu.vector_load %arg10[%get3A_819] {strides = array<i32>} : memref<400xi32, #tpu.memory_space<vmem>>, vector<16xi32>,
      tpu.vector_store_idx %arg18[%get3A_820], %broadcast_in_dim3A_8 {add = true} : memref<10000xf32, #tpu.memory_space<vmem>>[vector<16xi32>], vector<16xf32>,
      %get3A_821 = arith.constant 368 : index
      %get3A_822 = tpu.vector_load %arg10[%get3A_821] {strides = array<i32>} : memref<400xi32, #tpu.memory_space<vmem>>, vector<16xi32>,
      tpu.vector_store_idx %arg18[%get3A_822], %broadcast_in_dim3A_8 {add = true} : memref<10000xf32, #tpu.memory_space<vmem>>[vector<16xi32>], vector<16xf32>,
      %get3A_823 = arith.constant 384 : index
      %get3A_824 = tpu.vector_load %arg10[%get3A_823] {strides = array<i32>} : memref<400xi32, #tpu.memory_space<vmem>>, vector<16xi32>,
      tpu.vector_store_idx %arg18[%get3A_824], %broadcast_in_dim3A_8 {add = true} : memref<10000xf32, #tpu.memory_space<vmem>>[vector<16xi32>], vector<16xf32>,
      %mul3A_825 = arith.constant 2 : i32
      %mul3A_826 = arith.muli %mul3A_825, %scan3A_314 : i32
      %add3A_827 = arith.constant 1 : i32
      %add3A_828 = arith.addi %mul3A_826, %add3A_827 : i32
      %mul3A_829 = arith.constant 400 : i32
      %mul3A_830 = arith.muli %add3A_828, %mul3A_829 : i32
      %add3A_831 = arith.addi %mul3A_2, %mul3A_830 : i32
      %dma_start3A_832 = arith.constant 0 : i32
      %dma_start3A_833 = tpu.memref_slice %arg6[%add3A_831, %dma_start3A_832] : memref<320000x128xf32, #tpu.memory_space<hbm>> -> memref<400x32xf32, #tpu.memory_space<hbm>>
      %dma_start3A_834 = arith.constant 0 : i32
      %dma_start3A_835 = tpu.memref_slice %arg6[%add3A_831, %dma_start3A_834] : memref<320000x128xf32, #tpu.memory_space<hbm>> -> memref<400x32xf32, #tpu.memory_space<hbm>>
      tpu.enqueue_dma source(%arg14 : memref<400x32xf32, #tpu.memory_space<vmem>>) target(%dma_start3A_835 : memref<400x32xf32, #tpu.memory_space<hbm>>) target_semaphore(%arg23 : memref<!tpu.dma_semaphore, #tpu.memory_space<semaphore_mem>>)
      %dma_start3A_836 = arith.constant 32 : i32
      %dma_start3A_837 = tpu.memref_slice %arg6[%add3A_831, %dma_start3A_836] : memref<320000x128xf32, #tpu.memory_space<hbm>> -> memref<400x32xf32, #tpu.memory_space<hbm>>
      %dma_start3A_838 = arith.constant 32 : i32
      %dma_start3A_839 = tpu.memref_slice %arg6[%add3A_831, %dma_start3A_838] : memref<320000x128xf32, #tpu.memory_space<hbm>> -> memref<400x32xf32, #tpu.memory_space<hbm>>
      tpu.enqueue_dma source(%arg15 : memref<400x32xf32, #tpu.memory_space<vmem>>) target(%dma_start3A_839 : memref<400x32xf32, #tpu.memory_space<hbm>>) target_semaphore(%arg23 : memref<!tpu.dma_semaphore, #tpu.memory_space<semaphore_mem>>)
      %dma_start3A_840 = arith.constant 64 : i32
      %dma_start3A_841 = tpu.memref_slice %arg6[%add3A_831, %dma_start3A_840] : memref<320000x128xf32, #tpu.memory_space<hbm>> -> memref<400x16xf32, #tpu.memory_space<hbm>>
      %dma_start3A_842 = arith.constant 64 : i32
      %dma_start3A_843 = tpu.memref_slice %arg6[%add3A_831, %dma_start3A_842] : memref<320000x128xf32, #tpu.memory_space<hbm>> -> memref<400x16xf32, #tpu.memory_space<hbm>>
      tpu.enqueue_dma source(%arg17 : memref<400x16xf32, #tpu.memory_space<vmem>>) target(%dma_start3A_843 : memref<400x16xf32, #tpu.memory_space<hbm>>) target_semaphore(%arg23 : memref<!tpu.dma_semaphore, #tpu.memory_space<semaphore_mem>>)
    }
    %scan3A_19 = arith.constant 12 : i32
    %dma_wait3A = arith.constant 0 : i32
    %dma_wait3A_20 = arith.constant 0 : i32
    %dma_wait3A_21 = tpu.memref_slice %arg6[%dma_wait3A, %dma_wait3A_20] : memref<320000x128xf32, #tpu.memory_space<hbm>> -> memref<400x32xf32, #tpu.memory_space<hbm>>
    %dma_wait3A_22 = arith.constant 0 : i32
    %dma_wait3A_23 = arith.constant 0 : i32
    %dma_wait3A_24 = tpu.memref_slice %arg6[%dma_wait3A_22, %dma_wait3A_23] : memref<320000x128xf32, #tpu.memory_space<hbm>> -> memref<400x32xf32, #tpu.memory_space<hbm>>
    tpu.wait_dma2 semaphore(%arg22 : memref<!tpu.dma_semaphore, #tpu.memory_space<semaphore_mem>>) src(%arg12 : memref<400x32xf32, #tpu.memory_space<vmem>>) dst(%dma_wait3A_24 : memref<400x32xf32, #tpu.memory_space<hbm>>)
    %dma_wait3A_25 = arith.constant 0 : i32
    %dma_wait3A_26 = arith.constant 32 : i32
    %dma_wait3A_27 = tpu.memref_slice %arg6[%dma_wait3A_25, %dma_wait3A_26] : memref<320000x128xf32, #tpu.memory_space<hbm>> -> memref<400x32xf32, #tpu.memory_space<hbm>>
    %dma_wait3A_28 = arith.constant 0 : i32
    %dma_wait3A_29 = arith.constant 32 : i32
    %dma_wait3A_30 = tpu.memref_slice %arg6[%dma_wait3A_28, %dma_wait3A_29] : memref<320000x128xf32, #tpu.memory_space<hbm>> -> memref<400x32xf32, #tpu.memory_space<hbm>>
    tpu.wait_dma2 semaphore(%arg22 : memref<!tpu.dma_semaphore, #tpu.memory_space<semaphore_mem>>) src(%arg13 : memref<400x32xf32, #tpu.memory_space<vmem>>) dst(%dma_wait3A_30 : memref<400x32xf32, #tpu.memory_space<hbm>>)
    %dma_wait3A_31 = arith.constant 0 : i32
    %dma_wait3A_32 = arith.constant 64 : i32
    %dma_wait3A_33 = tpu.memref_slice %arg6[%dma_wait3A_31, %dma_wait3A_32] : memref<320000x128xf32, #tpu.memory_space<hbm>> -> memref<400x16xf32, #tpu.memory_space<hbm>>
    %dma_wait3A_34 = arith.constant 0 : i32
    %dma_wait3A_35 = arith.constant 64 : i32
    %dma_wait3A_36 = tpu.memref_slice %arg6[%dma_wait3A_34, %dma_wait3A_35] : memref<320000x128xf32, #tpu.memory_space<hbm>> -> memref<400x16xf32, #tpu.memory_space<hbm>>
    tpu.wait_dma2 semaphore(%arg22 : memref<!tpu.dma_semaphore, #tpu.memory_space<semaphore_mem>>) src(%arg16 : memref<400x16xf32, #tpu.memory_space<vmem>>) dst(%dma_wait3A_36 : memref<400x16xf32, #tpu.memory_space<hbm>>)
    %dma_wait3A_37 = arith.constant 0 : i32
    %dma_wait3A_38 = tpu.memref_slice %arg3[%dma_wait3A_37] : memref<320000xi32, #tpu.memory_space<hbm>> -> memref<400xi32, #tpu.memory_space<hbm>>
    %dma_wait3A_39 = arith.constant 0 : i32
    %dma_wait3A_40 = tpu.memref_slice %arg3[%dma_wait3A_39] : memref<320000xi32, #tpu.memory_space<hbm>> -> memref<400xi32, #tpu.memory_space<hbm>>
    tpu.wait_dma2 semaphore(%arg19 : memref<!tpu.dma_semaphore, #tpu.memory_space<semaphore_mem>>) src(%dma_wait3A_40 : memref<400xi32, #tpu.memory_space<hbm>>) dst(%arg8 : memref<400xi32, #tpu.memory_space<vmem>>)
    %dma_wait3A_41 = arith.constant 0 : i32
    %dma_wait3A_42 = tpu.memref_slice %arg4[%dma_wait3A_41] : memref<320000xi32, #tpu.memory_space<hbm>> -> memref<400xi32, #tpu.memory_space<hbm>>
    %dma_wait3A_43 = arith.constant 0 : i32
    %dma_wait3A_44 = tpu.memref_slice %arg4[%dma_wait3A_43] : memref<320000xi32, #tpu.memory_space<hbm>> -> memref<400xi32, #tpu.memory_space<hbm>>
    tpu.wait_dma2 semaphore(%arg19 : memref<!tpu.dma_semaphore, #tpu.memory_space<semaphore_mem>>) src(%dma_wait3A_44 : memref<400xi32, #tpu.memory_space<hbm>>) dst(%arg9 : memref<400xi32, #tpu.memory_space<vmem>>)
    %add3A_45 = arith.constant 9600 : i32
    %add3A_46 = arith.addi %mul3A_2, %add3A_45 : i32
    %dma_start3A_47 = arith.constant 0 : i32
    %dma_start3A_48 = tpu.memref_slice %arg5[%add3A_46, %dma_start3A_47] : memref<320000x16xf32, #tpu.memory_space<hbm>> -> memref<400x16xf32, #tpu.memory_space<hbm>>
    %dma_start3A_49 = arith.constant 0 : i32
    %dma_start3A_50 = tpu.memref_slice %arg5[%add3A_46, %dma_start3A_49] : memref<320000x16xf32, #tpu.memory_space<hbm>> -> memref<400x16xf32, #tpu.memory_space<hbm>>
    tpu.enqueue_dma source(%dma_start3A_50 : memref<400x16xf32, #tpu.memory_space<hbm>>) target(%arg16 : memref<400x16xf32, #tpu.memory_space<vmem>>) target_semaphore(%arg21 : memref<!tpu.dma_semaphore, #tpu.memory_space<semaphore_mem>>)
    %dma_start3A_51 = arith.constant 0 : i32
    %dma_start3A_52 = arith.constant 0 : i32
    %dma_start3A_53 = tpu.memref_slice %arg12[%dma_start3A_51, %dma_start3A_52] : memref<400x32xf32, #tpu.memory_space<vmem>> -> memref<80x32xf32, #tpu.memory_space<vmem>>
    %dma_start3A_54 = arith.constant 0 : i32
    %dma_start3A_55 = tpu.memref_slice %arg8[%dma_start3A_54] : memref<400xi32, #tpu.memory_space<vmem>> -> memref<80xi32, #tpu.memory_space<vmem>>
    %dma_start3A_56 = arith.constant 0 : i32
    %dma_start3A_57 = arith.constant 0 : i32
    %dma_start3A_58 = tpu.memref_slice %arg2[%dma_start3A_56, %dma_start3A_57] : memref<10000x32xf32, #tpu.memory_space<hbm>> -> memref<10000x32xf32, #tpu.memory_space<hbm>>
    tpu.enqueue_indirect_dma source(%dma_start3A_58 : memref<10000x32xf32, #tpu.memory_space<hbm>>) target(%dma_start3A_53 : memref<80x32xf32, #tpu.memory_space<vmem>>) offsets(%dma_start3A_55 : memref<80xi32, #tpu.memory_space<vmem>>) semaphore(%arg21 : memref<!tpu.dma_semaphore, #tpu.memory_space<semaphore_mem>>)
    %dma_start3A_59 = arith.constant 0 : i32
    %dma_start3A_60 = arith.constant 0 : i32
    %dma_start3A_61 = tpu.memref_slice %arg13[%dma_start3A_59, %dma_start3A_60] : memref<400x32xf32, #tpu.memory_space<vmem>> -> memref<80x32xf32, #tpu.memory_space<vmem>>
    %dma_start3A_62 = arith.constant 0 : i32
    %dma_start3A_63 = tpu.memref_slice %arg9[%dma_start3A_62] : memref<400xi32, #tpu.memory_space<vmem>> -> memref<80xi32, #tpu.memory_space<vmem>>
    %dma_start3A_64 = arith.constant 0 : i32
    %dma_start3A_65 = arith.constant 0 : i32
    %dma_start3A_66 = tpu.memref_slice %arg2[%dma_start3A_64, %dma_start3A_65] : memref<10000x32xf32, #tpu.memory_space<hbm>> -> memref<10000x32xf32, #tpu.memory_space<hbm>>
    tpu.enqueue_indirect_dma source(%dma_start3A_66 : memref<10000x32xf32, #tpu.memory_space<hbm>>) target(%dma_start3A_61 : memref<80x32xf32, #tpu.memory_space<vmem>>) offsets(%dma_start3A_63 : memref<80xi32, #tpu.memory_space<vmem>>) semaphore(%arg21 : memref<!tpu.dma_semaphore, #tpu.memory_space<semaphore_mem>>)
    %dma_start3A_67 = arith.constant 80 : i32
    %dma_start3A_68 = arith.constant 0 : i32
    %dma_start3A_69 = tpu.memref_slice %arg12[%dma_start3A_67, %dma_start3A_68] : memref<400x32xf32, #tpu.memory_space<vmem>> -> memref<80x32xf32, #tpu.memory_space<vmem>>
    %dma_start3A_70 = arith.constant 80 : i32
    %dma_start3A_71 = tpu.memref_slice %arg8[%dma_start3A_70] : memref<400xi32, #tpu.memory_space<vmem>> -> memref<80xi32, #tpu.memory_space<vmem>>
    %dma_start3A_72 = arith.constant 0 : i32
    %dma_start3A_73 = arith.constant 0 : i32
    %dma_start3A_74 = tpu.memref_slice %arg2[%dma_start3A_72, %dma_start3A_73] : memref<10000x32xf32, #tpu.memory_space<hbm>> -> memref<10000x32xf32, #tpu.memory_space<hbm>>
    tpu.enqueue_indirect_dma source(%dma_start3A_74 : memref<10000x32xf32, #tpu.memory_space<hbm>>) target(%dma_start3A_69 : memref<80x32xf32, #tpu.memory_space<vmem>>) offsets(%dma_start3A_71 : memref<80xi32, #tpu.memory_space<vmem>>) semaphore(%arg21 : memref<!tpu.dma_semaphore, #tpu.memory_space<semaphore_mem>>)
    %dma_start3A_75 = arith.constant 80 : i32
    %dma_start3A_76 = arith.constant 0 : i32
    %dma_start3A_77 = tpu.memref_slice %arg13[%dma_start3A_75, %dma_start3A_76] : memref<400x32xf32, #tpu.memory_space<vmem>> -> memref<80x32xf32, #tpu.memory_space<vmem>>
    %dma_start3A_78 = arith.constant 80 : i32
    %dma_start3A_79 = tpu.memref_slice %arg9[%dma_start3A_78] : memref<400xi32, #tpu.memory_space<vmem>> -> memref<80xi32, #tpu.memory_space<vmem>>
    %dma_start3A_80 = arith.constant 0 : i32
    %dma_start3A_81 = arith.constant 0 : i32
    %dma_start3A_82 = tpu.memref_slice %arg2[%dma_start3A_80, %dma_start3A_81] : memref<10000x32xf32, #tpu.memory_space<hbm>> -> memref<10000x32xf32, #tpu.memory_space<hbm>>
    tpu.enqueue_indirect_dma source(%dma_start3A_82 : memref<10000x32xf32, #tpu.memory_space<hbm>>) target(%dma_start3A_77 : memref<80x32xf32, #tpu.memory_space<vmem>>) offsets(%dma_start3A_79 : memref<80xi32, #tpu.memory_space<vmem>>) semaphore(%arg21 : memref<!tpu.dma_semaphore, #tpu.memory_space<semaphore_mem>>)
    %dma_start3A_83 = arith.constant 160 : i32
    %dma_start3A_84 = arith.constant 0 : i32
    %dma_start3A_85 = tpu.memref_slice %arg12[%dma_start3A_83, %dma_start3A_84] : memref<400x32xf32, #tpu.memory_space<vmem>> -> memref<80x32xf32, #tpu.memory_space<vmem>>
    %dma_start3A_86 = arith.constant 160 : i32
    %dma_start3A_87 = tpu.memref_slice %arg8[%dma_start3A_86] : memref<400xi32, #tpu.memory_space<vmem>> -> memref<80xi32, #tpu.memory_space<vmem>>
    %dma_start3A_88 = arith.constant 0 : i32
    %dma_start3A_89 = arith.constant 0 : i32
    %dma_start3A_90 = tpu.memref_slice %arg2[%dma_start3A_88, %dma_start3A_89] : memref<10000x32xf32, #tpu.memory_space<hbm>> -> memref<10000x32xf32, #tpu.memory_space<hbm>>
    tpu.enqueue_indirect_dma source(%dma_start3A_90 : memref<10000x32xf32, #tpu.memory_space<hbm>>) target(%dma_start3A_85 : memref<80x32xf32, #tpu.memory_space<vmem>>) offsets(%dma_start3A_87 : memref<80xi32, #tpu.memory_space<vmem>>) semaphore(%arg21 : memref<!tpu.dma_semaphore, #tpu.memory_space<semaphore_mem>>)
    %dma_start3A_91 = arith.constant 160 : i32
    %dma_start3A_92 = arith.constant 0 : i32
    %dma_start3A_93 = tpu.memref_slice %arg13[%dma_start3A_91, %dma_start3A_92] : memref<400x32xf32, #tpu.memory_space<vmem>> -> memref<80x32xf32, #tpu.memory_space<vmem>>
    %dma_start3A_94 = arith.constant 160 : i32
    %dma_start3A_95 = tpu.memref_slice %arg9[%dma_start3A_94] : memref<400xi32, #tpu.memory_space<vmem>> -> memref<80xi32, #tpu.memory_space<vmem>>
    %dma_start3A_96 = arith.constant 0 : i32
    %dma_start3A_97 = arith.constant 0 : i32
    %dma_start3A_98 = tpu.memref_slice %arg2[%dma_start3A_96, %dma_start3A_97] : memref<10000x32xf32, #tpu.memory_space<hbm>> -> memref<10000x32xf32, #tpu.memory_space<hbm>>
    tpu.enqueue_indirect_dma source(%dma_start3A_98 : memref<10000x32xf32, #tpu.memory_space<hbm>>) target(%dma_start3A_93 : memref<80x32xf32, #tpu.memory_space<vmem>>) offsets(%dma_start3A_95 : memref<80xi32, #tpu.memory_space<vmem>>) semaphore(%arg21 : memref<!tpu.dma_semaphore, #tpu.memory_space<semaphore_mem>>)
    %dma_start3A_99 = arith.constant 240 : i32
    %dma_start3A_100 = arith.constant 0 : i32
    %dma_start3A_101 = tpu.memref_slice %arg12[%dma_start3A_99, %dma_start3A_100] : memref<400x32xf32, #tpu.memory_space<vmem>> -> memref<80x32xf32, #tpu.memory_space<vmem>>
    %dma_start3A_102 = arith.constant 240 : i32
    %dma_start3A_103 = tpu.memref_slice %arg8[%dma_start3A_102] : memref<400xi32, #tpu.memory_space<vmem>> -> memref<80xi32, #tpu.memory_space<vmem>>
    %dma_start3A_104 = arith.constant 0 : i32
    %dma_start3A_105 = arith.constant 0 : i32
    %dma_start3A_106 = tpu.memref_slice %arg2[%dma_start3A_104, %dma_start3A_105] : memref<10000x32xf32, #tpu.memory_space<hbm>> -> memref<10000x32xf32, #tpu.memory_space<hbm>>
    tpu.enqueue_indirect_dma source(%dma_start3A_106 : memref<10000x32xf32, #tpu.memory_space<hbm>>) target(%dma_start3A_101 : memref<80x32xf32, #tpu.memory_space<vmem>>) offsets(%dma_start3A_103 : memref<80xi32, #tpu.memory_space<vmem>>) semaphore(%arg21 : memref<!tpu.dma_semaphore, #tpu.memory_space<semaphore_mem>>)
    %dma_start3A_107 = arith.constant 240 : i32
    %dma_start3A_108 = arith.constant 0 : i32
    %dma_start3A_109 = tpu.memref_slice %arg13[%dma_start3A_107, %dma_start3A_108] : memref<400x32xf32, #tpu.memory_space<vmem>> -> memref<80x32xf32, #tpu.memory_space<vmem>>
    %dma_start3A_110 = arith.constant 240 : i32
    %dma_start3A_111 = tpu.memref_slice %arg9[%dma_start3A_110] : memref<400xi32, #tpu.memory_space<vmem>> -> memref<80xi32, #tpu.memory_space<vmem>>
    %dma_start3A_112 = arith.constant 0 : i32
    %dma_start3A_113 = arith.constant 0 : i32
    %dma_start3A_114 = tpu.memref_slice %arg2[%dma_start3A_112, %dma_start3A_113] : memref<10000x32xf32, #tpu.memory_space<hbm>> -> memref<10000x32xf32, #tpu.memory_space<hbm>>
    tpu.enqueue_indirect_dma source(%dma_start3A_114 : memref<10000x32xf32, #tpu.memory_space<hbm>>) target(%dma_start3A_109 : memref<80x32xf32, #tpu.memory_space<vmem>>) offsets(%dma_start3A_111 : memref<80xi32, #tpu.memory_space<vmem>>) semaphore(%arg21 : memref<!tpu.dma_semaphore, #tpu.memory_space<semaphore_mem>>)
    %dma_start3A_115 = arith.constant 320 : i32
    %dma_start3A_116 = arith.constant 0 : i32
    %dma_start3A_117 = tpu.memref_slice %arg12[%dma_start3A_115, %dma_start3A_116] : memref<400x32xf32, #tpu.memory_space<vmem>> -> memref<80x32xf32, #tpu.memory_space<vmem>>
    %dma_start3A_118 = arith.constant 320 : i32
    %dma_start3A_119 = tpu.memref_slice %arg8[%dma_start3A_118] : memref<400xi32, #tpu.memory_space<vmem>> -> memref<80xi32, #tpu.memory_space<vmem>>
    %dma_start3A_120 = arith.constant 0 : i32
    %dma_start3A_121 = arith.constant 0 : i32
    %dma_start3A_122 = tpu.memref_slice %arg2[%dma_start3A_120, %dma_start3A_121] : memref<10000x32xf32, #tpu.memory_space<hbm>> -> memref<10000x32xf32, #tpu.memory_space<hbm>>
    tpu.enqueue_indirect_dma source(%dma_start3A_122 : memref<10000x32xf32, #tpu.memory_space<hbm>>) target(%dma_start3A_117 : memref<80x32xf32, #tpu.memory_space<vmem>>) offsets(%dma_start3A_119 : memref<80xi32, #tpu.memory_space<vmem>>) semaphore(%arg21 : memref<!tpu.dma_semaphore, #tpu.memory_space<semaphore_mem>>)
    %dma_start3A_123 = arith.constant 320 : i32
    %dma_start3A_124 = arith.constant 0 : i32
    %dma_start3A_125 = tpu.memref_slice %arg13[%dma_start3A_123, %dma_start3A_124] : memref<400x32xf32, #tpu.memory_space<vmem>> -> memref<80x32xf32, #tpu.memory_space<vmem>>
    %dma_start3A_126 = arith.constant 320 : i32
    %dma_start3A_127 = tpu.memref_slice %arg9[%dma_start3A_126] : memref<400xi32, #tpu.memory_space<vmem>> -> memref<80xi32, #tpu.memory_space<vmem>>
    %dma_start3A_128 = arith.constant 0 : i32
    %dma_start3A_129 = arith.constant 0 : i32
    %dma_start3A_130 = tpu.memref_slice %arg2[%dma_start3A_128, %dma_start3A_129] : memref<10000x32xf32, #tpu.memory_space<hbm>> -> memref<10000x32xf32, #tpu.memory_space<hbm>>
    tpu.enqueue_indirect_dma source(%dma_start3A_130 : memref<10000x32xf32, #tpu.memory_space<hbm>>) target(%dma_start3A_125 : memref<80x32xf32, #tpu.memory_space<vmem>>) offsets(%dma_start3A_127 : memref<80xi32, #tpu.memory_space<vmem>>) semaphore(%arg21 : memref<!tpu.dma_semaphore, #tpu.memory_space<semaphore_mem>>)
    %dma_wait3A_131 = arith.constant 0 : i32
    %dma_wait3A_132 = tpu.memref_slice %arg5[%add3A_46, %dma_wait3A_131] : memref<320000x16xf32, #tpu.memory_space<hbm>> -> memref<400x16xf32, #tpu.memory_space<hbm>>
    %dma_wait3A_133 = arith.constant 0 : i32
    %dma_wait3A_134 = tpu.memref_slice %arg5[%add3A_46, %dma_wait3A_133] : memref<320000x16xf32, #tpu.memory_space<hbm>> -> memref<400x16xf32, #tpu.memory_space<hbm>>
    tpu.wait_dma2 semaphore(%arg21 : memref<!tpu.dma_semaphore, #tpu.memory_space<semaphore_mem>>) src(%dma_wait3A_134 : memref<400x16xf32, #tpu.memory_space<hbm>>) dst(%arg16 : memref<400x16xf32, #tpu.memory_space<vmem>>)
    %dma_wait3A_135 = arith.constant 0 : i32
    %dma_wait3A_136 = arith.constant 0 : i32
    %dma_wait3A_137 = tpu.memref_slice %arg12[%dma_wait3A_135, %dma_wait3A_136] : memref<400x32xf32, #tpu.memory_space<vmem>> -> memref<80x32xf32, #tpu.memory_space<vmem>>
    %dma_wait3A_138 = arith.constant 0 : i32
    %dma_wait3A_139 = tpu.memref_slice %arg8[%dma_wait3A_138] : memref<400xi32, #tpu.memory_space<vmem>> -> memref<80xi32, #tpu.memory_space<vmem>>
    %dma_wait3A_140 = arith.constant 0 : i32
    %dma_wait3A_141 = arith.constant 0 : i32
    %dma_wait3A_142 = tpu.memref_slice %arg2[%dma_wait3A_140, %dma_wait3A_141] : memref<10000x32xf32, #tpu.memory_space<hbm>> -> memref<10000x32xf32, #tpu.memory_space<hbm>>
    tpu.wait_indirect_dma semaphore(%arg21 : memref<!tpu.dma_semaphore, #tpu.memory_space<semaphore_mem>>) src(%dma_wait3A_142 : memref<10000x32xf32, #tpu.memory_space<hbm>>) dst(%dma_wait3A_137 : memref<80x32xf32, #tpu.memory_space<vmem>>)
    %dma_wait3A_143 = arith.constant 0 : i32
    %dma_wait3A_144 = arith.constant 0 : i32
    %dma_wait3A_145 = tpu.memref_slice %arg13[%dma_wait3A_143, %dma_wait3A_144] : memref<400x32xf32, #tpu.memory_space<vmem>> -> memref<80x32xf32, #tpu.memory_space<vmem>>
    %dma_wait3A_146 = arith.constant 0 : i32
    %dma_wait3A_147 = tpu.memref_slice %arg9[%dma_wait3A_146] : memref<400xi32, #tpu.memory_space<vmem>> -> memref<80xi32, #tpu.memory_space<vmem>>
    %dma_wait3A_148 = arith.constant 0 : i32
    %dma_wait3A_149 = arith.constant 0 : i32
    %dma_wait3A_150 = tpu.memref_slice %arg2[%dma_wait3A_148, %dma_wait3A_149] : memref<10000x32xf32, #tpu.memory_space<hbm>> -> memref<10000x32xf32, #tpu.memory_space<hbm>>
    tpu.wait_indirect_dma semaphore(%arg21 : memref<!tpu.dma_semaphore, #tpu.memory_space<semaphore_mem>>) src(%dma_wait3A_150 : memref<10000x32xf32, #tpu.memory_space<hbm>>) dst(%dma_wait3A_145 : memref<80x32xf32, #tpu.memory_space<vmem>>)
    %dma_wait3A_151 = arith.constant 80 : i32
    %dma_wait3A_152 = arith.constant 0 : i32
    %dma_wait3A_153 = tpu.memref_slice %arg12[%dma_wait3A_151, %dma_wait3A_152] : memref<400x32xf32, #tpu.memory_space<vmem>> -> memref<80x32xf32, #tpu.memory_space<vmem>>
    %dma_wait3A_154 = arith.constant 80 : i32
    %dma_wait3A_155 = tpu.memref_slice %arg8[%dma_wait3A_154] : memref<400xi32, #tpu.memory_space<vmem>> -> memref<80xi32, #tpu.memory_space<vmem>>
    %dma_wait3A_156 = arith.constant 0 : i32
    %dma_wait3A_157 = arith.constant 0 : i32
    %dma_wait3A_158 = tpu.memref_slice %arg2[%dma_wait3A_156, %dma_wait3A_157] : memref<10000x32xf32, #tpu.memory_space<hbm>> -> memref<10000x32xf32, #tpu.memory_space<hbm>>
    tpu.wait_indirect_dma semaphore(%arg21 : memref<!tpu.dma_semaphore, #tpu.memory_space<semaphore_mem>>) src(%dma_wait3A_158 : memref<10000x32xf32, #tpu.memory_space<hbm>>) dst(%dma_wait3A_153 : memref<80x32xf32, #tpu.memory_space<vmem>>)
    %dma_wait3A_159 = arith.constant 80 : i32
    %dma_wait3A_160 = arith.constant 0 : i32
    %dma_wait3A_161 = tpu.memref_slice %arg13[%dma_wait3A_159, %dma_wait3A_160] : memref<400x32xf32, #tpu.memory_space<vmem>> -> memref<80x32xf32, #tpu.memory_space<vmem>>
    %dma_wait3A_162 = arith.constant 80 : i32
    %dma_wait3A_163 = tpu.memref_slice %arg9[%dma_wait3A_162] : memref<400xi32, #tpu.memory_space<vmem>> -> memref<80xi32, #tpu.memory_space<vmem>>
    %dma_wait3A_164 = arith.constant 0 : i32
    %dma_wait3A_165 = arith.constant 0 : i32
    %dma_wait3A_166 = tpu.memref_slice %arg2[%dma_wait3A_164, %dma_wait3A_165] : memref<10000x32xf32, #tpu.memory_space<hbm>> -> memref<10000x32xf32, #tpu.memory_space<hbm>>
    tpu.wait_indirect_dma semaphore(%arg21 : memref<!tpu.dma_semaphore, #tpu.memory_space<semaphore_mem>>) src(%dma_wait3A_166 : memref<10000x32xf32, #tpu.memory_space<hbm>>) dst(%dma_wait3A_161 : memref<80x32xf32, #tpu.memory_space<vmem>>)
    %dma_wait3A_167 = arith.constant 160 : i32
    %dma_wait3A_168 = arith.constant 0 : i32
    %dma_wait3A_169 = tpu.memref_slice %arg12[%dma_wait3A_167, %dma_wait3A_168] : memref<400x32xf32, #tpu.memory_space<vmem>> -> memref<80x32xf32, #tpu.memory_space<vmem>>
    %dma_wait3A_170 = arith.constant 160 : i32
    %dma_wait3A_171 = tpu.memref_slice %arg8[%dma_wait3A_170] : memref<400xi32, #tpu.memory_space<vmem>> -> memref<80xi32, #tpu.memory_space<vmem>>
    %dma_wait3A_172 = arith.constant 0 : i32
    %dma_wait3A_173 = arith.constant 0 : i32
    %dma_wait3A_174 = tpu.memref_slice %arg2[%dma_wait3A_172, %dma_wait3A_173] : memref<10000x32xf32, #tpu.memory_space<hbm>> -> memref<10000x32xf32, #tpu.memory_space<hbm>>
    tpu.wait_indirect_dma semaphore(%arg21 : memref<!tpu.dma_semaphore, #tpu.memory_space<semaphore_mem>>) src(%dma_wait3A_174 : memref<10000x32xf32, #tpu.memory_space<hbm>>) dst(%dma_wait3A_169 : memref<80x32xf32, #tpu.memory_space<vmem>>)
    %dma_wait3A_175 = arith.constant 160 : i32
    %dma_wait3A_176 = arith.constant 0 : i32
    %dma_wait3A_177 = tpu.memref_slice %arg13[%dma_wait3A_175, %dma_wait3A_176] : memref<400x32xf32, #tpu.memory_space<vmem>> -> memref<80x32xf32, #tpu.memory_space<vmem>>
    %dma_wait3A_178 = arith.constant 160 : i32
    %dma_wait3A_179 = tpu.memref_slice %arg9[%dma_wait3A_178] : memref<400xi32, #tpu.memory_space<vmem>> -> memref<80xi32, #tpu.memory_space<vmem>>
    %dma_wait3A_180 = arith.constant 0 : i32
    %dma_wait3A_181 = arith.constant 0 : i32
    %dma_wait3A_182 = tpu.memref_slice %arg2[%dma_wait3A_180, %dma_wait3A_181] : memref<10000x32xf32, #tpu.memory_space<hbm>> -> memref<10000x32xf32, #tpu.memory_space<hbm>>
    tpu.wait_indirect_dma semaphore(%arg21 : memref<!tpu.dma_semaphore, #tpu.memory_space<semaphore_mem>>) src(%dma_wait3A_182 : memref<10000x32xf32, #tpu.memory_space<hbm>>) dst(%dma_wait3A_177 : memref<80x32xf32, #tpu.memory_space<vmem>>)
    %dma_wait3A_183 = arith.constant 240 : i32
    %dma_wait3A_184 = arith.constant 0 : i32
    %dma_wait3A_185 = tpu.memref_slice %arg12[%dma_wait3A_183, %dma_wait3A_184] : memref<400x32xf32, #tpu.memory_space<vmem>> -> memref<80x32xf32, #tpu.memory_space<vmem>>
    %dma_wait3A_186 = arith.constant 240 : i32
    %dma_wait3A_187 = tpu.memref_slice %arg8[%dma_wait3A_186] : memref<400xi32, #tpu.memory_space<vmem>> -> memref<80xi32, #tpu.memory_space<vmem>>
    %dma_wait3A_188 = arith.constant 0 : i32
    %dma_wait3A_189 = arith.constant 0 : i32
    %dma_wait3A_190 = tpu.memref_slice %arg2[%dma_wait3A_188, %dma_wait3A_189] : memref<10000x32xf32, #tpu.memory_space<hbm>> -> memref<10000x32xf32, #tpu.memory_space<hbm>>
    tpu.wait_indirect_dma semaphore(%arg21 : memref<!tpu.dma_semaphore, #tpu.memory_space<semaphore_mem>>) src(%dma_wait3A_190 : memref<10000x32xf32, #tpu.memory_space<hbm>>) dst(%dma_wait3A_185 : memref<80x32xf32, #tpu.memory_space<vmem>>)
    %dma_wait3A_191 = arith.constant 240 : i32
    %dma_wait3A_192 = arith.constant 0 : i32
    %dma_wait3A_193 = tpu.memref_slice %arg13[%dma_wait3A_191, %dma_wait3A_192] : memref<400x32xf32, #tpu.memory_space<vmem>> -> memref<80x32xf32, #tpu.memory_space<vmem>>
    %dma_wait3A_194 = arith.constant 240 : i32
    %dma_wait3A_195 = tpu.memref_slice %arg9[%dma_wait3A_194] : memref<400xi32, #tpu.memory_space<vmem>> -> memref<80xi32, #tpu.memory_space<vmem>>
    %dma_wait3A_196 = arith.constant 0 : i32
    %dma_wait3A_197 = arith.constant 0 : i32
    %dma_wait3A_198 = tpu.memref_slice %arg2[%dma_wait3A_196, %dma_wait3A_197] : memref<10000x32xf32, #tpu.memory_space<hbm>> -> memref<10000x32xf32, #tpu.memory_space<hbm>>
    tpu.wait_indirect_dma semaphore(%arg21 : memref<!tpu.dma_semaphore, #tpu.memory_space<semaphore_mem>>) src(%dma_wait3A_198 : memref<10000x32xf32, #tpu.memory_space<hbm>>) dst(%dma_wait3A_193 : memref<80x32xf32, #tpu.memory_space<vmem>>)
    %dma_wait3A_199 = arith.constant 320 : i32
    %dma_wait3A_200 = arith.constant 0 : i32
    %dma_wait3A_201 = tpu.memref_slice %arg12[%dma_wait3A_199, %dma_wait3A_200] : memref<400x32xf32, #tpu.memory_space<vmem>> -> memref<80x32xf32, #tpu.memory_space<vmem>>
    %dma_wait3A_202 = arith.constant 320 : i32
    %dma_wait3A_203 = tpu.memref_slice %arg8[%dma_wait3A_202] : memref<400xi32, #tpu.memory_space<vmem>> -> memref<80xi32, #tpu.memory_space<vmem>>
    %dma_wait3A_204 = arith.constant 0 : i32
    %dma_wait3A_205 = arith.constant 0 : i32
    %dma_wait3A_206 = tpu.memref_slice %arg2[%dma_wait3A_204, %dma_wait3A_205] : memref<10000x32xf32, #tpu.memory_space<hbm>> -> memref<10000x32xf32, #tpu.memory_space<hbm>>
    tpu.wait_indirect_dma semaphore(%arg21 : memref<!tpu.dma_semaphore, #tpu.memory_space<semaphore_mem>>) src(%dma_wait3A_206 : memref<10000x32xf32, #tpu.memory_space<hbm>>) dst(%dma_wait3A_201 : memref<80x32xf32, #tpu.memory_space<vmem>>)
    %dma_wait3A_207 = arith.constant 320 : i32
    %dma_wait3A_208 = arith.constant 0 : i32
    %dma_wait3A_209 = tpu.memref_slice %arg13[%dma_wait3A_207, %dma_wait3A_208] : memref<400x32xf32, #tpu.memory_space<vmem>> -> memref<80x32xf32, #tpu.memory_space<vmem>>
    %dma_wait3A_210 = arith.constant 320 : i32
    %dma_wait3A_211 = tpu.memref_slice %arg9[%dma_wait3A_210] : memref<400xi32, #tpu.memory_space<vmem>> -> memref<80xi32, #tpu.memory_space<vmem>>
    %dma_wait3A_212 = arith.constant 0 : i32
    %dma_wait3A_213 = arith.constant 0 : i32
    %dma_wait3A_214 = tpu.memref_slice %arg2[%dma_wait3A_212, %dma_wait3A_213] : memref<10000x32xf32, #tpu.memory_space<hbm>> -> memref<10000x32xf32, #tpu.memory_space<hbm>>
    tpu.wait_indirect_dma semaphore(%arg21 : memref<!tpu.dma_semaphore, #tpu.memory_space<semaphore_mem>>) src(%dma_wait3A_214 : memref<10000x32xf32, #tpu.memory_space<hbm>>) dst(%dma_wait3A_209 : memref<80x32xf32, #tpu.memory_space<vmem>>)
    %get3A = arith.constant 0 : index
    %get3A_215 = tpu.vector_load %arg8[%get3A] {strides = array<i32>} : memref<400xi32, #tpu.memory_space<vmem>>, vector<16xi32>,
    tpu.vector_store_idx %arg18[%get3A_215], %broadcast_in_dim3A_8 {add = true} : memref<10000xf32, #tpu.memory_space<vmem>>[vector<16xi32>], vector<16xf32>,
    %get3A_216 = arith.constant 16 : index
    %get3A_217 = tpu.vector_load %arg8[%get3A_216] {strides = array<i32>} : memref<400xi32, #tpu.memory_space<vmem>>, vector<16xi32>,
    tpu.vector_store_idx %arg18[%get3A_217], %broadcast_in_dim3A_8 {add = true} : memref<10000xf32, #tpu.memory_space<vmem>>[vector<16xi32>], vector<16xf32>,
    %get3A_218 = arith.constant 32 : index
    %get3A_219 = tpu.vector_load %arg8[%get3A_218] {strides = array<i32>} : memref<400xi32, #tpu.memory_space<vmem>>, vector<16xi32>,
    tpu.vector_store_idx %arg18[%get3A_219], %broadcast_in_dim3A_8 {add = true} : memref<10000xf32, #tpu.memory_space<vmem>>[vector<16xi32>], vector<16xf32>,
    %get3A_220 = arith.constant 48 : index
    %get3A_221 = tpu.vector_load %arg8[%get3A_220] {strides = array<i32>} : memref<400xi32, #tpu.memory_space<vmem>>, vector<16xi32>,
    tpu.vector_store_idx %arg18[%get3A_221], %broadcast_in_dim3A_8 {add = true} : memref<10000xf32, #tpu.memory_space<vmem>>[vector<16xi32>], vector<16xf32>,
    %get3A_222 = arith.constant 64 : index
    %get3A_223 = tpu.vector_load %arg8[%get3A_222] {strides = array<i32>} : memref<400xi32, #tpu.memory_space<vmem>>, vector<16xi32>,
    tpu.vector_store_idx %arg18[%get3A_223], %broadcast_in_dim3A_8 {add = true} : memref<10000xf32, #tpu.memory_space<vmem>>[vector<16xi32>], vector<16xf32>,
    %get3A_224 = arith.constant 80 : index
    %get3A_225 = tpu.vector_load %arg8[%get3A_224] {strides = array<i32>} : memref<400xi32, #tpu.memory_space<vmem>>, vector<16xi32>,
    tpu.vector_store_idx %arg18[%get3A_225], %broadcast_in_dim3A_8 {add = true} : memref<10000xf32, #tpu.memory_space<vmem>>[vector<16xi32>], vector<16xf32>,
    %get3A_226 = arith.constant 96 : index
    %get3A_227 = tpu.vector_load %arg8[%get3A_226] {strides = array<i32>} : memref<400xi32, #tpu.memory_space<vmem>>, vector<16xi32>,
    tpu.vector_store_idx %arg18[%get3A_227], %broadcast_in_dim3A_8 {add = true} : memref<10000xf32, #tpu.memory_space<vmem>>[vector<16xi32>], vector<16xf32>,
    %get3A_228 = arith.constant 112 : index
    %get3A_229 = tpu.vector_load %arg8[%get3A_228] {strides = array<i32>} : memref<400xi32, #tpu.memory_space<vmem>>, vector<16xi32>,
    tpu.vector_store_idx %arg18[%get3A_229], %broadcast_in_dim3A_8 {add = true} : memref<10000xf32, #tpu.memory_space<vmem>>[vector<16xi32>], vector<16xf32>,
    %get3A_230 = arith.constant 128 : index
    %get3A_231 = tpu.vector_load %arg8[%get3A_230] {strides = array<i32>} : memref<400xi32, #tpu.memory_space<vmem>>, vector<16xi32>,
    tpu.vector_store_idx %arg18[%get3A_231], %broadcast_in_dim3A_8 {add = true} : memref<10000xf32, #tpu.memory_space<vmem>>[vector<16xi32>], vector<16xf32>,
    %get3A_232 = arith.constant 144 : index
    %get3A_233 = tpu.vector_load %arg8[%get3A_232] {strides = array<i32>} : memref<400xi32, #tpu.memory_space<vmem>>, vector<16xi32>,
    tpu.vector_store_idx %arg18[%get3A_233], %broadcast_in_dim3A_8 {add = true} : memref<10000xf32, #tpu.memory_space<vmem>>[vector<16xi32>], vector<16xf32>,
    %get3A_234 = arith.constant 160 : index
    %get3A_235 = tpu.vector_load %arg8[%get3A_234] {strides = array<i32>} : memref<400xi32, #tpu.memory_space<vmem>>, vector<16xi32>,
    tpu.vector_store_idx %arg18[%get3A_235], %broadcast_in_dim3A_8 {add = true} : memref<10000xf32, #tpu.memory_space<vmem>>[vector<16xi32>], vector<16xf32>,
    %get3A_236 = arith.constant 176 : index
    %get3A_237 = tpu.vector_load %arg8[%get3A_236] {strides = array<i32>} : memref<400xi32, #tpu.memory_space<vmem>>, vector<16xi32>,
    tpu.vector_store_idx %arg18[%get3A_237], %broadcast_in_dim3A_8 {add = true} : memref<10000xf32, #tpu.memory_space<vmem>>[vector<16xi32>], vector<16xf32>,
    %get3A_238 = arith.constant 192 : index
    %get3A_239 = tpu.vector_load %arg8[%get3A_238] {strides = array<i32>} : memref<400xi32, #tpu.memory_space<vmem>>, vector<16xi32>,
    tpu.vector_store_idx %arg18[%get3A_239], %broadcast_in_dim3A_8 {add = true} : memref<10000xf32, #tpu.memory_space<vmem>>[vector<16xi32>], vector<16xf32>,
    %get3A_240 = arith.constant 208 : index
    %get3A_241 = tpu.vector_load %arg8[%get3A_240] {strides = array<i32>} : memref<400xi32, #tpu.memory_space<vmem>>, vector<16xi32>,
    tpu.vector_store_idx %arg18[%get3A_241], %broadcast_in_dim3A_8 {add = true} : memref<10000xf32, #tpu.memory_space<vmem>>[vector<16xi32>], vector<16xf32>,
    %get3A_242 = arith.constant 224 : index
    %get3A_243 = tpu.vector_load %arg8[%get3A_242] {strides = array<i32>} : memref<400xi32, #tpu.memory_space<vmem>>, vector<16xi32>,
    tpu.vector_store_idx %arg18[%get3A_243], %broadcast_in_dim3A_8 {add = true} : memref<10000xf32, #tpu.memory_space<vmem>>[vector<16xi32>], vector<16xf32>,
    %get3A_244 = arith.constant 240 : index
    %get3A_245 = tpu.vector_load %arg8[%get3A_244] {strides = array<i32>} : memref<400xi32, #tpu.memory_space<vmem>>, vector<16xi32>,
    tpu.vector_store_idx %arg18[%get3A_245], %broadcast_in_dim3A_8 {add = true} : memref<10000xf32, #tpu.memory_space<vmem>>[vector<16xi32>], vector<16xf32>,
    %get3A_246 = arith.constant 256 : index
    %get3A_247 = tpu.vector_load %arg8[%get3A_246] {strides = array<i32>} : memref<400xi32, #tpu.memory_space<vmem>>, vector<16xi32>,
    tpu.vector_store_idx %arg18[%get3A_247], %broadcast_in_dim3A_8 {add = true} : memref<10000xf32, #tpu.memory_space<vmem>>[vector<16xi32>], vector<16xf32>,
    %get3A_248 = arith.constant 272 : index
    %get3A_249 = tpu.vector_load %arg8[%get3A_248] {strides = array<i32>} : memref<400xi32, #tpu.memory_space<vmem>>, vector<16xi32>,
    tpu.vector_store_idx %arg18[%get3A_249], %broadcast_in_dim3A_8 {add = true} : memref<10000xf32, #tpu.memory_space<vmem>>[vector<16xi32>], vector<16xf32>,
    %get3A_250 = arith.constant 288 : index
    %get3A_251 = tpu.vector_load %arg8[%get3A_250] {strides = array<i32>} : memref<400xi32, #tpu.memory_space<vmem>>, vector<16xi32>,
    tpu.vector_store_idx %arg18[%get3A_251], %broadcast_in_dim3A_8 {add = true} : memref<10000xf32, #tpu.memory_space<vmem>>[vector<16xi32>], vector<16xf32>,
    %get3A_252 = arith.constant 304 : index
    %get3A_253 = tpu.vector_load %arg8[%get3A_252] {strides = array<i32>} : memref<400xi32, #tpu.memory_space<vmem>>, vector<16xi32>,
    tpu.vector_store_idx %arg18[%get3A_253], %broadcast_in_dim3A_8 {add = true} : memref<10000xf32, #tpu.memory_space<vmem>>[vector<16xi32>], vector<16xf32>,
    %get3A_254 = arith.constant 320 : index
    %get3A_255 = tpu.vector_load %arg8[%get3A_254] {strides = array<i32>} : memref<400xi32, #tpu.memory_space<vmem>>, vector<16xi32>,
    tpu.vector_store_idx %arg18[%get3A_255], %broadcast_in_dim3A_8 {add = true} : memref<10000xf32, #tpu.memory_space<vmem>>[vector<16xi32>], vector<16xf32>,
    %get3A_256 = arith.constant 336 : index
    %get3A_257 = tpu.vector_load %arg8[%get3A_256] {strides = array<i32>} : memref<400xi32, #tpu.memory_space<vmem>>, vector<16xi32>,
    tpu.vector_store_idx %arg18[%get3A_257], %broadcast_in_dim3A_8 {add = true} : memref<10000xf32, #tpu.memory_space<vmem>>[vector<16xi32>], vector<16xf32>,
    %get3A_258 = arith.constant 352 : index
    %get3A_259 = tpu.vector_load %arg8[%get3A_258] {strides = array<i32>} : memref<400xi32, #tpu.memory_space<vmem>>, vector<16xi32>,
    tpu.vector_store_idx %arg18[%get3A_259], %broadcast_in_dim3A_8 {add = true} : memref<10000xf32, #tpu.memory_space<vmem>>[vector<16xi32>], vector<16xf32>,
    %get3A_260 = arith.constant 368 : index
    %get3A_261 = tpu.vector_load %arg8[%get3A_260] {strides = array<i32>} : memref<400xi32, #tpu.memory_space<vmem>>, vector<16xi32>,
    tpu.vector_store_idx %arg18[%get3A_261], %broadcast_in_dim3A_8 {add = true} : memref<10000xf32, #tpu.memory_space<vmem>>[vector<16xi32>], vector<16xf32>,
    %get3A_262 = arith.constant 384 : index
    %get3A_263 = tpu.vector_load %arg8[%get3A_262] {strides = array<i32>} : memref<400xi32, #tpu.memory_space<vmem>>, vector<16xi32>,
    tpu.vector_store_idx %arg18[%get3A_263], %broadcast_in_dim3A_8 {add = true} : memref<10000xf32, #tpu.memory_space<vmem>>[vector<16xi32>], vector<16xf32>,
    %add3A_264 = arith.constant 9600 : i32
    %add3A_265 = arith.addi %mul3A_2, %add3A_264 : i32
    %dma_start3A_266 = arith.constant 0 : i32
    %dma_start3A_267 = tpu.memref_slice %arg6[%add3A_265, %dma_start3A_266] : memref<320000x128xf32, #tpu.memory_space<hbm>> -> memref<400x32xf32, #tpu.memory_space<hbm>>
    %dma_start3A_268 = arith.constant 0 : i32
    %dma_start3A_269 = tpu.memref_slice %arg6[%add3A_265, %dma_start3A_268] : memref<320000x128xf32, #tpu.memory_space<hbm>> -> memref<400x32xf32, #tpu.memory_space<hbm>>
    tpu.enqueue_dma source(%arg12 : memref<400x32xf32, #tpu.memory_space<vmem>>) target(%dma_start3A_269 : memref<400x32xf32, #tpu.memory_space<hbm>>) target_semaphore(%arg22 : memref<!tpu.dma_semaphore, #tpu.memory_space<semaphore_mem>>)
    %dma_start3A_270 = arith.constant 32 : i32
    %dma_start3A_271 = tpu.memref_slice %arg6[%add3A_265, %dma_start3A_270] : memref<320000x128xf32, #tpu.memory_space<hbm>> -> memref<400x32xf32, #tpu.memory_space<hbm>>
    %dma_start3A_272 = arith.constant 32 : i32
    %dma_start3A_273 = tpu.memref_slice %arg6[%add3A_265, %dma_start3A_272] : memref<320000x128xf32, #tpu.memory_space<hbm>> -> memref<400x32xf32, #tpu.memory_space<hbm>>
    tpu.enqueue_dma source(%arg13 : memref<400x32xf32, #tpu.memory_space<vmem>>) target(%dma_start3A_273 : memref<400x32xf32, #tpu.memory_space<hbm>>) target_semaphore(%arg22 : memref<!tpu.dma_semaphore, #tpu.memory_space<semaphore_mem>>)
    %dma_start3A_274 = arith.constant 64 : i32
    %dma_start3A_275 = tpu.memref_slice %arg6[%add3A_265, %dma_start3A_274] : memref<320000x128xf32, #tpu.memory_space<hbm>> -> memref<400x16xf32, #tpu.memory_space<hbm>>
    %dma_start3A_276 = arith.constant 64 : i32
    %dma_start3A_277 = tpu.memref_slice %arg6[%add3A_265, %dma_start3A_276] : memref<320000x128xf32, #tpu.memory_space<hbm>> -> memref<400x16xf32, #tpu.memory_space<hbm>>
    tpu.enqueue_dma source(%arg16 : memref<400x16xf32, #tpu.memory_space<vmem>>) target(%dma_start3A_277 : memref<400x16xf32, #tpu.memory_space<hbm>>) target_semaphore(%arg22 : memref<!tpu.dma_semaphore, #tpu.memory_space<semaphore_mem>>)
    %dma_wait3A_278 = arith.constant 0 : i32
    %dma_wait3A_279 = arith.constant 0 : i32
    %dma_wait3A_280 = tpu.memref_slice %arg6[%dma_wait3A_278, %dma_wait3A_279] : memref<320000x128xf32, #tpu.memory_space<hbm>> -> memref<400x32xf32, #tpu.memory_space<hbm>>
    %dma_wait3A_281 = arith.constant 0 : i32
    %dma_wait3A_282 = arith.constant 0 : i32
    %dma_wait3A_283 = tpu.memref_slice %arg6[%dma_wait3A_281, %dma_wait3A_282] : memref<320000x128xf32, #tpu.memory_space<hbm>> -> memref<400x32xf32, #tpu.memory_space<hbm>>
    tpu.wait_dma2 semaphore(%arg22 : memref<!tpu.dma_semaphore, #tpu.memory_space<semaphore_mem>>) src(%arg12 : memref<400x32xf32, #tpu.memory_space<vmem>>) dst(%dma_wait3A_283 : memref<400x32xf32, #tpu.memory_space<hbm>>)
    %dma_wait3A_284 = arith.constant 0 : i32
    %dma_wait3A_285 = arith.constant 32 : i32
    %dma_wait3A_286 = tpu.memref_slice %arg6[%dma_wait3A_284, %dma_wait3A_285] : memref<320000x128xf32, #tpu.memory_space<hbm>> -> memref<400x32xf32, #tpu.memory_space<hbm>>
    %dma_wait3A_287 = arith.constant 0 : i32
    %dma_wait3A_288 = arith.constant 32 : i32
    %dma_wait3A_289 = tpu.memref_slice %arg6[%dma_wait3A_287, %dma_wait3A_288] : memref<320000x128xf32, #tpu.memory_space<hbm>> -> memref<400x32xf32, #tpu.memory_space<hbm>>
    tpu.wait_dma2 semaphore(%arg22 : memref<!tpu.dma_semaphore, #tpu.memory_space<semaphore_mem>>) src(%arg13 : memref<400x32xf32, #tpu.memory_space<vmem>>) dst(%dma_wait3A_289 : memref<400x32xf32, #tpu.memory_space<hbm>>)
    %dma_wait3A_290 = arith.constant 0 : i32
    %dma_wait3A_291 = arith.constant 64 : i32
    %dma_wait3A_292 = tpu.memref_slice %arg6[%dma_wait3A_290, %dma_wait3A_291] : memref<320000x128xf32, #tpu.memory_space<hbm>> -> memref<400x16xf32, #tpu.memory_space<hbm>>
    %dma_wait3A_293 = arith.constant 0 : i32
    %dma_wait3A_294 = arith.constant 64 : i32
    %dma_wait3A_295 = tpu.memref_slice %arg6[%dma_wait3A_293, %dma_wait3A_294] : memref<320000x128xf32, #tpu.memory_space<hbm>> -> memref<400x16xf32, #tpu.memory_space<hbm>>
    tpu.wait_dma2 semaphore(%arg22 : memref<!tpu.dma_semaphore, #tpu.memory_space<semaphore_mem>>) src(%arg16 : memref<400x16xf32, #tpu.memory_space<vmem>>) dst(%dma_wait3A_295 : memref<400x16xf32, #tpu.memory_space<hbm>>)
    %dma_wait3A_296 = arith.constant 0 : i32
    %dma_wait3A_297 = arith.constant 0 : i32
    %dma_wait3A_298 = tpu.memref_slice %arg6[%dma_wait3A_296, %dma_wait3A_297] : memref<320000x128xf32, #tpu.memory_space<hbm>> -> memref<400x32xf32, #tpu.memory_space<hbm>>
    %dma_wait3A_299 = arith.constant 0 : i32
    %dma_wait3A_300 = arith.constant 0 : i32
    %dma_wait3A_301 = tpu.memref_slice %arg6[%dma_wait3A_299, %dma_wait3A_300] : memref<320000x128xf32, #tpu.memory_space<hbm>> -> memref<400x32xf32, #tpu.memory_space<hbm>>
    tpu.wait_dma2 semaphore(%arg23 : memref<!tpu.dma_semaphore, #tpu.memory_space<semaphore_mem>>) src(%arg14 : memref<400x32xf32, #tpu.memory_space<vmem>>) dst(%dma_wait3A_301 : memref<400x32xf32, #tpu.memory_space<hbm>>)
    %dma_wait3A_302 = arith.constant 0 : i32
    %dma_wait3A_303 = arith.constant 32 : i32
    %dma_wait3A_304 = tpu.memref_slice %arg6[%dma_wait3A_302, %dma_wait3A_303] : memref<320000x128xf32, #tpu.memory_space<hbm>> -> memref<400x32xf32, #tpu.memory_space<hbm>>
    %dma_wait3A_305 = arith.constant 0 : i32
    %dma_wait3A_306 = arith.constant 32 : i32
    %dma_wait3A_307 = tpu.memref_slice %arg6[%dma_wait3A_305, %dma_wait3A_306] : memref<320000x128xf32, #tpu.memory_space<hbm>> -> memref<400x32xf32, #tpu.memory_space<hbm>>
    tpu.wait_dma2 semaphore(%arg23 : memref<!tpu.dma_semaphore, #tpu.memory_space<semaphore_mem>>) src(%arg15 : memref<400x32xf32, #tpu.memory_space<vmem>>) dst(%dma_wait3A_307 : memref<400x32xf32, #tpu.memory_space<hbm>>)
    %dma_wait3A_308 = arith.constant 0 : i32
    %dma_wait3A_309 = arith.constant 64 : i32
    %dma_wait3A_310 = tpu.memref_slice %arg6[%dma_wait3A_308, %dma_wait3A_309] : memref<320000x128xf32, #tpu.memory_space<hbm>> -> memref<400x16xf32, #tpu.memory_space<hbm>>
    %dma_wait3A_311 = arith.constant 0 : i32
    %dma_wait3A_312 = arith.constant 64 : i32
    %dma_wait3A_313 = tpu.memref_slice %arg6[%dma_wait3A_311, %dma_wait3A_312] : memref<320000x128xf32, #tpu.memory_space<hbm>> -> memref<400x16xf32, #tpu.memory_space<hbm>>
    tpu.wait_dma2 semaphore(%arg23 : memref<!tpu.dma_semaphore, #tpu.memory_space<semaphore_mem>>) src(%arg17 : memref<400x16xf32, #tpu.memory_space<vmem>>) dst(%dma_wait3A_313 : memref<400x16xf32, #tpu.memory_space<hbm>>)
    "tpu.region"() ({
      %run_scoped3A = tpu.sem_alloc : memref<!tpu.dma_semaphore, #tpu.memory_space<semaphore_mem>>
      %dma_start3A_314 = arith.constant 0 : i32
      %dma_start3A_315 = tpu.memref_slice %arg7[%add3A, %dma_start3A_314] : memref<32x10000xf32, #tpu.memory_space<hbm>> -> memref<1x10000xf32, #tpu.memory_space<hbm>>
      %dma_start3A_316 = tpu.memref_squeeze %dma_start3A_315 : memref<1x10000xf32, #tpu.memory_space<hbm>> -> memref<10000xf32, #tpu.memory_space<hbm>>
      %dma_start3A_317 = arith.constant 0 : i32
      %dma_start3A_318 = tpu.memref_slice %arg7[%add3A, %dma_start3A_317] : memref<32x10000xf32, #tpu.memory_space<hbm>> -> memref<1x10000xf32, #tpu.memory_space<hbm>>
      %dma_start3A_319 = tpu.memref_squeeze %dma_start3A_318 : memref<1x10000xf32, #tpu.memory_space<hbm>> -> memref<10000xf32, #tpu.memory_space<hbm>>
      tpu.enqueue_dma source(%arg18 : memref<10000xf32, #tpu.memory_space<vmem>>) target(%dma_start3A_319 : memref<10000xf32, #tpu.memory_space<hbm>>) target_semaphore(%run_scoped3A : memref<!tpu.dma_semaphore, #tpu.memory_space<semaphore_mem>>)
      %dma_wait3A_320 = arith.constant 0 : i32
      %dma_wait3A_321 = tpu.memref_slice %arg7[%add3A, %dma_wait3A_320] : memref<32x10000xf32, #tpu.memory_space<hbm>> -> memref<1x10000xf32, #tpu.memory_space<hbm>>
      %dma_wait3A_322 = tpu.memref_squeeze %dma_wait3A_321 : memref<1x10000xf32, #tpu.memory_space<hbm>> -> memref<10000xf32, #tpu.memory_space<hbm>>
      %dma_wait3A_323 = arith.constant 0 : i32
      %dma_wait3A_324 = tpu.memref_slice %arg7[%add3A, %dma_wait3A_323] : memref<32x10000xf32, #tpu.memory_space<hbm>> -> memref<1x10000xf32, #tpu.memory_space<hbm>>
      %dma_wait3A_325 = tpu.memref_squeeze %dma_wait3A_324 : memref<1x10000xf32, #tpu.memory_space<hbm>> -> memref<10000xf32, #tpu.memory_space<hbm>>
      tpu.wait_dma2 semaphore(%run_scoped3A : memref<!tpu.dma_semaphore, #tpu.memory_space<semaphore_mem>>) src(%arg18 : memref<10000xf32, #tpu.memory_space<vmem>>) dst(%dma_wait3A_325 : memref<10000xf32, #tpu.memory_space<hbm>>)
      tpu.yield
    }) : () -> ()
    return
  }
}

module attributes {stable_mosaic.version = 14 : i64} {
  func.func @_node_stage(%arg0: memref<10000x6xf32, #tpu.memory_space<vmem>>, %arg1: memref<10000x10xf32, #tpu.memory_space<vmem>>, %arg2: memref<32x128xf32, #tpu.memory_space<vmem>>, %arg3: memref<1x128xf32, #tpu.memory_space<vmem>>, %arg4: memref<128x128xf32, #tpu.memory_space<vmem>>, %arg5: memref<1x128xf32, #tpu.memory_space<vmem>>, %arg6: memref<128x128xf32, #tpu.memory_space<vmem>>, %arg7: memref<1x128xf32, #tpu.memory_space<vmem>>, %arg8: memref<10000x32xf32, #tpu.memory_space<vmem>>, %arg9: memref<10000x128xf32, #tpu.memory_space<vmem>>, %arg10: memref<8x8xf32, #tpu.memory_space<vmem>>) attributes {dimension_semantics = [], scalar_prefetch = 0 : i64, scratch_operands = 0 : i64, tpu.core_type = #tpu.core_type<tc>} {
    %get3A = arith.constant 0 : index
    %get3A_0 = arith.constant 0 : index
    %get3A_1 = vector.load %arg0[%get3A, %get3A_0] : memref<10000x6xf32, #tpu.memory_space<vmem>>, vector<10000x6xf32>
    %get3A_2 = arith.constant 0 : index
    %get3A_3 = arith.constant 0 : index
    %get3A_4 = vector.load %arg1[%get3A_2, %get3A_3] : memref<10000x10xf32, #tpu.memory_space<vmem>>, vector<10000x10xf32>
    %iota3A = tpu.iota {dimensions = array<i32: 1>} : vector<10000x6xi32>
    %lt3A = arith.constant 3 : i32
    %lt3A_5 = vector.broadcast %lt3A : i32 to vector<10000x6xi32>
    %lt3A_6 = arith.cmpi slt, %iota3A, %lt3A_5 : vector<10000x6xi32>
    %jit3A = arith.constant 1.000000e+00 : f32
    %jit3A_7 = arith.constant 1.000000e+01 : f32
    %broadcast_in_dim3A = vector.broadcast %jit3A : f32 to vector<10000x6xf32>
    %broadcast_in_dim3A_8 = vector.broadcast %jit3A_7 : f32 to vector<10000x6xf32>
    %select_n3A = arith.select %lt3A_6, %broadcast_in_dim3A, %broadcast_in_dim3A_8 : vector<10000x6xi1>, vector<10000x6xf32>
    %mul3A = arith.mulf %get3A_1, %select_n3A : vector<10000x6xf32>
    %iota3A_9 = tpu.iota {dimensions = array<i32: 0>} : vector<10000x1xi32>
    %lt3A_10 = arith.constant 5000 : i32
    %lt3A_11 = vector.broadcast %lt3A_10 : i32 to vector<10000x1xi32>
    %lt3A_12 = arith.cmpi slt, %iota3A_9, %lt3A_11 : vector<10000x1xi32>
    %convert_element_type3A = arith.extui %lt3A_12 : vector<10000x1xi1> to vector<10000x1xi32>
    %convert_element_type3A_13 = arith.sitofp %convert_element_type3A : vector<10000x1xi32> to vector<10000x1xf32>
    %sub3A = arith.constant 1.000000e+00 : f32
    %sub3A_14 = vector.broadcast %sub3A : f32 to vector<10000x1xf32>
    %sub3A_15 = arith.subf %sub3A_14, %convert_element_type3A_13 : vector<10000x1xf32>
    %mul3A_16 = vector.broadcast %convert_element_type3A_13 : vector<10000x1xf32> to vector<10000x6xf32>
    %mul3A_17 = arith.mulf %mul3A, %mul3A_16 : vector<10000x6xf32>
    %reduce_sum3A = arith.constant dense<0.000000e+00> : vector<6xf32>
    %reduce_sum3A_18 = vector.multi_reduction <add>, %mul3A_17, %reduce_sum3A [0] : vector<10000x6xf32> to vector<6xf32>
    %broadcast_in_dim3A_19 = vector.shape_cast %reduce_sum3A_18 : vector<6xf32> to vector<1x6xf32>
    %mul3A_20 = arith.constant 2.000000e-04 : f32
    %mul3A_21 = vector.broadcast %mul3A_20 : f32 to vector<1x6xf32>
    %mul3A_22 = arith.mulf %broadcast_in_dim3A_19, %mul3A_21 : vector<1x6xf32>
    %mul3A_23 = vector.broadcast %sub3A_15 : vector<10000x1xf32> to vector<10000x6xf32>
    %mul3A_24 = arith.mulf %mul3A, %mul3A_23 : vector<10000x6xf32>
    %reduce_sum3A_25 = arith.constant dense<0.000000e+00> : vector<6xf32>
    %reduce_sum3A_26 = vector.multi_reduction <add>, %mul3A_24, %reduce_sum3A_25 [0] : vector<10000x6xf32> to vector<6xf32>
    %broadcast_in_dim3A_27 = vector.shape_cast %reduce_sum3A_26 : vector<6xf32> to vector<1x6xf32>
    %mul3A_28 = arith.constant 2.000000e-04 : f32
    %mul3A_29 = vector.broadcast %mul3A_28 : f32 to vector<1x6xf32>
    %mul3A_30 = arith.mulf %broadcast_in_dim3A_27, %mul3A_29 : vector<1x6xf32>
    %mul3A_31 = vector.broadcast %convert_element_type3A_13 : vector<10000x1xf32> to vector<10000x6xf32>
    %mul3A_32 = vector.broadcast %mul3A_22 : vector<1x6xf32> to vector<10000x6xf32>
    %mul3A_33 = arith.mulf %mul3A_31, %mul3A_32 : vector<10000x6xf32>
    %mul3A_34 = vector.broadcast %sub3A_15 : vector<10000x1xf32> to vector<10000x6xf32>
    %mul3A_35 = vector.broadcast %mul3A_30 : vector<1x6xf32> to vector<10000x6xf32>
    %mul3A_36 = arith.mulf %mul3A_34, %mul3A_35 : vector<10000x6xf32>
    %add3A = arith.addf %mul3A_33, %mul3A_36 : vector<10000x6xf32>
    %sub3A_37 = arith.subf %mul3A, %add3A : vector<10000x6xf32>
    %broadcast_in_dim3A_38 = arith.constant 0.000000e+00 : f32
    %broadcast_in_dim3A_39 = vector.broadcast %broadcast_in_dim3A_38 : f32 to vector<10000x10xf32>
    %concatenate3A = tpu.concatenate %mul3A, %get3A_4, %sub3A_37, %broadcast_in_dim3A_39 in 1 : vector<10000x6xf32>, vector<10000x10xf32>, vector<10000x6xf32>, vector<10000x10xf32> -> vector<10000x32xf32>
    %swap3A = arith.constant 0 : index
    %swap3A_40 = arith.constant 0 : index
    %swap3A_41 = vector.load %arg8[%swap3A, %swap3A_40] : memref<10000x32xf32, #tpu.memory_space<vmem>>, vector<10000x32xf32>
    tpu.vector_store %arg8[%swap3A, %swap3A_40], %concatenate3A {strides = array<i32>} : memref<10000x32xf32, #tpu.memory_space<vmem>>, vector<10000x32xf32>,
    %get3A_42 = arith.constant 0 : index
    %get3A_43 = arith.constant 0 : index
    %get3A_44 = vector.load %arg2[%get3A_42, %get3A_43] : memref<32x128xf32, #tpu.memory_space<vmem>>, vector<32x128xf32>
    %dot_general3A = arith.constant dense<0.000000e+00> : vector<10000x128xf32>
    %dot_general3A_45 = tpu.matmul %concatenate3A, %get3A_44, %dot_general3A {dimension_numbers = #tpu.dot_dimension_numbers<[1], [0], [0], [1], [0, 0, 1, 1], [], []>, precision = #tpu.contract_precision<fp32>, transpose_lhs_hint = false} : vector<10000x32xf32>, vector<32x128xf32>, vector<10000x128xf32> -> vector<10000x128xf32>
    %get3A_46 = arith.constant 0 : index
    %get3A_47 = arith.constant 0 : index
    %get3A_48 = vector.load %arg3[%get3A_46, %get3A_47] : memref<1x128xf32, #tpu.memory_space<vmem>>, vector<1x128xf32>
    %add3A_49 = vector.broadcast %get3A_48 : vector<1x128xf32> to vector<10000x128xf32>
    %add3A_50 = arith.addf %dot_general3A_45, %add3A_49 : vector<10000x128xf32>
    %max3A = arith.constant 0.000000e+00 : f32
    %max3A_51 = vector.broadcast %max3A : f32 to vector<10000x128xf32>
    %max3A_52 = arith.maximumf %add3A_50, %max3A_51 : vector<10000x128xf32>
    %get3A_53 = arith.constant 0 : index
    %get3A_54 = arith.constant 0 : index
    %get3A_55 = vector.load %arg4[%get3A_53, %get3A_54] : memref<128x128xf32, #tpu.memory_space<vmem>>, vector<128x128xf32>
    %convert_element_type3A_56 = arith.truncf %max3A_52 : vector<10000x128xf32> to vector<10000x128xbf16>
    %convert_element_type3A_57 = arith.truncf %get3A_55 : vector<128x128xf32> to vector<128x128xbf16>
    %dot_general3A_58 = arith.constant dense<0.000000e+00> : vector<10000x128xf32>
    %dot_general3A_59 = tpu.matmul %convert_element_type3A_56, %convert_element_type3A_57, %dot_general3A_58 {dimension_numbers = #tpu.dot_dimension_numbers<[1], [0], [0], [1], [0, 0, 1, 1], [], []>, transpose_lhs_hint = false} : vector<10000x128xbf16>, vector<128x128xbf16>, vector<10000x128xf32> -> vector<10000x128xf32>
    %get3A_60 = arith.constant 0 : index
    %get3A_61 = arith.constant 0 : index
    %get3A_62 = vector.load %arg5[%get3A_60, %get3A_61] : memref<1x128xf32, #tpu.memory_space<vmem>>, vector<1x128xf32>
    %add3A_63 = vector.broadcast %get3A_62 : vector<1x128xf32> to vector<10000x128xf32>
    %add3A_64 = arith.addf %dot_general3A_59, %add3A_63 : vector<10000x128xf32>
    %max3A_65 = arith.constant 0.000000e+00 : f32
    %max3A_66 = vector.broadcast %max3A_65 : f32 to vector<10000x128xf32>
    %max3A_67 = arith.maximumf %add3A_64, %max3A_66 : vector<10000x128xf32>
    %get3A_68 = arith.constant 0 : index
    %get3A_69 = arith.constant 0 : index
    %get3A_70 = vector.load %arg6[%get3A_68, %get3A_69] : memref<128x128xf32, #tpu.memory_space<vmem>>, vector<128x128xf32>
    %convert_element_type3A_71 = arith.truncf %max3A_67 : vector<10000x128xf32> to vector<10000x128xbf16>
    %convert_element_type3A_72 = arith.truncf %get3A_70 : vector<128x128xf32> to vector<128x128xbf16>
    %dot_general3A_73 = arith.constant dense<0.000000e+00> : vector<10000x128xf32>
    %dot_general3A_74 = tpu.matmul %convert_element_type3A_71, %convert_element_type3A_72, %dot_general3A_73 {dimension_numbers = #tpu.dot_dimension_numbers<[1], [0], [0], [1], [0, 0, 1, 1], [], []>, transpose_lhs_hint = false} : vector<10000x128xbf16>, vector<128x128xbf16>, vector<10000x128xf32> -> vector<10000x128xf32>
    %get3A_75 = arith.constant 0 : index
    %get3A_76 = arith.constant 0 : index
    %get3A_77 = vector.load %arg7[%get3A_75, %get3A_76] : memref<1x128xf32, #tpu.memory_space<vmem>>, vector<1x128xf32>
    %add3A_78 = vector.broadcast %get3A_77 : vector<1x128xf32> to vector<10000x128xf32>
    %add3A_79 = arith.addf %dot_general3A_74, %add3A_78 : vector<10000x128xf32>
    %swap3A_80 = arith.constant 0 : index
    %swap3A_81 = arith.constant 0 : index
    %swap3A_82 = vector.load %arg9[%swap3A_80, %swap3A_81] : memref<10000x128xf32, #tpu.memory_space<vmem>>, vector<10000x128xf32>
    tpu.vector_store %arg9[%swap3A_80, %swap3A_81], %add3A_79 {strides = array<i32>} : memref<10000x128xf32, #tpu.memory_space<vmem>>, vector<10000x128xf32>,
    %broadcast_in_dim3A_83 = arith.constant 0.000000e+00 : f32
    %broadcast_in_dim3A_84 = vector.broadcast %broadcast_in_dim3A_83 : f32 to vector<6x6xf32>
    %concatenate3A_85 = tpu.concatenate %mul3A_22, %mul3A_30, %broadcast_in_dim3A_84 in 0 : vector<1x6xf32>, vector<1x6xf32>, vector<6x6xf32> -> vector<8x6xf32>
    %broadcast_in_dim3A_86 = arith.constant 0.000000e+00 : f32
    %broadcast_in_dim3A_87 = vector.broadcast %broadcast_in_dim3A_86 : f32 to vector<8x2xf32>
    %concatenate3A_88 = tpu.concatenate %concatenate3A_85, %broadcast_in_dim3A_87 in 1 : vector<8x6xf32>, vector<8x2xf32> -> vector<8x8xf32>
    %swap3A_89 = arith.constant 0 : index
    %swap3A_90 = arith.constant 0 : index
    %swap3A_91 = vector.load %arg10[%swap3A_89, %swap3A_90] : memref<8x8xf32, #tpu.memory_space<vmem>>, vector<8x8xf32>
    tpu.vector_store %arg10[%swap3A_89, %swap3A_90], %concatenate3A_88 {strides = array<i32>} : memref<8x8xf32, #tpu.memory_space<vmem>>, vector<8x8xf32>,
    return
  }
}

module attributes {stable_mosaic.version = 14 : i64} {
  func.func @_edge_stage(%arg0: i32, %arg1: memref<3200x128xf32, #tpu.memory_space<vmem>>, %arg2: memref<128x128xf32, #tpu.memory_space<vmem>>, %arg3: memref<1x128xf32, #tpu.memory_space<vmem>>, %arg4: memref<128x128xf32, #tpu.memory_space<vmem>>, %arg5: memref<1x128xf32, #tpu.memory_space<vmem>>, %arg6: memref<128x128xf32, #tpu.memory_space<vmem>>, %arg7: memref<1x128xf32, #tpu.memory_space<vmem>>, %arg8: memref<128x128xf32, #tpu.memory_space<vmem>>, %arg9: memref<1x128xf32, #tpu.memory_space<vmem>>, %arg10: memref<3200x128xf32, #tpu.memory_space<vmem>>) attributes {dimension_semantics = [#tpu.dimension_semantics<arbitrary>], iteration_bounds = array<i64: 100>, scalar_prefetch = 0 : i64, scratch_operands = 0 : i64, tpu.core_type = #tpu.core_type<tc>, window_params = [{transform_indices = @transform_0, window_bounds = array<i64: 3200, 128>}, {pipeline_mode = #tpu.pipeline_mode<synchronous>, transform_indices = @transform_1, window_bounds = array<i64: 128, 128>}, {pipeline_mode = #tpu.pipeline_mode<synchronous>, transform_indices = @transform_2, window_bounds = array<i64: 1, 128>}, {pipeline_mode = #tpu.pipeline_mode<synchronous>, transform_indices = @transform_3, window_bounds = array<i64: 128, 128>}, {pipeline_mode = #tpu.pipeline_mode<synchronous>, transform_indices = @transform_4, window_bounds = array<i64: 1, 128>}, {pipeline_mode = #tpu.pipeline_mode<synchronous>, transform_indices = @transform_5, window_bounds = array<i64: 128, 128>}, {pipeline_mode = #tpu.pipeline_mode<synchronous>, transform_indices = @transform_6, window_bounds = array<i64: 1, 128>}, {pipeline_mode = #tpu.pipeline_mode<synchronous>, transform_indices = @transform_7, window_bounds = array<i64: 128, 128>}, {pipeline_mode = #tpu.pipeline_mode<synchronous>, transform_indices = @transform_8, window_bounds = array<i64: 1, 128>}, {transform_indices = @transform_9, window_bounds = array<i64: 3200, 128>}]} {
    %iota3A = tpu.iota {dimensions = array<i32: 1>} : vector<3200x128xi32>
    %lt3A = arith.constant 80 : i32
    %lt3A_0 = vector.broadcast %lt3A : i32 to vector<3200x128xi32>
    %lt3A_1 = arith.cmpi slt, %iota3A, %lt3A_0 : vector<3200x128xi32>
    %get3A = arith.constant 0 : index
    %get3A_2 = arith.constant 0 : index
    %get3A_3 = vector.load %arg1[%get3A, %get3A_2] : memref<3200x128xf32, #tpu.memory_space<vmem>>, vector<3200x128xf32>
    %jit3A = arith.constant 0.000000e+00 : f32
    %broadcast_in_dim3A = vector.broadcast %jit3A : f32 to vector<3200x128xf32>
    %select_n3A = arith.select %lt3A_1, %get3A_3, %broadcast_in_dim3A : vector<3200x128xi1>, vector<3200x128xf32>
    %get3A_4 = arith.constant 0 : index
    %get3A_5 = arith.constant 0 : index
    %get3A_6 = vector.load %arg2[%get3A_4, %get3A_5] : memref<128x128xf32, #tpu.memory_space<vmem>>, vector<128x128xf32>
    %dot_general3A = arith.constant dense<0.000000e+00> : vector<3200x128xf32>
    %dot_general3A_7 = tpu.matmul %select_n3A, %get3A_6, %dot_general3A {dimension_numbers = #tpu.dot_dimension_numbers<[1], [0], [0], [1], [0, 0, 1, 1], [], []>, precision = #tpu.contract_precision<fp32>, transpose_lhs_hint = false} : vector<3200x128xf32>, vector<128x128xf32>, vector<3200x128xf32> -> vector<3200x128xf32>
    %get3A_8 = arith.constant 0 : index
    %get3A_9 = arith.constant 0 : index
    %get3A_10 = vector.load %arg3[%get3A_8, %get3A_9] : memref<1x128xf32, #tpu.memory_space<vmem>>, vector<1x128xf32>
    %add3A = vector.broadcast %get3A_10 : vector<1x128xf32> to vector<3200x128xf32>
    %add3A_11 = arith.addf %dot_general3A_7, %add3A : vector<3200x128xf32>
    %max3A = arith.constant 0.000000e+00 : f32
    %max3A_12 = vector.broadcast %max3A : f32 to vector<3200x128xf32>
    %max3A_13 = arith.maximumf %add3A_11, %max3A_12 : vector<3200x128xf32>
    %get3A_14 = arith.constant 0 : index
    %get3A_15 = arith.constant 0 : index
    %get3A_16 = vector.load %arg4[%get3A_14, %get3A_15] : memref<128x128xf32, #tpu.memory_space<vmem>>, vector<128x128xf32>
    %convert_element_type3A = arith.truncf %max3A_13 : vector<3200x128xf32> to vector<3200x128xbf16>
    %convert_element_type3A_17 = arith.truncf %get3A_16 : vector<128x128xf32> to vector<128x128xbf16>
    %dot_general3A_18 = arith.constant dense<0.000000e+00> : vector<3200x128xf32>
    %dot_general3A_19 = tpu.matmul %convert_element_type3A, %convert_element_type3A_17, %dot_general3A_18 {dimension_numbers = #tpu.dot_dimension_numbers<[1], [0], [0], [1], [0, 0, 1, 1], [], []>, transpose_lhs_hint = false} : vector<3200x128xbf16>, vector<128x128xbf16>, vector<3200x128xf32> -> vector<3200x128xf32>
    %get3A_20 = arith.constant 0 : index
    %get3A_21 = arith.constant 0 : index
    %get3A_22 = vector.load %arg5[%get3A_20, %get3A_21] : memref<1x128xf32, #tpu.memory_space<vmem>>, vector<1x128xf32>
    %add3A_23 = vector.broadcast %get3A_22 : vector<1x128xf32> to vector<3200x128xf32>
    %add3A_24 = arith.addf %dot_general3A_19, %add3A_23 : vector<3200x128xf32>
    %max3A_25 = arith.constant 0.000000e+00 : f32
    %max3A_26 = vector.broadcast %max3A_25 : f32 to vector<3200x128xf32>
    %max3A_27 = arith.maximumf %add3A_24, %max3A_26 : vector<3200x128xf32>
    %get3A_28 = arith.constant 0 : index
    %get3A_29 = arith.constant 0 : index
    %get3A_30 = vector.load %arg6[%get3A_28, %get3A_29] : memref<128x128xf32, #tpu.memory_space<vmem>>, vector<128x128xf32>
    %convert_element_type3A_31 = arith.truncf %max3A_27 : vector<3200x128xf32> to vector<3200x128xbf16>
    %convert_element_type3A_32 = arith.truncf %get3A_30 : vector<128x128xf32> to vector<128x128xbf16>
    %dot_general3A_33 = arith.constant dense<0.000000e+00> : vector<3200x128xf32>
    %dot_general3A_34 = tpu.matmul %convert_element_type3A_31, %convert_element_type3A_32, %dot_general3A_33 {dimension_numbers = #tpu.dot_dimension_numbers<[1], [0], [0], [1], [0, 0, 1, 1], [], []>, transpose_lhs_hint = false} : vector<3200x128xbf16>, vector<128x128xbf16>, vector<3200x128xf32> -> vector<3200x128xf32>
    %get3A_35 = arith.constant 0 : index
    %get3A_36 = arith.constant 0 : index
    %get3A_37 = vector.load %arg7[%get3A_35, %get3A_36] : memref<1x128xf32, #tpu.memory_space<vmem>>, vector<1x128xf32>
    %add3A_38 = vector.broadcast %get3A_37 : vector<1x128xf32> to vector<3200x128xf32>
    %add3A_39 = arith.addf %dot_general3A_34, %add3A_38 : vector<3200x128xf32>
    %get3A_40 = arith.constant 0 : index
    %get3A_41 = arith.constant 0 : index
    %get3A_42 = vector.load %arg8[%get3A_40, %get3A_41] : memref<128x128xf32, #tpu.memory_space<vmem>>, vector<128x128xf32>
    %convert_element_type3A_43 = arith.truncf %add3A_39 : vector<3200x128xf32> to vector<3200x128xbf16>
    %convert_element_type3A_44 = arith.truncf %get3A_42 : vector<128x128xf32> to vector<128x128xbf16>
    %dot_general3A_45 = arith.constant dense<0.000000e+00> : vector<3200x128xf32>
    %dot_general3A_46 = tpu.matmul %convert_element_type3A_43, %convert_element_type3A_44, %dot_general3A_45 {dimension_numbers = #tpu.dot_dimension_numbers<[1], [0], [0], [1], [0, 0, 1, 1], [], []>, transpose_lhs_hint = false} : vector<3200x128xbf16>, vector<128x128xbf16>, vector<3200x128xf32> -> vector<3200x128xf32>
    %get3A_47 = arith.constant 0 : index
    %get3A_48 = arith.constant 0 : index
    %get3A_49 = vector.load %arg9[%get3A_47, %get3A_48] : memref<1x128xf32, #tpu.memory_space<vmem>>, vector<1x128xf32>
    %add3A_50 = vector.broadcast %get3A_49 : vector<1x128xf32> to vector<3200x128xf32>
    %add3A_51 = arith.addf %dot_general3A_46, %add3A_50 : vector<3200x128xf32>
    %swap3A = arith.constant 0 : index
    %swap3A_52 = arith.constant 0 : index
    %swap3A_53 = vector.load %arg10[%swap3A, %swap3A_52] : memref<3200x128xf32, #tpu.memory_space<vmem>>, vector<3200x128xf32>
    tpu.vector_store %arg10[%swap3A, %swap3A_52], %add3A_51 {strides = array<i32>} : memref<3200x128xf32, #tpu.memory_space<vmem>>, vector<3200x128xf32>,
    return
  }
  func.func @transform_0(%arg0: i32) -> (i32, i32) {
    %c0_i32 = arith.constant 0 : i32
    %c0_i32_0 = arith.constant 0 : i32
    return %arg0, %c0_i32 : i32, i32
  }
  func.func @transform_1(%arg0: i32) -> (i32, i32) {
    %c0_i32 = arith.constant 0 : i32
    %c0_i32_0 = arith.constant 0 : i32
    %c0_i32_1 = arith.constant 0 : i32
    return %c0_i32, %c0_i32_0 : i32, i32
  }
  func.func @transform_2(%arg0: i32) -> (i32, i32) {
    %c0_i32 = arith.constant 0 : i32
    %c0_i32_0 = arith.constant 0 : i32
    %c0_i32_1 = arith.constant 0 : i32
    return %c0_i32, %c0_i32_0 : i32, i32
  }
  func.func @transform_3(%arg0: i32) -> (i32, i32) {
    %c0_i32 = arith.constant 0 : i32
    %c0_i32_0 = arith.constant 0 : i32
    %c0_i32_1 = arith.constant 0 : i32
    return %c0_i32, %c0_i32_0 : i32, i32
  }
  func.func @transform_4(%arg0: i32) -> (i32, i32) {
    %c0_i32 = arith.constant 0 : i32
    %c0_i32_0 = arith.constant 0 : i32
    %c0_i32_1 = arith.constant 0 : i32
    return %c0_i32, %c0_i32_0 : i32, i32
  }
  func.func @transform_5(%arg0: i32) -> (i32, i32) {
    %c0_i32 = arith.constant 0 : i32
    %c0_i32_0 = arith.constant 0 : i32
    %c0_i32_1 = arith.constant 0 : i32
    return %c0_i32, %c0_i32_0 : i32, i32
  }
  func.func @transform_6(%arg0: i32) -> (i32, i32) {
    %c0_i32 = arith.constant 0 : i32
    %c0_i32_0 = arith.constant 0 : i32
    %c0_i32_1 = arith.constant 0 : i32
    return %c0_i32, %c0_i32_0 : i32, i32
  }
  func.func @transform_7(%arg0: i32) -> (i32, i32) {
    %c0_i32 = arith.constant 0 : i32
    %c0_i32_0 = arith.constant 0 : i32
    %c0_i32_1 = arith.constant 0 : i32
    return %c0_i32, %c0_i32_0 : i32, i32
  }
  func.func @transform_8(%arg0: i32) -> (i32, i32) {
    %c0_i32 = arith.constant 0 : i32
    %c0_i32_0 = arith.constant 0 : i32
    %c0_i32_1 = arith.constant 0 : i32
    return %c0_i32, %c0_i32_0 : i32, i32
  }
  func.func @transform_9(%arg0: i32) -> (i32, i32) {
    %c0_i32 = arith.constant 0 : i32
    %c0_i32_0 = arith.constant 0 : i32
    return %arg0, %c0_i32 : i32, i32
  }
}

module attributes {stable_mosaic.version = 14 : i64} {
  func.func @_pool_stage(%arg0: memref<32x10000xf32, #tpu.memory_space<vmem>>, %arg1: memref<10000x128xf32, #tpu.memory_space<vmem>>, %arg2: memref<20480x128xf32, #tpu.memory_space<vmem>>, %arg3: memref<128x128xf32, #tpu.memory_space<vmem>>, %arg4: memref<128x128xf32, #tpu.memory_space<vmem>>, %arg5: memref<1x128xf32, #tpu.memory_space<vmem>>, %arg6: memref<128x128xf32, #tpu.memory_space<vmem>>, %arg7: memref<1x128xf32, #tpu.memory_space<vmem>>, %arg8: memref<128x128xf32, #tpu.memory_space<vmem>>, %arg9: memref<1x128xf32, #tpu.memory_space<vmem>>, %arg10: memref<128x128xf32, #tpu.memory_space<vmem>>, %arg11: memref<1x128xf32, #tpu.memory_space<vmem>>, %arg12: memref<8x128xf32, #tpu.memory_space<vmem>>) attributes {dimension_semantics = [], scalar_prefetch = 0 : i64, scratch_operands = 0 : i64, tpu.core_type = #tpu.core_type<tc>} {
    %get3A = arith.constant 0 : index
    %get3A_0 = arith.constant 0 : index
    %get3A_1 = vector.load %arg0[%get3A, %get3A_0] : memref<32x10000xf32, #tpu.memory_space<vmem>>, vector<32x10000xf32>
    %reduce_sum3A = arith.constant dense<0.000000e+00> : vector<10000xf32>
    %reduce_sum3A_2 = vector.multi_reduction <add>, %get3A_1, %reduce_sum3A [0] : vector<32x10000xf32> to vector<10000xf32>
    %broadcast_in_dim3A = vector.shape_cast %reduce_sum3A_2 : vector<10000xf32> to vector<1x10000xf32>
    %gt3A = arith.constant 0.000000e+00 : f32
    %gt3A_3 = vector.broadcast %gt3A : f32 to vector<1x10000xf32>
    %gt3A_4 = arith.cmpf ogt, %broadcast_in_dim3A, %gt3A_3 : vector<1x10000xf32>
    %jit3A = arith.constant 1.000000e+00 : f32
    %jit3A_5 = arith.constant 0.000000e+00 : f32
    %broadcast_in_dim3A_6 = vector.broadcast %jit3A : f32 to vector<1x10000xf32>
    %broadcast_in_dim3A_7 = vector.broadcast %jit3A_5 : f32 to vector<1x10000xf32>
    %select_n3A = arith.select %gt3A_4, %broadcast_in_dim3A_6, %broadcast_in_dim3A_7 : vector<1x10000xi1>, vector<1x10000xf32>
    %broadcast_in_dim3A_8 = vector.shape_cast %select_n3A : vector<1x10000xf32> to vector<1x10000xf32>
    %broadcast_in_dim3A_9 = vector.broadcast %broadcast_in_dim3A_8 : vector<1x10000xf32> to vector<8x10000xf32>
    %iota3A = tpu.iota {dimensions = array<i32: 1>} : vector<8x10000xi32>
    %iota3A_10 = tpu.iota {dimensions = array<i32: 0>} : vector<8x10000xi32>
    %eq3A = arith.constant 0 : i32
    %eq3A_11 = vector.broadcast %eq3A : i32 to vector<8x10000xi32>
    %eq3A_12 = arith.cmpi eq, %iota3A_10, %eq3A_11 : vector<8x10000xi32>
    %lt3A = arith.constant 5000 : i32
    %lt3A_13 = vector.broadcast %lt3A : i32 to vector<8x10000xi32>
    %lt3A_14 = arith.cmpi slt, %iota3A, %lt3A_13 : vector<8x10000xi32>
    %and3A = arith.andi %eq3A_12, %lt3A_14 : vector<8x10000xi1>
    %eq3A_15 = arith.constant 1 : i32
    %eq3A_16 = vector.broadcast %eq3A_15 : i32 to vector<8x10000xi32>
    %eq3A_17 = arith.cmpi eq, %iota3A_10, %eq3A_16 : vector<8x10000xi32>
    %ge3A = arith.constant 5000 : i32
    %ge3A_18 = vector.broadcast %ge3A : i32 to vector<8x10000xi32>
    %ge3A_19 = arith.cmpi sge, %iota3A, %ge3A_18 : vector<8x10000xi32>
    %and3A_20 = arith.andi %eq3A_17, %ge3A_19 : vector<8x10000xi1>
    %or3A = arith.ori %and3A, %and3A_20 : vector<8x10000xi1>
    %jit3A_21 = arith.constant 0.000000e+00 : f32
    %broadcast_in_dim3A_22 = vector.broadcast %jit3A_21 : f32 to vector<8x10000xf32>
    %select_n3A_23 = arith.select %or3A, %broadcast_in_dim3A_9, %broadcast_in_dim3A_22 : vector<8x10000xi1>, vector<8x10000xf32>
    %get3A_24 = arith.constant 0 : index
    %get3A_25 = arith.constant 0 : index
    %get3A_26 = vector.load %arg2[%get3A_24, %get3A_25] : memref<20480x128xf32, #tpu.memory_space<vmem>>, vector<10000x128xf32>
    %get3A_27 = arith.constant 10240 : index
    %get3A_28 = arith.constant 0 : index
    %get3A_29 = vector.load %arg2[%get3A_27, %get3A_28] : memref<20480x128xf32, #tpu.memory_space<vmem>>, vector<10000x128xf32>
    %add3A = arith.addf %get3A_26, %get3A_29 : vector<10000x128xf32>
    %get3A_30 = arith.constant 0 : index
    %get3A_31 = arith.constant 0 : index
    %get3A_32 = vector.load %arg1[%get3A_30, %get3A_31] : memref<10000x128xf32, #tpu.memory_space<vmem>>, vector<10000x128xf32>
    %get3A_33 = arith.constant 0 : index
    %get3A_34 = arith.constant 0 : index
    %get3A_35 = vector.load %arg3[%get3A_33, %get3A_34] : memref<128x128xf32, #tpu.memory_space<vmem>>, vector<128x128xf32>
    %convert_element_type3A = arith.truncf %get3A_32 : vector<10000x128xf32> to vector<10000x128xbf16>
    %convert_element_type3A_36 = arith.truncf %get3A_35 : vector<128x128xf32> to vector<128x128xbf16>
    %dot_general3A = arith.constant dense<0.000000e+00> : vector<10000x128xf32>
    %dot_general3A_37 = tpu.matmul %convert_element_type3A, %convert_element_type3A_36, %dot_general3A {dimension_numbers = #tpu.dot_dimension_numbers<[1], [0], [0], [1], [0, 0, 1, 1], [], []>, transpose_lhs_hint = false} : vector<10000x128xbf16>, vector<128x128xbf16>, vector<10000x128xf32> -> vector<10000x128xf32>
    %get3A_38 = arith.constant 0 : index
    %get3A_39 = arith.constant 0 : index
    %get3A_40 = vector.load %arg4[%get3A_38, %get3A_39] : memref<128x128xf32, #tpu.memory_space<vmem>>, vector<128x128xf32>
    %convert_element_type3A_41 = arith.truncf %add3A : vector<10000x128xf32> to vector<10000x128xbf16>
    %convert_element_type3A_42 = arith.truncf %get3A_40 : vector<128x128xf32> to vector<128x128xbf16>
    %dot_general3A_43 = arith.constant dense<0.000000e+00> : vector<10000x128xf32>
    %dot_general3A_44 = tpu.matmul %convert_element_type3A_41, %convert_element_type3A_42, %dot_general3A_43 {dimension_numbers = #tpu.dot_dimension_numbers<[1], [0], [0], [1], [0, 0, 1, 1], [], []>, transpose_lhs_hint = false} : vector<10000x128xbf16>, vector<128x128xbf16>, vector<10000x128xf32> -> vector<10000x128xf32>
    %add3A_45 = arith.addf %dot_general3A_37, %dot_general3A_44 : vector<10000x128xf32>
    %dot_general3A_46 = arith.constant dense<0.000000e+00> : vector<8x128xf32>
    %dot_general3A_47 = tpu.matmul %select_n3A_23, %add3A_45, %dot_general3A_46 {dimension_numbers = #tpu.dot_dimension_numbers<[1], [0], [0], [1], [0, 0, 1, 1], [], []>, precision = #tpu.contract_precision<fp32>, transpose_lhs_hint = false} : vector<8x10000xf32>, vector<10000x128xf32>, vector<8x128xf32> -> vector<8x128xf32>
    %reduce_sum3A_48 = arith.constant dense<0.000000e+00> : vector<8xf32>
    %reduce_sum3A_49 = vector.multi_reduction <add>, %select_n3A_23, %reduce_sum3A_48 [1] : vector<8x10000xf32> to vector<8xf32>
    %broadcast_in_dim3A_50 = vector.shape_cast %reduce_sum3A_49 : vector<8xf32> to vector<8x1xf32>
    %get3A_51 = arith.constant 0 : index
    %get3A_52 = arith.constant 0 : index
    %get3A_53 = vector.load %arg5[%get3A_51, %get3A_52] : memref<1x128xf32, #tpu.memory_space<vmem>>, vector<1x128xf32>
    %mul3A = vector.broadcast %broadcast_in_dim3A_50 : vector<8x1xf32> to vector<8x128xf32>
    %mul3A_54 = vector.broadcast %get3A_53 : vector<1x128xf32> to vector<8x128xf32>
    %mul3A_55 = arith.mulf %mul3A, %mul3A_54 : vector<8x128xf32>
    %add3A_56 = arith.addf %dot_general3A_47, %mul3A_55 : vector<8x128xf32>
    %mul3A_57 = arith.constant 2.000000e-04 : f32
    %mul3A_58 = vector.broadcast %mul3A_57 : f32 to vector<8x128xf32>
    %mul3A_59 = arith.mulf %add3A_56, %mul3A_58 : vector<8x128xf32>
    %get3A_60 = arith.constant 0 : index
    %get3A_61 = arith.constant 0 : index
    %get3A_62 = vector.load %arg6[%get3A_60, %get3A_61] : memref<128x128xf32, #tpu.memory_space<vmem>>, vector<128x128xf32>
    %convert_element_type3A_63 = arith.truncf %mul3A_59 : vector<8x128xf32> to vector<8x128xbf16>
    %convert_element_type3A_64 = arith.truncf %get3A_62 : vector<128x128xf32> to vector<128x128xbf16>
    %dot_general3A_65 = arith.constant dense<0.000000e+00> : vector<8x128xf32>
    %dot_general3A_66 = tpu.matmul %convert_element_type3A_63, %convert_element_type3A_64, %dot_general3A_65 {dimension_numbers = #tpu.dot_dimension_numbers<[1], [0], [0], [1], [0, 0, 1, 1], [], []>, transpose_lhs_hint = false} : vector<8x128xbf16>, vector<128x128xbf16>, vector<8x128xf32> -> vector<8x128xf32>
    %get3A_67 = arith.constant 0 : index
    %get3A_68 = arith.constant 0 : index
    %get3A_69 = vector.load %arg7[%get3A_67, %get3A_68] : memref<1x128xf32, #tpu.memory_space<vmem>>, vector<1x128xf32>
    %add3A_70 = vector.broadcast %get3A_69 : vector<1x128xf32> to vector<8x128xf32>
    %add3A_71 = arith.addf %dot_general3A_66, %add3A_70 : vector<8x128xf32>
    %max3A = arith.constant 0.000000e+00 : f32
    %max3A_72 = vector.broadcast %max3A : f32 to vector<8x128xf32>
    %max3A_73 = arith.maximumf %add3A_71, %max3A_72 : vector<8x128xf32>
    %get3A_74 = arith.constant 0 : index
    %get3A_75 = arith.constant 0 : index
    %get3A_76 = vector.load %arg8[%get3A_74, %get3A_75] : memref<128x128xf32, #tpu.memory_space<vmem>>, vector<128x128xf32>
    %convert_element_type3A_77 = arith.truncf %max3A_73 : vector<8x128xf32> to vector<8x128xbf16>
    %convert_element_type3A_78 = arith.truncf %get3A_76 : vector<128x128xf32> to vector<128x128xbf16>
    %dot_general3A_79 = arith.constant dense<0.000000e+00> : vector<8x128xf32>
    %dot_general3A_80 = tpu.matmul %convert_element_type3A_77, %convert_element_type3A_78, %dot_general3A_79 {dimension_numbers = #tpu.dot_dimension_numbers<[1], [0], [0], [1], [0, 0, 1, 1], [], []>, transpose_lhs_hint = false} : vector<8x128xbf16>, vector<128x128xbf16>, vector<8x128xf32> -> vector<8x128xf32>
    %get3A_81 = arith.constant 0 : index
    %get3A_82 = arith.constant 0 : index
    %get3A_83 = vector.load %arg9[%get3A_81, %get3A_82] : memref<1x128xf32, #tpu.memory_space<vmem>>, vector<1x128xf32>
    %add3A_84 = vector.broadcast %get3A_83 : vector<1x128xf32> to vector<8x128xf32>
    %add3A_85 = arith.addf %dot_general3A_80, %add3A_84 : vector<8x128xf32>
    %max3A_86 = arith.constant 0.000000e+00 : f32
    %max3A_87 = vector.broadcast %max3A_86 : f32 to vector<8x128xf32>
    %max3A_88 = arith.maximumf %add3A_85, %max3A_87 : vector<8x128xf32>
    %get3A_89 = arith.constant 0 : index
    %get3A_90 = arith.constant 0 : index
    %get3A_91 = vector.load %arg10[%get3A_89, %get3A_90] : memref<128x128xf32, #tpu.memory_space<vmem>>, vector<128x128xf32>
    %convert_element_type3A_92 = arith.truncf %max3A_88 : vector<8x128xf32> to vector<8x128xbf16>
    %convert_element_type3A_93 = arith.truncf %get3A_91 : vector<128x128xf32> to vector<128x128xbf16>
    %dot_general3A_94 = arith.constant dense<0.000000e+00> : vector<8x128xf32>
    %dot_general3A_95 = tpu.matmul %convert_element_type3A_92, %convert_element_type3A_93, %dot_general3A_94 {dimension_numbers = #tpu.dot_dimension_numbers<[1], [0], [0], [1], [0, 0, 1, 1], [], []>, transpose_lhs_hint = false} : vector<8x128xbf16>, vector<128x128xbf16>, vector<8x128xf32> -> vector<8x128xf32>
    %get3A_96 = arith.constant 0 : index
    %get3A_97 = arith.constant 0 : index
    %get3A_98 = vector.load %arg11[%get3A_96, %get3A_97] : memref<1x128xf32, #tpu.memory_space<vmem>>, vector<1x128xf32>
    %add3A_99 = vector.broadcast %get3A_98 : vector<1x128xf32> to vector<8x128xf32>
    %add3A_100 = arith.addf %dot_general3A_95, %add3A_99 : vector<8x128xf32>
    %swap3A = arith.constant 0 : index
    %swap3A_101 = arith.constant 0 : index
    %swap3A_102 = vector.load %arg12[%swap3A, %swap3A_101] : memref<8x128xf32, #tpu.memory_space<vmem>>, vector<8x128xf32>
    tpu.vector_store %arg12[%swap3A, %swap3A_101], %add3A_100 {strides = array<i32>} : memref<8x128xf32, #tpu.memory_space<vmem>>, vector<8x128xf32>,
    return
  }
}

module attributes {stable_mosaic.version = 14 : i64} {
  func.func @_transform_stage(%arg0: memref<10000x6xf32, #tpu.memory_space<vmem>>, %arg1: memref<8x8xf32, #tpu.memory_space<vmem>>, %arg2: memref<10000x8xf32, #tpu.memory_space<vmem>>) attributes {dimension_semantics = [], scalar_prefetch = 0 : i64, scratch_operands = 0 : i64, tpu.core_type = #tpu.core_type<tc>} {
    %get3A = arith.constant 0 : index
    %get3A_0 = arith.constant 0 : index
    %get3A_1 = vector.load %arg0[%get3A, %get3A_0] : memref<10000x6xf32, #tpu.memory_space<vmem>>, vector<10000x6xf32>
    %slice3A = vector.extract_strided_slice %get3A_1 {offsets = [0, 0], sizes = [10000, 3], strides = [1, 1]} : vector<10000x6xf32> to vector<10000x3xf32>
    %iota3A = tpu.iota {dimensions = array<i32: 0>} : vector<10000x1xi32>
    %lt3A = arith.constant 5000 : i32
    %lt3A_2 = vector.broadcast %lt3A : i32 to vector<10000x1xi32>
    %lt3A_3 = arith.cmpi slt, %iota3A, %lt3A_2 : vector<10000x1xi32>
    %convert_element_type3A = arith.extui %lt3A_3 : vector<10000x1xi1> to vector<10000x1xi32>
    %convert_element_type3A_4 = arith.sitofp %convert_element_type3A : vector<10000x1xi32> to vector<10000x1xf32>
    %sub3A = arith.constant 1.000000e+00 : f32
    %sub3A_5 = vector.broadcast %sub3A : f32 to vector<10000x1xf32>
    %sub3A_6 = arith.subf %sub3A_5, %convert_element_type3A_4 : vector<10000x1xf32>
    %mul3A = vector.broadcast %convert_element_type3A_4 : vector<10000x1xf32> to vector<10000x3xf32>
    %mul3A_7 = arith.mulf %slice3A, %mul3A : vector<10000x3xf32>
    %mul3A_8 = vector.broadcast %sub3A_6 : vector<10000x1xf32> to vector<10000x3xf32>
    %mul3A_9 = arith.mulf %slice3A, %mul3A_8 : vector<10000x3xf32>
    %concatenate3A = tpu.concatenate %mul3A_7, %mul3A_9, %convert_element_type3A_4, %sub3A_6 in 1 : vector<10000x3xf32>, vector<10000x3xf32>, vector<10000x1xf32>, vector<10000x1xf32> -> vector<10000x8xf32>
    %get3A_10 = arith.constant 0 : index
    %get3A_11 = arith.constant 0 : index
    %get3A_12 = vector.load %arg1[%get3A_10, %get3A_11] : memref<8x8xf32, #tpu.memory_space<vmem>>, vector<8x8xf32>
    %dot_general3A = arith.constant dense<0.000000e+00> : vector<10000x8xf32>
    %dot_general3A_13 = tpu.matmul %concatenate3A, %get3A_12, %dot_general3A {dimension_numbers = #tpu.dot_dimension_numbers<[1], [0], [0], [1], [0, 0, 1, 1], [], []>, precision = #tpu.contract_precision<fp32>, transpose_lhs_hint = false} : vector<10000x8xf32>, vector<8x8xf32>, vector<10000x8xf32> -> vector<10000x8xf32>
    %swap3A = arith.constant 0 : index
    %swap3A_14 = arith.constant 0 : index
    %swap3A_15 = vector.load %arg2[%swap3A, %swap3A_14] : memref<10000x8xf32, #tpu.memory_space<vmem>>, vector<10000x8xf32>
    tpu.vector_store %arg2[%swap3A, %swap3A_14], %dot_general3A_13 {strides = array<i32>} : memref<10000x8xf32, #tpu.memory_space<vmem>>, vector<10000x8xf32>,
    return
  }
}

</mosaic_0001>

<sc_bundles>
// kernel: kernel.11.cloned.1.call-start
scs
__scs_entry_jumppad:
0x0: {  	(pc) =	sbr.rel $0x88, $3  }
0x1: {  	(tag) =	ssettag $0x0;
	lr =	simm.s32 $0x1  }
0x2: {  	[smem:$0x3F86] =	sst lr;
	_ =	strace $0xD0000000  }
0x3: {  	_ = 	snop  }
0x4: {  	_ = 	snop  }
0x5: {  	_ = 	snop  }
0x6: {  	_ = 	snop  }
0x7: {  	_ = 	snop  }
__scs_overlays_trampoline_lowered:
0x8: {  	[smem:$0x3F95] =	sst s0  }
0x9: {  	[smem:$0x3F96] =	sst s1  }
0xa: {  	[smem:$0x3F97] =	sst s2  }
0xb: {  	[smem:$0x3F98] =	sst s3  }
0xc: {  	[smem:$0x3F99] =	sst s4  }
0xd: {  	[smem:$0x3F9A] =	sst s5  }
0xe: {  	[smem:$0x3F9B] =	sst s6  }
0xf: {  	[smem:$0x3F9C] =	sst s7  }
0x10: {  	[smem:$0x3F9D] =	sst s8  }
0x11: {  	[smem:$0x3F9E] =	sst s9;
	s0 =	simm.s32 @!p0 $0x0  }
0x12: {  	s1 =	sld [smem:$0x3F84];
	s0 =	simm.s32 @p0 $0x1  }
0x13: {  	[smem:$0x3F9F] =	sst s0;
	s0 =	simm.s32 @!p1 $0x0  }
0x14: {  	s2 =	sld [smem:$0x3F83];
	s0 =	simm.s32 @p1 $0x1  }
0x15: {  	[smem:$0x3FA0] =	sst s0;
	s0 =	simm.s32 @!p2 $0x0  }
0x16: {  	s3 =	sld [smem:$0x3FDB];
	s0 =	simm.s32 @p2 $0x1  }
0x17: {  	s4 =	simm.s32 $0x1BF5;
	[smem:$0x3FA2] =	sst s0  }
0x18: {  	s0 =	sld [smem:$0x3F85];
	_ =	swait.ge [sflag:s4], $0x0  }
0x19: {  	s7 =	sld [smem:$0x3F86]  }
0x1a: {  	s8 =	sadd.s32 $0xFFFFE003, lr  }
0x1b: {  	s9 =	sadd.s32 $0xFFFFFEF7, lr;
	s5 =	simm.s32 $0xFFFFFFFF;
	p2 =	slt.u32 s8, $0xFFFFF086  }
0x1c: {  	p1 =	slt.u32 s9, $0xF7A;
	s5 =	simm.s32 @!p2 $0x0  }
0x1d: {  	s5 =	simm.s32 @p1 $0x1;
	p0 =	seq.s32 s7, s2  }
0x1e: {  	s7 =	smul.u32 @!p0 $0xF7A, s2;
	p2 =	seq.s32 @!p0 s5, $0x0  }
0x1f: {  	s9 =	smul.u32 $0xF7A, s1;
	s8 =	simm.s32 @!p0 $0x1BF5;
	p2 =	por !p2, p0  }
0x20: {  	[sflag:s8] =	ssyncset.s32 @!p0 $0xFFFFF086;
	s6 =	sadd.s32 @!p0 s3, s7;
	s7 =	simm.s32 @!p0 $0x108  }
0x21: {  	s3 =	sadd.s32 s3, s9;
	s6 =	sadd.s32 @!p0 $0x88, s6;
	s7 =	simm.s32 @p2 $0x1082  }
0x22: {  	[simem:s7], [sflag:s8] =	dma.local @!p0 [hbm:s6], $0xF7A  }
0x23: {  	s9 =	sor.u32 $0xD0000000, s2;
	s6 =	simm.s32 $0x108;
	_ =	swait.ge @!p0 [sflag:s8], $0x0  }
0x24: {  	s3 =	sadd.s32 $0x88, s3;
	s6 =	simm.s32 @!p1 $0x1082;
	[sflag:s4] =	ssyncset.s32 $0xFFFFF086  }
0x25: {  	[simem:s6], [sflag:s4] =	dma.local [hbm:s3], $0xF7A  }
0x26: {  	[smem:$0x3F86] =	sst s1;
	(tag) =	ssettag s2;
	_ =	strace s9  }
0x27: {  	s1 =	sld [smem:$0x3F96]  }
0x28: {  	s2 =	sld [smem:$0x3F97]  }
0x29: {  	s4 =	sld [smem:$0x3F99]  }
0x2a: {  	p0 =	seq.s32 s5, $0x0;
	s5 =	sld [smem:$0x3F9A]  }
0x2b: {  	s6 =	sld [smem:$0x3F9B]  }
0x2c: {  	s7 =	sld [smem:$0x3F9C]  }
0x2d: {  	s3 =	simm.s32 $0x108;
	s8 =	sld [smem:$0x3F9D]  }
0x2e: {  	s3 =	simm.s32 @!p0 $0x1082;
	s9 =	sld [smem:$0x3F9E]  }
0x2f: {  	lr =	sadd.s32 s0, s3;
	s0 =	sld [smem:$0x3F95]  }
0x30: {  	s3 =	sld [smem:$0x3F98]  }
0x31: {  	[smem:$0x3FA1] =	sst s10  }
0x32: {  	s10 =	sld [smem:$0x3F9F];
	_ =	sdelay $0x3  }
0x33: {  	p0 =	seq.s32 s10, $0x1;
	s10 =	sld [smem:$0x3FA1];
	_ =	sdelay $0x3  }
0x34: {  	[smem:$0x3FA1] =	sst s10  }
0x35: {  	s10 =	sld [smem:$0x3FA0];
	_ =	sdelay $0x3  }
0x36: {  	p1 =	seq.s32 s10, $0x1;
	s10 =	sld [smem:$0x3FA1];
	_ =	sdelay $0x3  }
0x37: {  	[smem:$0x3FA1] =	sst s10  }
0x38: {  	s10 =	sld [smem:$0x3FA2]  }
0x39: {  	_ = 	snop;
	(pc) =	sbr.ind lr, $3  }
0x3a: {  	_ = 	snop  }
0x3b: {  	_ = 	snop  }
0x3c: {  	p2 =	seq.s32 s10, $0x1;
	s10 =	sld [smem:$0x3FA1]  }
0x3d: {  	_ =	shalt  }
0x3e: {  	_ =	shalt  }
0x3f: {  	_ =	shalt  }
0x40: {  	_ =	shalt  }
0x41: {  	_ =	shalt  }
0x42: {  	_ =	shalt  }
0x43: {  	_ =	shalt  }
0x44: {  	_ =	shalt  }
0x45: {  	_ =	shalt  }
0x46: {  	_ =	shalt  }
0x47: {  	_ =	shalt  }
0x48: {  	_ =	shalt  }
0x49: {  	_ =	shalt  }
0x4a: {  	_ =	shalt  }
0x4b: {  	_ =	shalt  }
0x4c: {  	_ =	shalt  }
0x4d: {  	_ =	shalt  }
0x4e: {  	_ =	shalt  }
0x4f: {  	_ =	shalt  }
0x50: {  	_ =	shalt  }
0x51: {  	_ =	shalt  }
0x52: {  	_ =	shalt  }
0x53: {  	_ =	shalt  }
0x54: {  	_ =	shalt  }
0x55: {  	_ =	shalt  }
0x56: {  	_ =	shalt  }
0x57: {  	_ =	shalt  }
0x58: {  	_ =	shalt  }
0x59: {  	_ =	shalt  }
0x5a: {  	_ =	shalt  }
0x5b: {  	_ =	shalt  }
0x5c: {  	_ =	shalt  }
0x5d: {  	_ =	shalt  }
0x5e: {  	_ =	shalt  }
0x5f: {  	_ =	shalt  }
0x60: {  	_ =	shalt  }
0x61: {  	_ =	shalt  }
0x62: {  	_ =	shalt  }
0x63: {  	_ =	shalt  }
0x64: {  	_ =	shalt  }
0x65: {  	_ =	shalt  }
0x66: {  	_ =	shalt  }
0x67: {  	_ =	shalt  }
0x68: {  	_ =	shalt  }
0x69: {  	_ =	shalt  }
0x6a: {  	_ =	shalt  }
0x6b: {  	_ =	shalt  }
0x6c: {  	_ =	shalt  }
0x6d: {  	_ =	shalt  }
0x6e: {  	_ =	shalt  }
0x6f: {  	_ =	shalt  }
0x70: {  	_ =	shalt  }
0x71: {  	_ =	shalt  }
0x72: {  	_ =	shalt  }
0x73: {  	_ =	shalt  }
0x74: {  	_ =	shalt  }
0x75: {  	_ =	shalt  }
0x76: {  	_ =	shalt  }
0x77: {  	_ =	shalt  }
0x78: {  	_ =	shalt  }
0x79: {  	_ =	shalt  }
0x7a: {  	_ =	shalt  }
0x7b: {  	_ =	shalt  }
0x7c: {  	_ =	shalt  }
0x7d: {  	_ =	shalt  }
0x7e: {  	_ =	shalt  }
0x7f: {  	_ =	shalt  }
0x80: {  	_ =	shalt  }
0x81: {  	_ =	shalt  }
0x82: {  	_ =	shalt  }
0x83: {  	_ =	shalt  }
0x84: {  	_ =	shalt  }
0x85: {  	_ =	shalt  }
0x86: {  	_ =	shalt  }
0x87: {  	_ =	shalt  }
.Lfunc_end0:
.L_simem_size_0:
called_computation.1_lowered:
.L_overlay_start_0:
0x88: {  	s2 =	sld [smem:$0x3FD9]  }
0x89: {  	s3 =	sld [smem:$0x3FFE];
	_ =	sdelay $0x1  }
0x8a: {  	s1 =	srdreg.scid  }
0x8b: {  	s0 =	sand.u32 $0x1, s1  }
0x8c: {  	s16 =	sshll.u32 s0, $0xA;
	s2 =	sadd.s32 s3, s2  }
0x8d: {  	s2 =	sadd.s32 s2, s16  }
0x8e: {  	[smem:$0x3FAD] =	sst s2  }
0x8f: {  	_ = 	snop  }
0x90: {  	(tm) =	ssettm $0x1  }
0x91: {  	s17 =	sld [smem:$0x3FFB];
	_ =	sdelay $0x3  }
0x92: {  	_ =	strace s17  }
0x93: {  	s2 =	sld [smem:$0x3FFC];
	_ =	sdelay $0x3  }
0x94: {  	_ =	strace s2  }
0x95: {  	s2 =	sld [smem:$0x3FFD];
	_ =	sdelay $0x3  }
0x96: {  	_ =	strace s2  }
0x97: {  	_ =	strace $0x8FFFFFFF  }
0x98: {  	s18 =	sld [smem:$0x3FDB];
	_ =	sdelay $0x1  }
0x99: {  	s19 =	simm.s32 $_scs_section_size  }
0x9a: {  	s4 =	simm.s32 $_size__tile_overlayer_lowered;
	s5 =	simm.s32 $_tile_overlayer_lowered  }
0x9b: {  	s22 =	simm.s32 $0x1BFF;
	s21 =	sshll.u32 s5, $0x1;
	s2 =	sadd.s32 s19, s18  }
0x9c: {  	s6 =	simm.s32 $0x0;
	s20 =	sshll.u32 s4, $0x1;
	s4 =	sadd.s32 s21, s2  }
0x9d: {  	[timem:s6], [sflag:s22] =	dma.local [hbm:s4], s20  }
0x9e: {  	_ =	swait.ge [sflag:s22], s20  }
0x9f: {  	s3 =	ssub.s32 $0x0, s20;
	[sflag:s22] =	ssyncset.done $0x0  }
0xa0: {  	[sflag:s22] =	ssyncadd.s32 s3;
	_ =	sdelay $0x1  }
0xa1: {  	s23 =	simm.s32 $0x1B8B  }
0xa2: {  	_ =	swait.ge [sflag:s23], $0x1  }
0xa3: {  	[sflag:s23] =	ssyncset.done $0x0  }
0xa4: {  	s25 =	simm.s32 $0x1B8E;
	s24 =	sld [smem:$0x3FFE];
	[sflag:s23] =	ssyncadd.s32 $0xFFFFFFFF  }
0xa5: {  	s26 =	simm.s32 $execute0_lowered;
	[smem:$0x3FD2] =	sst s25  }
0xa6: {  	s4 =	sshll.u32 s26, $0x1;
	_ =	strace $0x80000049;
	[dreg:$0x1] =	wrdreg $0xFFFFFFFF  }
0xa7: {  	s28 =	simm.s32 $_size_execute0_lowered;
	s2 =	sadd.s32 s2, s4;
	[dreg:$0x0] =	wrdreg $0x0  }
0xa8: {  	s4 =	sshll.u32 s28, $0x1;
	[dreg:$0x2] =	wrdreg s2  }
0xa9: {  	[dreg:$0x3] =	wrdreg s4  }
0xaa: {  	[dreg:$0x4] =	wrdreg $0xC0  }
0xab: {  	_ =	task [dreg:s6], $0x5FFFF  }
0xac: {  	[dreg:$0x1] =	wrdreg $0xFFFFFFFF  }
0xad: {  	[dreg:$0x0] =	wrdreg $0x60  }
0xae: {  	[dreg:$0x2] =	wrdreg s24  }
0xaf: {  	[dreg:$0x3] =	wrdreg $0x51000  }
0xb0: {  	[dreg:$0x4] =	wrdreg $0x9  }
0xb1: {  	_ =	task.clear_ibuf [dreg:s6], $0x5FFFF;
	_ =	strace $0x90000049  }
0xb2: {  	s29 =	simm.s32 $0x9;
	_ =	strace $0x8000004B  }
0xb3: {  	_ =	swait.ge [sflag:s29], $0x1  }
0xb4: {  	[sflag:s29] =	ssyncadd.s32 $0xFFFFFFFF  }
0xb5: {  	_ =	strace $0x9000004B  }
0xb6: {  	_ =	sfence  }
0xb7: {  	s30 =	sld [smem:$0x0];
	_ =	sdelay $0x2  }
0xb8: {  	s31 =	sshll.u32 s1, $0xD;
	s1 =	sshrl.u32 s1, $0x2  }
0xb9: {  	s3 =	sand.u32 $0x4000, s31;
	s1 =	sadd.s32 s1, s30  }
0xba: {  	s0 =	sor.u32 s3, s0;
	s1 =	sshll.u32 s1, $0x11  }
0xbb: {  	s0 =	sor.u32 s1, s0  }
0xbc: {  	s0 =	sadd.s32 $0x8F2B, s0  }
0xbd: {  	[sflag:s0] =	ssyncadd.remote.s32 $0x1  }
0xbe: {  	_ =	sfence.sel $0xFFFF  }
0xbf: {  	[dreg:$0x0] =	wrdreg $0xFFFFFFFF;
	(pc) =	sbr.abs _section_cstart, $3  }
0xc0: {  	[dreg:$0x1] =	wrdreg $0xFFFFFFFF  }
0xc1: {  	_ =	task.clear_ibuf [dreg:s6], $0x2FFFF;
	_ =	strace $0x9FFFFFFF  }
0xc2: {  	(tm) =	ssettm $0x7FFFFFFF  }
0xc3: {  	_ =	shalt  }
tec
execute0_lowered:
.L_overlay_start_1:
0x0: {  	(tag) =	ssettag $0x1  }
0x1: {  	s5 =	rddreg [dreg:$0x0]  }
0x2: {  	s2 =	rddreg [dreg:$0x1]  }
0x3: {  	s0 =	rddreg [dreg:$0x2];
	s1 =	stileid.u32  }
0x4: {  	s3 =	simm.s32 $0x0;
	s4 =	srdreg.scid;
	s6 =	smul.u32 $0x2800, s1  }
0x5: {  	s18 =	simm.s32 $0x2900;
	s19 =	simm.s32 $0x80;
	s12 =	smul.u32 $0x50000, s1  }
0x6: {  	[smem:$0x7FF] =	sst s3;
	s9 =	sand.u32 $0x1, s4;
	s24 =	smul.u32 $0x4E20, s1  }
0x7: {  	s10 =	sadd.s32 $0x5F8200, s5;
	s4 =	sadd.s32 $0x66200, s5;
	s26 =	smul.u32 $0x4E200, s1  }
0x8: {  	s20 =	sshll.u32 s1, $0x1;
	s23 =	sshll.u32 s1, $0x6;
	s7 =	smul.u32 $0x28000, s9  }
0x9: {  	_ =	strace $0x8000004A;
	s11 =	ssub.s32 $0x2, s9;
	s16 =	smul.u32 $0x2710, s9  }
0xa: {  	s17 =	smul.u32 $0x27100, s9;
	s8 =	sadd.s32 s6, s5;
	s21 =	sshrl.u32 s11, $0x1  }
0xb: {  	s22 =	sshrl.u32 s12, $0x2;
	s28 =	sadd.s32 s26, s10;
	s6 =	sadd.s32 s6, s7  }
0xc: {  	s7 =	sor.u32 s9, s20;
	s11 =	ssub.s32 s11, s21;
	s15 =	sadd.s32 s22, s2  }
0xd: {  	s12 =	sadd.s32 s16, s24;
	s30 =	sadd.s32 s17, s28;
	s16 =	simm.s32 $0x100  }
0xe: {  	s17 =	simm.s32 $0x1;
	s20 =	simm.s32 $0x50;
	s21 =	simm.s32 $0x2  }
0xf: {  	s22 =	simm.s32 $0x0;
	s13 =	sadd.s32 s6, s5;
	s14 =	smul.u32 $0x2710, s7  }
0x10: {  	s7 =	smul.u32 $0x27100, s7;
	s5 =	sadd.s32 $0x70000, s8;
	s6 =	sor.u32 $0x1C03, s23  }
0x11: {  	s29 =	sadd.s32 $0x50, s12;
	s12 =	sadd.s32 $0xA0, s12;
	s9 =	sadd.s32 $0x98000, s13  }
0x12: {  	s31 =	sshrl.u32 s29, $0x3;
	s7 =	sadd.s32 s10, s7;
	s25 =	sshrl.u32 s14, $0x3  }
0x13: {  	s10 =	smax.u32 s11, $0x1;
	s11 =	sadd.s32 $0xA00, s30;
	s13 =	sadd.s32 s31, s4  }
0x14: {  	s14 =	sshrl.u32 s15, $0x3;
	s15 =	simm.s32 $0x3;
	s8 =	sadd.s32 s4, s25  }
.LBB2_1:
0x15: {  	[spmem:s14], [sflag:s6] =	dma.local [hbm:s5], $0x2800  }
0x16: {  	_ =	swait.ge [sflag:s15], $0x2800  }
0x17: {  	[sflag:s15] =	ssyncset.done $0x0  }
0x18: {  	[sflag:s15] =	ssyncadd.s32 $0xFFFFD800  }
0x19: {  	[bflag:$0x0] =	sbarrier.arrive $0xFFFF  }
0x1a: {  	[tilespmem:s16], [sflag:$0x1] =	stream.linear.gather [hbm4b:s7+s3], $0x2800, $0x38;
	[tilespmem:$0x19100] =	vst v63  }
0x1b: {  	_ = 	snop  }
0x1c: {  	[tilespmem:s3], [sflag:$0x1] =	stream.linear.gather [hbm4b:s8+s3], $0x50, $0x38;
	[tilespmem:$0x19100] =	vst v63  }
0x1d: {  	_ =	swait.ge [sflag:s17], $0x2800  }
0x1e: {  	[sflag:s17] =	ssyncset.done $0x0  }
0x1f: {  	[sflag:s17] =	ssyncadd.s32 $0xFFFFD800  }
0x20: {  	_ =	swait.ge [sflag:s17], $0x50  }
0x21: {  	[sflag:s17] =	ssyncset.done $0x0  }
0x22: {  	s23 =	sadd.s32 $0xFFFFFB00, s11;
	[sflag:s17] =	ssyncadd.s32 $0xFFFFFFB0  }
0x23: {  	[tilespmem:s18], [sflag:$0x2] =	stream.linear.gather [hbm4b:s23+s3], $0x2800, $0x38;
	[tilespmem:$0x19100] =	vst v63  }
0x24: {  	s30 =	sadd.s32 $0x0, s13  }
0x25: {  	[tilespmem:s19], [sflag:$0x2] =	stream.linear.gather [hbm4b:s30+s3], $0x50, $0x38;
	[tilespmem:$0x19100] =	vst v63  }
0x26: {  	_ = 	snop  }
0x27: {  	[spmem:s2] =	stream.indirect.scatter.add.f32 [tilespmem:s16], [sflag:$0x3], $0x80, s3, s20, $0xb8;
	[tilespmem:$0x19100] =	vst v63  }
0x28: {  	_ =	swait.ge [sflag:s15], $0x2800  }
0x29: {  	[sflag:s15] =	ssyncset.done $0x0  }
0x2a: {  	[sflag:s15] =	ssyncadd.s32 $0xFFFFD800  }
0x2b: {  	_ =	swait.ge [sflag:s21], $0x2800  }
0x2c: {  	[sflag:s21] =	ssyncset.done $0x0  }
0x2d: {  	[sflag:s21] =	ssyncadd.s32 $0xFFFFD800  }
0x2e: {  	_ =	swait.ge [sflag:s21], $0x50  }
0x2f: {  	[sflag:s21] =	ssyncset.done $0x0  }
0x30: {  	s31 =	sshrl.u32 s12, $0x3;
	[sflag:s21] =	ssyncadd.s32 $0xFFFFFFB0  }
0x31: {  	[tilespmem:s16], [sflag:$0x1] =	stream.linear.gather [hbm4b:s11+s3], $0x2800, $0x38;
	[tilespmem:$0x19100] =	vst v63  }
0x32: {  	s23 =	sadd.s32 s4, s31  }
0x33: {  	[tilespmem:s3], [sflag:$0x1] =	stream.linear.gather [hbm4b:s23+s3], $0x50, $0x38;
	[tilespmem:$0x19100] =	vst v63  }
0x34: {  	_ = 	snop  }
0x35: {  	[spmem:s2] =	stream.indirect.scatter.add.f32 [tilespmem:s18], [sflag:$0x3], $0x80, s19, s20, $0xb8;
	[tilespmem:$0x19100] =	vst v63  }
0x36: {  	s24 =	smov.u32 s11;
	_ =	swait.ge [sflag:s15], $0x2800  }
0x37: {  	s25 =	smov.u32 s12;
	s23 =	simm.s32 $0x14;
	[sflag:s15] =	ssyncset.done $0x0  }
.LBB2_2:
0x38: {  	[sflag:s15] =	ssyncadd.s32 $0xFFFFD800;
	s24 =	sadd.s32 $0xA00, s24;
	s25 =	sadd.s32 $0xA0, s25  }
0x39: {  	p0 =	sne.s32 s23, $0x4C4;
	s26 =	smov.u32 s23;
	s23 =	sadd.s32 $0x14, s23  }
0x3a: {  	_ =	swait.ge [sflag:s17], $0x2800  }
0x3b: {  	[sflag:s17] =	ssyncset.done $0x0  }
0x3c: {  	[sflag:s17] =	ssyncadd.s32 $0xFFFFD800  }
0x3d: {  	_ =	swait.ge [sflag:s17], $0x50  }
0x3e: {  	[sflag:s17] =	ssyncset.done $0x0  }
0x3f: {  	s28 =	sadd.s32 $0xFFFFFB00, s24;
	[sflag:s17] =	ssyncadd.s32 $0xFFFFFFB0  }
0x40: {  	[tilespmem:s18], [sflag:$0x2] =	stream.linear.gather [hbm4b:s28+s3], $0x2800, $0x38;
	[tilespmem:$0x19100] =	vst v63  }
0x41: {  	s26 =	sadd.s32 s26, s13  }
0x42: {  	[tilespmem:s19], [sflag:$0x2] =	stream.linear.gather [hbm4b:s26+s3], $0x50, $0x38;
	[tilespmem:$0x19100] =	vst v63  }
0x43: {  	_ = 	snop  }
0x44: {  	[spmem:s2] =	stream.indirect.scatter.add.f32 [tilespmem:s16], [sflag:$0x3], $0x80, s3, s20, $0xb8;
	[tilespmem:$0x19100] =	vst v63  }
0x45: {  	_ =	swait.ge [sflag:s15], $0x2800  }
0x46: {  	[sflag:s15] =	ssyncset.done $0x0  }
0x47: {  	[sflag:s15] =	ssyncadd.s32 $0xFFFFD800  }
0x48: {  	_ =	swait.ge [sflag:s21], $0x2800  }
0x49: {  	[sflag:s21] =	ssyncset.done $0x0  }
0x4a: {  	[sflag:s21] =	ssyncadd.s32 $0xFFFFD800  }
0x4b: {  	_ =	swait.ge [sflag:s21], $0x50  }
0x4c: {  	[sflag:s21] =	ssyncset.done $0x0  }
0x4d: {  	s26 =	sshrl.u32 s25, $0x3;
	[sflag:s21] =	ssyncadd.s32 $0xFFFFFFB0  }
0x4e: {  	[tilespmem:s16], [sflag:$0x1] =	stream.linear.gather [hbm4b:s24+s3], $0x2800, $0x38;
	[tilespmem:$0x19100] =	vst v63  }
0x4f: {  	s26 =	sadd.s32 s4, s26  }
0x50: {  	[tilespmem:s3], [sflag:$0x1] =	stream.linear.gather [hbm4b:s26+s3], $0x50, $0x38;
	[tilespmem:$0x19100] =	vst v63  }
.Ltmp0:
0x51: {  	_ = 	snop;
	(pc) =	sbr.rel @p0 .LBB2_2-.Ltmp0, $4  }
0x52: {  	_ = 	snop  }
0x53: {  	[spmem:s2] =	stream.indirect.scatter.add.f32 [tilespmem:s18], [sflag:$0x3], $0x80, s19, s20, $0xb8;
	[tilespmem:$0x19100] =	vst v63  }
0x54: {  	_ =	swait.ge [sflag:s15], $0x2800  }
0x55: {  	[sflag:s15] =	ssyncset.done $0x0  }
0x56: {  	[sflag:s15] =	ssyncadd.s32 $0xFFFFD800  }
0x57: {  	_ =	swait.ge [sflag:s17], $0x2800  }
0x58: {  	[sflag:s17] =	ssyncset.done $0x0  }
0x59: {  	[sflag:s17] =	ssyncadd.s32 $0xFFFFD800  }
0x5a: {  	_ =	swait.ge [sflag:s17], $0x50  }
0x5b: {  	[sflag:s17] =	ssyncset.done $0x0  }
0x5c: {  	[sflag:s17] =	ssyncadd.s32 $0xFFFFFFB0  }
0x5d: {  	[spmem:s2] =	stream.indirect.scatter.add.f32 [tilespmem:s16], [sflag:$0x3], $0x80, s3, s20, $0xb8;
	[tilespmem:$0x19100] =	vst v63  }
0x5e: {  	_ =	swait.ge [sflag:s15], $0x2800  }
0x5f: {  	s22 =	sadd.s32 $0x1, s22;
	[sflag:s15] =	ssyncset.done $0x0  }
0x60: {  	p0 =	sne.s32 s22, s10;
	[sflag:s15] =	ssyncadd.s32 $0xFFFFD800  }
.Ltmp1:
0x61: {  	[bflag:$0x0] =	sbarrier.arrive $0xFFFF;
	(pc) =	sbr.rel @p0 .LBB2_1-.Ltmp1, $4  }
0x62: {  	[hbm:s9], [sflag:s6] =	dma.local [spmem:s14], $0x2800  }
0x63: {  	_ =	swait.ge [sflag:s15], $0x2800  }
0x64: {  	[sflag:s15] =	ssyncset.done $0x0  }
0x65: {  	[sflag:s15] =	ssyncadd.s32 $0xFFFFD800  }
0x66: {  	_ =	sfence.sel $0x180000  }
0x67: {  	[bflag:$0x0] =	sbarrier.arrive $0xFFFF  }
0x68: {  	p0 =	sne.s32 s1, $0x0;
	_ =	strace $0x9000004A  }
0x69: {  	s0 =	sadd.s32 @!p0 $0x100000, s0;
	[bflag:$0x2] =	sbarrier.arrive $0xFFFF  }
0x6a: {  	[sflag:s0] =	ssyncadd.tile.s32 @!p0 $0x1;
	_ =	shalt  }
.Lfunc_end2:
_tile_overlayer_lowered:
.L_overlay_start_2:
0x6b: {  	(tag) =	ssettag $0x2  }
0x6c: {  	s0 =	rddreg [dreg:$0x0];
	s2 =	stileid.u32  }
0x6d: {  	s1 =	rddreg [dreg:$0x1];
	p0 =	sne.s32 s2, $0x0  }
0x6e: {  	s3 =	rddreg [dreg:$0x2];
	[bflag:$0x3] =	sbarrier.arrive $0xFFFF;
	s2 =	simm.s32 @!p0 $0x1C03  }
0x6f: {  	[timem:s3], [sflag:s2] =	dma.local @!p0 [hbm:s0], s1  }
0x70: {  	s0 =	simm.s32 @!p0 $0x3  }
0x71: {  	_ =	swait.ge @!p0 [sflag:s0], s1  }
0x72: {  	s1 =	ssub.s32 @!p0 $0x0, s1;
	[sflag:s0] =	ssyncset.done @!p0 $0x0  }
0x73: {  	[sflag:s0] =	ssyncadd.s32 @!p0 s1  }
0x74: {  	[bflag:$0x3] =	sbarrier.arrive $0xFFFF  }
0x75: {  	_ =	shalt  }

// kernel: kernel.8.cloned.1.call-start
scs
__scs_entry_jumppad:
0x0: {  	(pc) =	sbr.rel $0x88, $3  }
0x1: {  	(tag) =	ssettag $0x0;
	lr =	simm.s32 $0x1  }
0x2: {  	[smem:$0x3F86] =	sst lr;
	_ =	strace $0xD0000000  }
0x3: {  	_ = 	snop  }
0x4: {  	_ = 	snop  }
0x5: {  	_ = 	snop  }
0x6: {  	_ = 	snop  }
0x7: {  	_ = 	snop  }
__scs_overlays_trampoline_lowered:
0x8: {  	[smem:$0x3F95] =	sst s0  }
0x9: {  	[smem:$0x3F96] =	sst s1  }
0xa: {  	[smem:$0x3F97] =	sst s2  }
0xb: {  	[smem:$0x3F98] =	sst s3  }
0xc: {  	[smem:$0x3F99] =	sst s4  }
0xd: {  	[smem:$0x3F9A] =	sst s5  }
0xe: {  	[smem:$0x3F9B] =	sst s6  }
0xf: {  	[smem:$0x3F9C] =	sst s7  }
0x10: {  	[smem:$0x3F9D] =	sst s8  }
0x11: {  	[smem:$0x3F9E] =	sst s9;
	s0 =	simm.s32 @!p0 $0x0  }
0x12: {  	s1 =	sld [smem:$0x3F84];
	s0 =	simm.s32 @p0 $0x1  }
0x13: {  	[smem:$0x3F9F] =	sst s0;
	s0 =	simm.s32 @!p1 $0x0  }
0x14: {  	s2 =	sld [smem:$0x3F83];
	s0 =	simm.s32 @p1 $0x1  }
0x15: {  	[smem:$0x3FA0] =	sst s0;
	s0 =	simm.s32 @!p2 $0x0  }
0x16: {  	s3 =	sld [smem:$0x3FDB];
	s0 =	simm.s32 @p2 $0x1  }
0x17: {  	s4 =	simm.s32 $0x1BF5;
	[smem:$0x3FA2] =	sst s0  }
0x18: {  	s0 =	sld [smem:$0x3F85];
	_ =	swait.ge [sflag:s4], $0x0  }
0x19: {  	s7 =	sld [smem:$0x3F86]  }
0x1a: {  	s8 =	sadd.s32 $0xFFFFE003, lr  }
0x1b: {  	s9 =	sadd.s32 $0xFFFFFEF7, lr;
	s5 =	simm.s32 $0xFFFFFFFF;
	p2 =	slt.u32 s8, $0xFFFFF086  }
0x1c: {  	p1 =	slt.u32 s9, $0xF7A;
	s5 =	simm.s32 @!p2 $0x0  }
0x1d: {  	s5 =	simm.s32 @p1 $0x1;
	p0 =	seq.s32 s7, s2  }
0x1e: {  	s7 =	smul.u32 @!p0 $0xF7A, s2;
	p2 =	seq.s32 @!p0 s5, $0x0  }
0x1f: {  	s9 =	smul.u32 $0xF7A, s1;
	s8 =	simm.s32 @!p0 $0x1BF5;
	p2 =	por !p2, p0  }
0x20: {  	[sflag:s8] =	ssyncset.s32 @!p0 $0xFFFFF086;
	s6 =	sadd.s32 @!p0 s3, s7;
	s7 =	simm.s32 @!p0 $0x108  }
0x21: {  	s3 =	sadd.s32 s3, s9;
	s6 =	sadd.s32 @!p0 $0x88, s6;
	s7 =	simm.s32 @p2 $0x1082  }
0x22: {  	[simem:s7], [sflag:s8] =	dma.local @!p0 [hbm:s6], $0xF7A  }
0x23: {  	s9 =	sor.u32 $0xD0000000, s2;
	s6 =	simm.s32 $0x108;
	_ =	swait.ge @!p0 [sflag:s8], $0x0  }
0x24: {  	s3 =	sadd.s32 $0x88, s3;
	s6 =	simm.s32 @!p1 $0x1082;
	[sflag:s4] =	ssyncset.s32 $0xFFFFF086  }
0x25: {  	[simem:s6], [sflag:s4] =	dma.local [hbm:s3], $0xF7A  }
0x26: {  	[smem:$0x3F86] =	sst s1;
	(tag) =	ssettag s2;
	_ =	strace s9  }
0x27: {  	s1 =	sld [smem:$0x3F96]  }
0x28: {  	s2 =	sld [smem:$0x3F97]  }
0x29: {  	s4 =	sld [smem:$0x3F99]  }
0x2a: {  	p0 =	seq.s32 s5, $0x0;
	s5 =	sld [smem:$0x3F9A]  }
0x2b: {  	s6 =	sld [smem:$0x3F9B]  }
0x2c: {  	s7 =	sld [smem:$0x3F9C]  }
0x2d: {  	s3 =	simm.s32 $0x108;
	s8 =	sld [smem:$0x3F9D]  }
0x2e: {  	s3 =	simm.s32 @!p0 $0x1082;
	s9 =	sld [smem:$0x3F9E]  }
0x2f: {  	lr =	sadd.s32 s0, s3;
	s0 =	sld [smem:$0x3F95]  }
0x30: {  	s3 =	sld [smem:$0x3F98]  }
0x31: {  	[smem:$0x3FA1] =	sst s10  }
0x32: {  	s10 =	sld [smem:$0x3F9F];
	_ =	sdelay $0x3  }
0x33: {  	p0 =	seq.s32 s10, $0x1;
	s10 =	sld [smem:$0x3FA1];
	_ =	sdelay $0x3  }
0x34: {  	[smem:$0x3FA1] =	sst s10  }
0x35: {  	s10 =	sld [smem:$0x3FA0];
	_ =	sdelay $0x3  }
0x36: {  	p1 =	seq.s32 s10, $0x1;
	s10 =	sld [smem:$0x3FA1];
	_ =	sdelay $0x3  }
0x37: {  	[smem:$0x3FA1] =	sst s10  }
0x38: {  	s10 =	sld [smem:$0x3FA2]  }
0x39: {  	_ = 	snop;
	(pc) =	sbr.ind lr, $3  }
0x3a: {  	_ = 	snop  }
0x3b: {  	_ = 	snop  }
0x3c: {  	p2 =	seq.s32 s10, $0x1;
	s10 =	sld [smem:$0x3FA1]  }
0x3d: {  	_ =	shalt  }
0x3e: {  	_ =	shalt  }
0x3f: {  	_ =	shalt  }
0x40: {  	_ =	shalt  }
0x41: {  	_ =	shalt  }
0x42: {  	_ =	shalt  }
0x43: {  	_ =	shalt  }
0x44: {  	_ =	shalt  }
0x45: {  	_ =	shalt  }
0x46: {  	_ =	shalt  }
0x47: {  	_ =	shalt  }
0x48: {  	_ =	shalt  }
0x49: {  	_ =	shalt  }
0x4a: {  	_ =	shalt  }
0x4b: {  	_ =	shalt  }
0x4c: {  	_ =	shalt  }
0x4d: {  	_ =	shalt  }
0x4e: {  	_ =	shalt  }
0x4f: {  	_ =	shalt  }
0x50: {  	_ =	shalt  }
0x51: {  	_ =	shalt  }
0x52: {  	_ =	shalt  }
0x53: {  	_ =	shalt  }
0x54: {  	_ =	shalt  }
0x55: {  	_ =	shalt  }
0x56: {  	_ =	shalt  }
0x57: {  	_ =	shalt  }
0x58: {  	_ =	shalt  }
0x59: {  	_ =	shalt  }
0x5a: {  	_ =	shalt  }
0x5b: {  	_ =	shalt  }
0x5c: {  	_ =	shalt  }
0x5d: {  	_ =	shalt  }
0x5e: {  	_ =	shalt  }
0x5f: {  	_ =	shalt  }
0x60: {  	_ =	shalt  }
0x61: {  	_ =	shalt  }
0x62: {  	_ =	shalt  }
0x63: {  	_ =	shalt  }
0x64: {  	_ =	shalt  }
0x65: {  	_ =	shalt  }
0x66: {  	_ =	shalt  }
0x67: {  	_ =	shalt  }
0x68: {  	_ =	shalt  }
0x69: {  	_ =	shalt  }
0x6a: {  	_ =	shalt  }
0x6b: {  	_ =	shalt  }
0x6c: {  	_ =	shalt  }
0x6d: {  	_ =	shalt  }
0x6e: {  	_ =	shalt  }
0x6f: {  	_ =	shalt  }
0x70: {  	_ =	shalt  }
0x71: {  	_ =	shalt  }
0x72: {  	_ =	shalt  }
0x73: {  	_ =	shalt  }
0x74: {  	_ =	shalt  }
0x75: {  	_ =	shalt  }
0x76: {  	_ =	shalt  }
0x77: {  	_ =	shalt  }
0x78: {  	_ =	shalt  }
0x79: {  	_ =	shalt  }
0x7a: {  	_ =	shalt  }
0x7b: {  	_ =	shalt  }
0x7c: {  	_ =	shalt  }
0x7d: {  	_ =	shalt  }
0x7e: {  	_ =	shalt  }
0x7f: {  	_ =	shalt  }
0x80: {  	_ =	shalt  }
0x81: {  	_ =	shalt  }
0x82: {  	_ =	shalt  }
0x83: {  	_ =	shalt  }
0x84: {  	_ =	shalt  }
0x85: {  	_ =	shalt  }
0x86: {  	_ =	shalt  }
0x87: {  	_ =	shalt  }
.Lfunc_end0:
.L_simem_size_0:
called_computation_lowered:
.L_overlay_start_0:
0x88: {  	s2 =	sld [smem:$0x3FD9]  }
0x89: {  	s3 =	sld [smem:$0x3FFE];
	_ =	sdelay $0x1  }
0x8a: {  	s1 =	srdreg.scid  }
0x8b: {  	s0 =	sand.u32 $0x1, s1  }
0x8c: {  	s16 =	sshll.u32 s0, $0xA;
	s2 =	sadd.s32 s3, s2  }
0x8d: {  	s2 =	sadd.s32 s2, s16  }
0x8e: {  	[smem:$0x3FAD] =	sst s2  }
0x8f: {  	_ = 	snop  }
0x90: {  	(tm) =	ssettm $0x1  }
0x91: {  	s17 =	sld [smem:$0x3FFB];
	_ =	sdelay $0x3  }
0x92: {  	_ =	strace s17  }
0x93: {  	s2 =	sld [smem:$0x3FFC];
	_ =	sdelay $0x3  }
0x94: {  	_ =	strace s2  }
0x95: {  	s2 =	sld [smem:$0x3FFD];
	_ =	sdelay $0x3  }
0x96: {  	_ =	strace s2  }
0x97: {  	_ =	strace $0x8FFFFFFF  }
0x98: {  	s18 =	sld [smem:$0x3FDB];
	_ =	sdelay $0x1  }
0x99: {  	s19 =	simm.s32 $_scs_section_size  }
0x9a: {  	s4 =	simm.s32 $_size__tile_overlayer_lowered;
	s5 =	simm.s32 $_tile_overlayer_lowered  }
0x9b: {  	s22 =	simm.s32 $0x1BFF;
	s21 =	sshll.u32 s5, $0x1;
	s2 =	sadd.s32 s19, s18  }
0x9c: {  	s6 =	simm.s32 $0x0;
	s20 =	sshll.u32 s4, $0x1;
	s4 =	sadd.s32 s21, s2  }
0x9d: {  	[timem:s6], [sflag:s22] =	dma.local [hbm:s4], s20  }
0x9e: {  	_ =	swait.ge [sflag:s22], s20  }
0x9f: {  	s3 =	ssub.s32 $0x0, s20;
	[sflag:s22] =	ssyncset.done $0x0  }
0xa0: {  	[sflag:s22] =	ssyncadd.s32 s3;
	_ =	sdelay $0x1  }
0xa1: {  	s23 =	simm.s32 $0x1B8B  }
0xa2: {  	_ =	swait.ge [sflag:s23], $0x1  }
0xa3: {  	[sflag:s23] =	ssyncset.done $0x0  }
0xa4: {  	s25 =	simm.s32 $0x1B8E;
	s24 =	sld [smem:$0x3FFE];
	[sflag:s23] =	ssyncadd.s32 $0xFFFFFFFF  }
0xa5: {  	s26 =	simm.s32 $execute0_lowered;
	[smem:$0x3FD2] =	sst s25  }
0xa6: {  	s4 =	sshll.u32 s26, $0x1;
	_ =	strace $0x80000046;
	[dreg:$0x1] =	wrdreg $0xFFFFFFFF  }
0xa7: {  	s28 =	simm.s32 $_size_execute0_lowered;
	s2 =	sadd.s32 s2, s4;
	[dreg:$0x0] =	wrdreg $0x0  }
0xa8: {  	s4 =	sshll.u32 s28, $0x1;
	[dreg:$0x2] =	wrdreg s2  }
0xa9: {  	[dreg:$0x3] =	wrdreg s4  }
0xaa: {  	[dreg:$0x4] =	wrdreg $0xC0  }
0xab: {  	_ =	task [dreg:s6], $0x5FFFF  }
0xac: {  	[dreg:$0x1] =	wrdreg $0xFFFFFFFF  }
0xad: {  	[dreg:$0x0] =	wrdreg $0x60  }
0xae: {  	[dreg:$0x2] =	wrdreg s24  }
0xaf: {  	[dreg:$0x3] =	wrdreg $0x9  }
0xb0: {  	_ =	task.clear_ibuf [dreg:s6], $0x4FFFF;
	_ =	strace $0x90000046  }
0xb1: {  	s29 =	simm.s32 $0x9;
	_ =	strace $0x80000048  }
0xb2: {  	_ =	swait.ge [sflag:s29], $0x1  }
0xb3: {  	[sflag:s29] =	ssyncadd.s32 $0xFFFFFFFF  }
0xb4: {  	_ =	strace $0x90000048  }
0xb5: {  	_ =	sfence  }
0xb6: {  	s30 =	sld [smem:$0x0];
	_ =	sdelay $0x2  }
0xb7: {  	s31 =	sshll.u32 s1, $0xD;
	s1 =	sshrl.u32 s1, $0x2  }
0xb8: {  	s3 =	sand.u32 $0x4000, s31;
	s1 =	sadd.s32 s1, s30  }
0xb9: {  	s0 =	sor.u32 s3, s0;
	s1 =	sshll.u32 s1, $0x11  }
0xba: {  	s0 =	sor.u32 s1, s0  }
0xbb: {  	s0 =	sadd.s32 $0x8F2B, s0  }
0xbc: {  	[sflag:s0] =	ssyncadd.remote.s32 $0x1  }
0xbd: {  	_ =	sfence.sel $0xFFFF  }
0xbe: {  	[dreg:$0x0] =	wrdreg $0xFFFFFFFF;
	(pc) =	sbr.abs _section_cstart, $3  }
0xbf: {  	[dreg:$0x1] =	wrdreg $0xFFFFFFFF  }
0xc0: {  	_ =	task.clear_ibuf [dreg:s6], $0x2FFFF;
	_ =	strace $0x9FFFFFFF  }
0xc1: {  	(tm) =	ssettm $0x7FFFFFFF  }
tec
execute0_lowered:
.L_overlay_start_1:
0x0: {  	(tag) =	ssettag $0x1  }
0x1: {  	s0 =	rddreg [dreg:$0x0];
	s1 =	srdreg.scid  }
0x2: {  	s4 =	stileid.u32;
	s2 =	simm.s32 $0x0;
	s26 =	simm.s32 $0x370  }
0x3: {  	s14 =	simm.s32 $0x3C0;
	s15 =	simm.s32 $0x7E40;
	s28 =	simm.s32 $0xE740  }
0x4: {  	s29 =	simm.s32 $0x6A40;
	s30 =	simm.s32 $0x9C40;
	s1 =	sand.u32 $0x1, s1  }
0x5: {  	s3 =	sshll.u32 s4, $0x1;
	[smem:$0x7FF] =	sst s2;
	s13 =	sadd.s32 $0x66200, s0  }
0x6: {  	s5 =	sadd.s32 $0x5C400, s0;
	s7 =	sadd.s32 $0x70000, s0;
	s18 =	smul.u32 $0x4E20, s4  }
0x7: {  	s10 =	sadd.s32 $0x10C400, s0;
	s19 =	smul.u32 $0x4E200, s4;
	s3 =	sor.u32 s1, s3  }
0x8: {  	_ =	strace $0x80000047;
	s21 =	smul.u32 $0x27100, s1;
	[dreg:$0x3] =	wrdreg s26  }
0x9: {  	s9 =	ssub.s32 $0x2, s1;
	s22 =	smul.u32 $0x2710, s1;
	[dreg:$0x7] =	wrdreg s14  }
0xa: {  	[dreg:$0x8] =	wrdreg s15;
	s1 =	smul.u32 $0x4E20, s1;
	s26 =	simm.s32 $0x5F0  }
0xb: {  	s14 =	simm.s32 $0x320;
	s15 =	simm.s32 $0x4B0;
	s11 =	sshrl.u32 s9, $0x1  }
0xc: {  	[dreg:$0x11] =	wrdreg s26;
	s25 =	sadd.s32 s22, s18;
	s18 =	simm.s32 $0xB040  }
0xd: {  	s9 =	ssub.s32 s9, s11;
	s22 =	simm.s32 $0x5A0;
	[dreg:$0xa] =	wrdreg s18  }
0xe: {  	s6 =	smul.u32 $0x2710, s3;
	s23 =	smax.u32 s9, $0x1;
	[dreg:$0xd] =	wrdreg s22  }
0xf: {  	s3 =	sadd.s32 $0x52600, s0;
	s31 =	sadd.s32 $0x320, s25;
	[dreg:$0x1a] =	wrdreg s23  }
0x10: {  	s8 =	sshrl.u32 s6, $0x3;
	s9 =	simm.s32 $0x7440;
	[dreg:$0x1b] =	wrdreg s31  }
0x11: {  	s6 =	sadd.s32 $0x2580, s6;
	s16 =	sadd.s32 s13, s8;
	[dreg:$0x4] =	wrdreg s9  }
0x12: {  	s0 =	sadd.s32 s8, s0;
	s8 =	sadd.s32 s5, s8;
	[dreg:$0x13] =	wrdreg s16  }
0x13: {  	s17 =	sshll.u32 s6, $0x4;
	s23 =	simm.s32 $0xBA40;
	[dreg:$0x14] =	wrdreg s8  }
0x14: {  	s6 =	sshll.u32 s6, $0x1;
	s31 =	simm.s32 $0xC440;
	[dreg:$0xe] =	wrdreg s23  }
0x15: {  	s26 =	simm.s32 $0x2;
	s6 =	sadd.s32 s7, s6;
	[dreg:$0x12] =	wrdreg s31  }
0x16: {  	s22 =	simm.s32 $0x50;
	s12 =	sadd.s32 s10, s17;
	[dreg:$0x16] =	wrdreg s6  }
0x17: {  	s18 =	simm.s32 $0x80;
	s0 =	sadd.s32 $0x5EE400, s0;
	[dreg:$0x15] =	wrdreg s12  }
0x18: {  	s8 =	sadd.s32 s19, s10;
	s10 =	simm.s32 $0x500;
	[dreg:$0x19] =	wrdreg s0  }
0x19: {  	s17 =	simm.s32 $0x550;
	s19 =	smul.u32 $0x9C40, s4;
	[dreg:$0x5] =	wrdreg s10  }
0x1a: {  	s23 =	simm.s32 $0x640;
	s20 =	sadd.s32 $0x4, s12;
	[dreg:$0x9] =	wrdreg s17  }
0x1b: {  	s4 =	simm.s32 $0x1040;
	s12 =	sadd.s32 $0x8, s12;
	[dreg:$0x17] =	wrdreg s20  }
0x1c: {  	s24 =	sadd.s32 s21, s8;
	s6 =	sadd.s32 $0x190, s25;
	[dreg:$0x18] =	wrdreg s12  }
0x1d: {  	s21 =	simm.s32 $0x8840;
	s25 =	simm.s32 $0x9240;
	[dreg:$0x2] =	wrdreg s24  }
0x1e: {  	s17 =	simm.s32 $0x20;
	s11 =	sshll.u32 s6, $0x1;
	[dreg:$0xc] =	wrdreg s21  }
0x1f: {  	s12 =	simm.s32 $0xA640;
	s6 =	sshrl.u32 s6, $0x3;
	[dreg:$0x10] =	wrdreg s25  }
0x20: {  	s20 =	simm.s32 $0x410;
	s24 =	simm.s32 $0x460;
	[dreg:$0x6] =	wrdreg s12  }
0x21: {  	s21 =	simm.s32 $0xCE40;
	s25 =	simm.s32 $0x10;
	[dreg:$0xb] =	wrdreg s20  }
0x22: {  	s8 =	sadd.s32 s11, s7;
	s16 =	sadd.s32 s6, s5;
	[dreg:$0xf] =	wrdreg s24  }
0x23: {  	s6 =	sadd.s32 s6, s13;
	s11 =	simm.s32 $0x190;
	[dreg:$0x1c] =	wrdreg s8  }
0x24: {  	s20 =	simm.s32 $0x1;
	s24 =	simm.s32 $0x3840;
	[dreg:$0x1d] =	wrdreg s16  }
0x25: {  	s12 =	simm.s32 $0x1E0;
	[dreg:$0x1e] =	wrdreg s6;
	s6 =	sadd.s32 s19, s7  }
0x26: {  	s19 =	simm.s32 $0x4240;
	s8 =	simm.s32 $0x3;
	s1 =	sadd.s32 s1, s6  }
0x27: {  	v0 =	vimm.f32 $0.0e+00;
	v1 =	vimm.f32 $1.000000000e+00;
	s16 =	simm.s32 $0x10040;
	s6 =	simm.s32 $0x0;
	[dreg:$0x1f] =	wrdreg s1  }
.LBB2_1:
0x28: {  	[smem:$0x7FD] =	sst s6;
	s0 =	simm.s32 $0x40;
	s1 =	simm.s32 $0x0  }
.LBB2_2:
0x29: {  	p0 =	sne.s32 s0, $0x9C00;
	[tilespmem:s1+$0x10040] =	vst v0;
	s1 =	smov.u32 s0;
	s0 =	sadd.s32 $0x40, s0  }
.Ltmp0:
0x2a: {  	(pc) =	sbr.rel @p0 .LBB2_2-.Ltmp0, $2  }
0x2b: {  	_ =	sdelay $0x2  }
0x2c: {  	s1 =	sshra.s32 s1, $0x2  }
0x2d: {  	s0 =	rddreg [dreg:$0x13]  }
0x2e: {  	s10 =	rddreg [dreg:$0x14]  }
0x2f: {  	[tilespmem:s1+$0x10040] =	vst v0;
	s1 =	rddreg [dreg:$0x1e]  }
0x30: {  	s6 =	rddreg [dreg:$0x1d]  }
0x31: {  	s7 =	rddreg [dreg:$0x1c]  }
0x32: {  	s31 =	simm.s32 $0x0;
	s9 =	rddreg [dreg:$0x1b]  }
0x33: {  	[tilespmem:s31], [sflag:$0x1] =	stream.linear.gather [hbm4b:s0+s31], $0x190, $0x38;
	[tilespmem:$0x12750] =	vst v63  }
0x34: {  	s0 =	rddreg [dreg:$0x1f]  }
0x35: {  	[tilespmem:s11], [sflag:$0x1] =	stream.linear.gather [hbm4b:s10+s31], $0x190, $0x38;
	[tilespmem:$0x12750] =	vst v63  }
.LBB2_4:
0x36: {  	p0 =	seq.s32 s31, $0x0  }
0x37: {  	s10 =	simm.s32 @!p0 $0x4  }
0x38: {  	_ =	swait.ge @!p0 [sflag:s10], $0x3200  }
0x39: {  	[sflag:s10] =	ssyncset.done @!p0 $0x0  }
0x3a: {  	[sflag:s10] =	ssyncadd.s32 @!p0 $0xFFFFCE00  }
0x3b: {  	_ =	swait.ge @!p0 [sflag:s10], $0x3200  }
0x3c: {  	[sflag:s10] =	ssyncset.done @!p0 $0x0  }
0x3d: {  	[sflag:s10] =	ssyncadd.s32 @!p0 $0xFFFFCE00  }
0x3e: {  	_ =	swait.ge @!p0 [sflag:s10], $0x1900  }
0x3f: {  	[sflag:s10] =	ssyncset.done @!p0 $0x0  }
0x40: {  	[sflag:s10] =	ssyncadd.s32 @!p0 $0xFFFFE700  }
0x41: {  	_ =	swait.ge [sflag:s20], $0x190  }
0x42: {  	[sflag:s20] =	ssyncset.done $0x0  }
0x43: {  	[sflag:s20] =	ssyncadd.s32 $0xFFFFFE70  }
0x44: {  	_ =	swait.ge [sflag:s20], $0x190  }
0x45: {  	[sflag:s20] =	ssyncset.done $0x0  }
0x46: {  	[sflag:s20] =	ssyncadd.s32 $0xFFFFFE70  }
0x47: {  	[tilespmem:s21], [sflag:$0x3] =	stream.linear.gather [hbm4b:s0+s2], $0x1900, $0x38;
	[tilespmem:$0x12750] =	vst v63  }
0x48: {  	_ = 	snop  }
0x49: {  	[tilespmem:s23], [sflag:$0x3] =	stream.indirect.gather [hbm4b:s3+s22], $0x20, s2, s22, $0xb8;
	[tilespmem:$0x12750] =	vst v63  }
0x4a: {  	_ = 	snop  }
0x4b: {  	[tilespmem:s24], [sflag:$0x3] =	stream.indirect.gather [hbm4b:s3+s22], $0x20, s11, s22, $0xb8;
	[tilespmem:$0x12750] =	vst v63  }
0x4c: {  	_ = 	snop  }
0x4d: {  	[tilespmem:s4], [sflag:$0x3] =	stream.indirect.gather [hbm4b:s3+s22], $0x20, s22, s22, $0xb8;
	[tilespmem:$0x12750] =	vst v63  }
0x4e: {  	_ = 	snop  }
0x4f: {  	[tilespmem:s19], [sflag:$0x3] =	stream.indirect.gather [hbm4b:s3+s22], $0x20, s12, s22, $0xb8;
	[tilespmem:$0x12750] =	vst v63  }
0x50: {  	s12 =	simm.s32 $0xA0;
	s19 =	simm.s32 $0x1A40  }
0x51: {  	[tilespmem:s19], [sflag:$0x3] =	stream.indirect.gather [hbm4b:s3+s22], $0x20, s12, s22, $0xb8;
	[tilespmem:$0x12750] =	vst v63  }
0x52: {  	s10 =	simm.s32 $0x230;
	s11 =	simm.s32 $0x4C40  }
0x53: {  	[tilespmem:s11], [sflag:$0x3] =	stream.indirect.gather [hbm4b:s3+s22], $0x20, s10, s22, $0xb8;
	[tilespmem:$0x12750] =	vst v63  }
0x54: {  	s12 =	simm.s32 $0xF0;
	s19 =	simm.s32 $0x2440  }
0x55: {  	[tilespmem:s19], [sflag:$0x3] =	stream.indirect.gather [hbm4b:s3+s22], $0x20, s12, s22, $0xb8;
	[tilespmem:$0x12750] =	vst v63  }
0x56: {  	s10 =	simm.s32 $0x280;
	s11 =	simm.s32 $0x5640  }
0x57: {  	[tilespmem:s11], [sflag:$0x3] =	stream.indirect.gather [hbm4b:s3+s22], $0x20, s10, s22, $0xb8;
	[tilespmem:$0x12750] =	vst v63  }
0x58: {  	s12 =	simm.s32 $0x140;
	s19 =	simm.s32 $0x2E40  }
0x59: {  	[tilespmem:s19], [sflag:$0x3] =	stream.indirect.gather [hbm4b:s3+s22], $0x20, s12, s22, $0xb8;
	[tilespmem:$0x12750] =	vst v63  }
0x5a: {  	s10 =	simm.s32 $0x2D0;
	s11 =	simm.s32 $0x6040  }
0x5b: {  	[tilespmem:s11], [sflag:$0x3] =	stream.indirect.gather [hbm4b:s3+s22], $0x20, s10, s22, $0xb8;
	[tilespmem:$0x12750] =	vst v63  }
0x5c: {  	_ = 	snop  }
0x5d: {  	[tilespmem:s14], [sflag:$0x2] =	stream.linear.gather [hbm4b:s1+s2], $0x190, $0x38;
	[tilespmem:$0x12750] =	vst v63  }
0x5e: {  	_ = 	snop  }
0x5f: {  	[tilespmem:s15], [sflag:$0x2] =	stream.linear.gather [hbm4b:s6+s2], $0x190, $0x38;
	[tilespmem:$0x12750] =	vst v63  }
0x60: {  	_ =	swait.ge [sflag:s8], $0x1900  }
0x61: {  	[sflag:s8] =	ssyncset.done $0x0  }
0x62: {  	[sflag:s8] =	ssyncadd.s32 $0xFFFFE700  }
0x63: {  	_ =	swait.ge [sflag:s8], $0xA00  }
0x64: {  	[sflag:s8] =	ssyncset.done $0x0  }
0x65: {  	[sflag:s8] =	ssyncadd.s32 $0xFFFFF600  }
0x66: {  	_ =	swait.ge [sflag:s8], $0xA00  }
0x67: {  	[sflag:s8] =	ssyncset.done $0x0  }
0x68: {  	[sflag:s8] =	ssyncadd.s32 $0xFFFFF600  }
0x69: {  	_ =	swait.ge [sflag:s8], $0xA00  }
0x6a: {  	[sflag:s8] =	ssyncset.done $0x0  }
0x6b: {  	[sflag:s8] =	ssyncadd.s32 $0xFFFFF600  }
0x6c: {  	_ =	swait.ge [sflag:s8], $0xA00  }
0x6d: {  	[sflag:s8] =	ssyncset.done $0x0  }
0x6e: {  	[sflag:s8] =	ssyncadd.s32 $0xFFFFF600  }
0x6f: {  	_ =	swait.ge [sflag:s8], $0xA00  }
0x70: {  	[sflag:s8] =	ssyncset.done $0x0  }
0x71: {  	[sflag:s8] =	ssyncadd.s32 $0xFFFFF600  }
0x72: {  	_ =	swait.ge [sflag:s8], $0xA00  }
0x73: {  	[sflag:s8] =	ssyncset.done $0x0  }
0x74: {  	[sflag:s8] =	ssyncadd.s32 $0xFFFFF600  }
0x75: {  	_ =	swait.ge [sflag:s8], $0xA00  }
0x76: {  	[sflag:s8] =	ssyncset.done $0x0  }
0x77: {  	[sflag:s8] =	ssyncadd.s32 $0xFFFFF600  }
0x78: {  	_ =	swait.ge [sflag:s8], $0xA00  }
0x79: {  	[sflag:s8] =	ssyncset.done $0x0  }
0x7a: {  	[sflag:s8] =	ssyncadd.s32 $0xFFFFF600  }
0x7b: {  	_ =	swait.ge [sflag:s8], $0xA00  }
0x7c: {  	[sflag:s8] =	ssyncset.done $0x0  }
0x7d: {  	[sflag:s8] =	ssyncadd.s32 $0xFFFFF600  }
0x7e: {  	_ =	swait.ge [sflag:s8], $0xA00  }
0x7f: {  	[sflag:s8] =	ssyncset.done $0x0  }
0x80: {  	[sflag:s8] =	ssyncadd.s32 $0xFFFFF600  }
0x81: {  	v2 =	vld [tilespmem:$0x0];
	_ =	sdelay $0x7  }
0x82: {  	[tilespmem:v2+s16+$0x0] =	vst.idx.add.f32.msk $0xffff, v1  }
0x83: {  	v2 =	vld [tilespmem:$0x10];
	_ =	sdelay $0x7  }
0x84: {  	[tilespmem:v2+s16+$0x0] =	vst.idx.add.f32.msk $0xffff, v1  }
0x85: {  	v2 =	vld [tilespmem:$0x20];
	_ =	sdelay $0x7  }
0x86: {  	[tilespmem:v2+s16+$0x0] =	vst.idx.add.f32.msk $0xffff, v1  }
0x87: {  	v2 =	vld [tilespmem:$0x30];
	_ =	sdelay $0x7  }
0x88: {  	[tilespmem:v2+s16+$0x0] =	vst.idx.add.f32.msk $0xffff, v1  }
0x89: {  	v2 =	vld [tilespmem:$0x40];
	_ =	sdelay $0x7  }
0x8a: {  	[tilespmem:v2+s16+$0x0] =	vst.idx.add.f32.msk $0xffff, v1  }
0x8b: {  	v2 =	vld [tilespmem:$0x50];
	_ =	sdelay $0x7  }
0x8c: {  	[tilespmem:v2+s16+$0x0] =	vst.idx.add.f32.msk $0xffff, v1  }
0x8d: {  	v2 =	vld [tilespmem:$0x60];
	_ =	sdelay $0x7  }
0x8e: {  	[tilespmem:v2+s16+$0x0] =	vst.idx.add.f32.msk $0xffff, v1  }
0x8f: {  	v2 =	vld [tilespmem:$0x70];
	_ =	sdelay $0x7  }
0x90: {  	[tilespmem:v2+s16+$0x0] =	vst.idx.add.f32.msk $0xffff, v1  }
0x91: {  	v2 =	vld [tilespmem:$0x80];
	_ =	sdelay $0x7  }
0x92: {  	[tilespmem:v2+s16+$0x0] =	vst.idx.add.f32.msk $0xffff, v1  }
0x93: {  	v2 =	vld [tilespmem:$0x90];
	_ =	sdelay $0x7  }
0x94: {  	[tilespmem:v2+s16+$0x0] =	vst.idx.add.f32.msk $0xffff, v1  }
0x95: {  	v2 =	vld [tilespmem:$0xA0];
	_ =	sdelay $0x7  }
0x96: {  	[tilespmem:v2+s16+$0x0] =	vst.idx.add.f32.msk $0xffff, v1  }
0x97: {  	v2 =	vld [tilespmem:$0xB0];
	_ =	sdelay $0x7  }
0x98: {  	[tilespmem:v2+s16+$0x0] =	vst.idx.add.f32.msk $0xffff, v1  }
0x99: {  	v2 =	vld [tilespmem:$0xC0];
	_ =	sdelay $0x7  }
0x9a: {  	[tilespmem:v2+s16+$0x0] =	vst.idx.add.f32.msk $0xffff, v1  }
0x9b: {  	v2 =	vld [tilespmem:$0xD0];
	_ =	sdelay $0x7  }
0x9c: {  	[tilespmem:v2+s16+$0x0] =	vst.idx.add.f32.msk $0xffff, v1  }
0x9d: {  	v2 =	vld [tilespmem:$0xE0];
	_ =	sdelay $0x7  }
0x9e: {  	[tilespmem:v2+s16+$0x0] =	vst.idx.add.f32.msk $0xffff, v1  }
0x9f: {  	v2 =	vld [tilespmem:$0xF0];
	_ =	sdelay $0x7  }
0xa0: {  	[tilespmem:v2+s16+$0x0] =	vst.idx.add.f32.msk $0xffff, v1  }
0xa1: {  	v2 =	vld [tilespmem:$0x100];
	_ =	sdelay $0x7  }
0xa2: {  	[tilespmem:v2+s16+$0x0] =	vst.idx.add.f32.msk $0xffff, v1  }
0xa3: {  	v2 =	vld [tilespmem:$0x110];
	_ =	sdelay $0x7  }
0xa4: {  	[tilespmem:v2+s16+$0x0] =	vst.idx.add.f32.msk $0xffff, v1  }
0xa5: {  	v2 =	vld [tilespmem:$0x120];
	_ =	sdelay $0x7  }
0xa6: {  	[tilespmem:v2+s16+$0x0] =	vst.idx.add.f32.msk $0xffff, v1  }
0xa7: {  	v2 =	vld [tilespmem:$0x130];
	_ =	sdelay $0x7  }
0xa8: {  	[tilespmem:v2+s16+$0x0] =	vst.idx.add.f32.msk $0xffff, v1  }
0xa9: {  	v2 =	vld [tilespmem:$0x140];
	_ =	sdelay $0x7  }
0xaa: {  	[tilespmem:v2+s16+$0x0] =	vst.idx.add.f32.msk $0xffff, v1  }
0xab: {  	v2 =	vld [tilespmem:$0x150];
	_ =	sdelay $0x7  }
0xac: {  	[tilespmem:v2+s16+$0x0] =	vst.idx.add.f32.msk $0xffff, v1  }
0xad: {  	v2 =	vld [tilespmem:$0x160];
	_ =	sdelay $0x7  }
0xae: {  	[tilespmem:v2+s16+$0x0] =	vst.idx.add.f32.msk $0xffff, v1  }
0xaf: {  	v2 =	vld [tilespmem:$0x170];
	_ =	sdelay $0x7  }
0xb0: {  	[tilespmem:v2+s16+$0x0] =	vst.idx.add.f32.msk $0xffff, v1  }
0xb1: {  	v2 =	vld [tilespmem:$0x180];
	_ =	sdelay $0x6  }
0xb2: {  	s12 =	rddreg [dreg:$0x2]  }
0xb3: {  	s10 =	sadd.s32 s31, s12;
	[tilespmem:v2+s16+$0x0] =	vst.idx.add.f32.msk $0xffff, v1  }
0xb4: {  	[hbm4b:s10+s17] =	stream.strided.scatter [tilespmem:s23], [sflag:$0x4], $0x3200, s18, s17, $0x38;
	[tilespmem:$0x12750] =	vst v63  }
0xb5: {  	s19 =	sadd.s32 $0x4, s10  }
0xb6: {  	[hbm4b:s19+s17] =	stream.strided.scatter [tilespmem:s24], [sflag:$0x4], $0x3200, s18, s17, $0x38;
	[tilespmem:$0x12750] =	vst v63  }
0xb7: {  	s11 =	simm.s32 @!p0 $0x5;
	s4 =	sadd.s32 $0x8, s10  }
0xb8: {  	[hbm4b:s4+s25] =	stream.strided.scatter [tilespmem:s21], [sflag:$0x4], $0x1900, s18, s25, $0x38;
	[tilespmem:$0x12750] =	vst v63  }
0xb9: {  	_ =	swait.ge @!p0 [sflag:s11], $0x3200  }
0xba: {  	[sflag:s11] =	ssyncset.done @!p0 $0x0  }
0xbb: {  	[sflag:s11] =	ssyncadd.s32 @!p0 $0xFFFFCE00  }
0xbc: {  	_ =	swait.ge @!p0 [sflag:s11], $0x3200  }
0xbd: {  	[sflag:s11] =	ssyncset.done @!p0 $0x0  }
0xbe: {  	[sflag:s11] =	ssyncadd.s32 @!p0 $0xFFFFCE00  }
0xbf: {  	_ =	swait.ge @!p0 [sflag:s11], $0x1900  }
0xc0: {  	[sflag:s11] =	ssyncset.done @!p0 $0x0  }
0xc1: {  	[sflag:s11] =	ssyncadd.s32 @!p0 $0xFFFFE700  }
0xc2: {  	_ =	swait.ge [sflag:s26], $0x190  }
0xc3: {  	[sflag:s26] =	ssyncset.done $0x0  }
0xc4: {  	[sflag:s26] =	ssyncadd.s32 $0xFFFFFE70  }
0xc5: {  	_ =	swait.ge [sflag:s26], $0x190  }
0xc6: {  	[sflag:s26] =	ssyncset.done $0x0  }
0xc7: {  	s11 =	rddreg [dreg:$0x3];
	[sflag:s26] =	ssyncadd.s32 $0xFFFFFE70  }
0xc8: {  	[tilespmem:s28], [sflag:$0x3] =	stream.linear.gather [hbm4b:s7+s2], $0x1900, $0x38;
	[tilespmem:$0x12750] =	vst v63  }
0xc9: {  	s12 =	rddreg [dreg:$0x4]  }
0xca: {  	[tilespmem:s29], [sflag:$0x3] =	stream.indirect.gather [hbm4b:s3+s22], $0x20, s14, s22, $0xb8;
	[tilespmem:$0x12750] =	vst v63  }
0xcb: {  	s19 =	smov.u32 s5;
	s5 =	smov.u32 s13;
	s13 =	rddreg [dreg:$0x5]  }
0xcc: {  	[tilespmem:s30], [sflag:$0x3] =	stream.indirect.gather [hbm4b:s3+s22], $0x20, s15, s22, $0xb8;
	[tilespmem:$0x12750] =	vst v63  }
0xcd: {  	s4 =	rddreg [dreg:$0x6]  }
0xce: {  	[tilespmem:s12], [sflag:$0x3] =	stream.indirect.gather [hbm4b:s3+s22], $0x20, s11, s22, $0xb8;
	[tilespmem:$0x12750] =	vst v63  }
0xcf: {  	s11 =	rddreg [dreg:$0x8]  }
0xd0: {  	s12 =	rddreg [dreg:$0x9]  }
0xd1: {  	[tilespmem:s4], [sflag:$0x3] =	stream.indirect.gather [hbm4b:s3+s22], $0x20, s13, s22, $0xb8;
	[tilespmem:$0x12750] =	vst v63  }
0xd2: {  	s4 =	rddreg [dreg:$0x7]  }
0xd3: {  	s13 =	rddreg [dreg:$0xa]  }
0xd4: {  	[tilespmem:s11], [sflag:$0x3] =	stream.indirect.gather [hbm4b:s3+s22], $0x20, s4, s22, $0xb8;
	[tilespmem:$0x12750] =	vst v63  }
0xd5: {  	s4 =	rddreg [dreg:$0xb]  }
0xd6: {  	s11 =	rddreg [dreg:$0xc]  }
0xd7: {  	[tilespmem:s13], [sflag:$0x3] =	stream.indirect.gather [hbm4b:s3+s22], $0x20, s12, s22, $0xb8;
	[tilespmem:$0x12750] =	vst v63  }
0xd8: {  	s12 =	rddreg [dreg:$0xd]  }
0xd9: {  	s13 =	rddreg [dreg:$0xe]  }
0xda: {  	[tilespmem:s11], [sflag:$0x3] =	stream.indirect.gather [hbm4b:s3+s22], $0x20, s4, s22, $0xb8;
	[tilespmem:$0x12750] =	vst v63  }
0xdb: {  	s4 =	rddreg [dreg:$0xf]  }
0xdc: {  	s11 =	rddreg [dreg:$0x10]  }
0xdd: {  	[tilespmem:s13], [sflag:$0x3] =	stream.indirect.gather [hbm4b:s3+s22], $0x20, s12, s22, $0xb8;
	[tilespmem:$0x12750] =	vst v63  }
0xde: {  	s12 =	rddreg [dreg:$0x11]  }
0xdf: {  	[tilespmem:s11], [sflag:$0x3] =	stream.indirect.gather [hbm4b:s3+s22], $0x20, s4, s22, $0xb8;
	[tilespmem:$0x12750] =	vst v63  }
0xe0: {  	s13 =	rddreg [dreg:$0x12]  }
0xe1: {  	[tilespmem:s13], [sflag:$0x3] =	stream.indirect.gather [hbm4b:s3+s22], $0x20, s12, s22, $0xb8;
	[tilespmem:$0x12750] =	vst v63  }
0xe2: {  	s4 =	sshrl.u32 s9, $0x3;
	s13 =	smov.u32 s5  }
0xe3: {  	s5 =	smov.u32 s19;
	s11 =	sadd.s32 s13, s4  }
0xe4: {  	[tilespmem:s2], [sflag:$0x1] =	stream.linear.gather [hbm4b:s11+s2], $0x190, $0x38;
	[tilespmem:$0x12750] =	vst v63  }
0xe5: {  	s4 =	sadd.s32 s5, s4;
	s11 =	simm.s32 $0x190  }
0xe6: {  	[tilespmem:s11], [sflag:$0x1] =	stream.linear.gather [hbm4b:s4+s2], $0x190, $0x38;
	[tilespmem:$0x12750] =	vst v63  }
0xe7: {  	_ =	swait.ge [sflag:s8], $0x1900  }
0xe8: {  	[sflag:s8] =	ssyncset.done $0x0  }
0xe9: {  	[sflag:s8] =	ssyncadd.s32 $0xFFFFE700  }
0xea: {  	_ =	swait.ge [sflag:s8], $0xA00  }
0xeb: {  	[sflag:s8] =	ssyncset.done $0x0  }
0xec: {  	[sflag:s8] =	ssyncadd.s32 $0xFFFFF600  }
0xed: {  	_ =	swait.ge [sflag:s8], $0xA00  }
0xee: {  	[sflag:s8] =	ssyncset.done $0x0  }
0xef: {  	[sflag:s8] =	ssyncadd.s32 $0xFFFFF600  }
0xf0: {  	_ =	swait.ge [sflag:s8], $0xA00  }
0xf1: {  	[sflag:s8] =	ssyncset.done $0x0  }
0xf2: {  	[sflag:s8] =	ssyncadd.s32 $0xFFFFF600  }
0xf3: {  	_ =	swait.ge [sflag:s8], $0xA00  }
0xf4: {  	[sflag:s8] =	ssyncset.done $0x0  }
0xf5: {  	[sflag:s8] =	ssyncadd.s32 $0xFFFFF600  }
0xf6: {  	_ =	swait.ge [sflag:s8], $0xA00  }
0xf7: {  	[sflag:s8] =	ssyncset.done $0x0  }
0xf8: {  	[sflag:s8] =	ssyncadd.s32 $0xFFFFF600  }
0xf9: {  	_ =	swait.ge [sflag:s8], $0xA00  }
0xfa: {  	[sflag:s8] =	ssyncset.done $0x0  }
0xfb: {  	[sflag:s8] =	ssyncadd.s32 $0xFFFFF600  }
0xfc: {  	_ =	swait.ge [sflag:s8], $0xA00  }
0xfd: {  	[sflag:s8] =	ssyncset.done $0x0  }
0xfe: {  	[sflag:s8] =	ssyncadd.s32 $0xFFFFF600  }
0xff: {  	_ =	swait.ge [sflag:s8], $0xA00  }
0x100: {  	[sflag:s8] =	ssyncset.done $0x0  }
0x101: {  	[sflag:s8] =	ssyncadd.s32 $0xFFFFF600  }
0x102: {  	_ =	swait.ge [sflag:s8], $0xA00  }
0x103: {  	[sflag:s8] =	ssyncset.done $0x0  }
0x104: {  	[sflag:s8] =	ssyncadd.s32 $0xFFFFF600  }
0x105: {  	_ =	swait.ge [sflag:s8], $0xA00  }
0x106: {  	[sflag:s8] =	ssyncset.done $0x0  }
0x107: {  	[sflag:s8] =	ssyncadd.s32 $0xFFFFF600  }
0x108: {  	v2 =	vld [tilespmem:$0x320];
	_ =	sdelay $0x7  }
0x109: {  	[tilespmem:v2+s16+$0x0] =	vst.idx.add.f32.msk $0xffff, v1  }
0x10a: {  	v2 =	vld [tilespmem:$0x330];
	_ =	sdelay $0x7  }
0x10b: {  	[tilespmem:v2+s16+$0x0] =	vst.idx.add.f32.msk $0xffff, v1  }
0x10c: {  	v2 =	vld [tilespmem:$0x340];
	_ =	sdelay $0x7  }
0x10d: {  	[tilespmem:v2+s16+$0x0] =	vst.idx.add.f32.msk $0xffff, v1  }
0x10e: {  	v2 =	vld [tilespmem:$0x350];
	_ =	sdelay $0x7  }
0x10f: {  	[tilespmem:v2+s16+$0x0] =	vst.idx.add.f32.msk $0xffff, v1  }
0x110: {  	v2 =	vld [tilespmem:$0x360];
	_ =	sdelay $0x7  }
0x111: {  	[tilespmem:v2+s16+$0x0] =	vst.idx.add.f32.msk $0xffff, v1  }
0x112: {  	v2 =	vld [tilespmem:$0x370];
	_ =	sdelay $0x7  }
0x113: {  	[tilespmem:v2+s16+$0x0] =	vst.idx.add.f32.msk $0xffff, v1  }
0x114: {  	v2 =	vld [tilespmem:$0x380];
	_ =	sdelay $0x7  }
0x115: {  	[tilespmem:v2+s16+$0x0] =	vst.idx.add.f32.msk $0xffff, v1  }
0x116: {  	v2 =	vld [tilespmem:$0x390];
	_ =	sdelay $0x7  }
0x117: {  	[tilespmem:v2+s16+$0x0] =	vst.idx.add.f32.msk $0xffff, v1  }
0x118: {  	v2 =	vld [tilespmem:$0x3A0];
	_ =	sdelay $0x7  }
0x119: {  	[tilespmem:v2+s16+$0x0] =	vst.idx.add.f32.msk $0xffff, v1  }
0x11a: {  	v2 =	vld [tilespmem:$0x3B0];
	_ =	sdelay $0x7  }
0x11b: {  	[tilespmem:v2+s16+$0x0] =	vst.idx.add.f32.msk $0xffff, v1  }
0x11c: {  	v2 =	vld [tilespmem:$0x3C0];
	_ =	sdelay $0x7  }
0x11d: {  	[tilespmem:v2+s16+$0x0] =	vst.idx.add.f32.msk $0xffff, v1  }
0x11e: {  	v2 =	vld [tilespmem:$0x3D0];
	_ =	sdelay $0x7  }
0x11f: {  	[tilespmem:v2+s16+$0x0] =	vst.idx.add.f32.msk $0xffff, v1  }
0x120: {  	v2 =	vld [tilespmem:$0x3E0];
	_ =	sdelay $0x7  }
0x121: {  	[tilespmem:v2+s16+$0x0] =	vst.idx.add.f32.msk $0xffff, v1  }
0x122: {  	v2 =	vld [tilespmem:$0x3F0];
	_ =	sdelay $0x7  }
0x123: {  	[tilespmem:v2+s16+$0x0] =	vst.idx.add.f32.msk $0xffff, v1  }
0x124: {  	v2 =	vld [tilespmem:$0x400];
	_ =	sdelay $0x7  }
0x125: {  	[tilespmem:v2+s16+$0x0] =	vst.idx.add.f32.msk $0xffff, v1  }
0x126: {  	v2 =	vld [tilespmem:$0x410];
	_ =	sdelay $0x7  }
0x127: {  	[tilespmem:v2+s16+$0x0] =	vst.idx.add.f32.msk $0xffff, v1  }
0x128: {  	v2 =	vld [tilespmem:$0x420];
	_ =	sdelay $0x7  }
0x129: {  	[tilespmem:v2+s16+$0x0] =	vst.idx.add.f32.msk $0xffff, v1  }
0x12a: {  	v2 =	vld [tilespmem:$0x430];
	_ =	sdelay $0x7  }
0x12b: {  	[tilespmem:v2+s16+$0x0] =	vst.idx.add.f32.msk $0xffff, v1  }
0x12c: {  	v2 =	vld [tilespmem:$0x440];
	_ =	sdelay $0x7  }
0x12d: {  	[tilespmem:v2+s16+$0x0] =	vst.idx.add.f32.msk $0xffff, v1  }
0x12e: {  	v2 =	vld [tilespmem:$0x450];
	_ =	sdelay $0x7  }
0x12f: {  	[tilespmem:v2+s16+$0x0] =	vst.idx.add.f32.msk $0xffff, v1  }
0x130: {  	v2 =	vld [tilespmem:$0x460];
	_ =	sdelay $0x7  }
0x131: {  	[tilespmem:v2+s16+$0x0] =	vst.idx.add.f32.msk $0xffff, v1  }
0x132: {  	v2 =	vld [tilespmem:$0x470];
	_ =	sdelay $0x7  }
0x133: {  	[tilespmem:v2+s16+$0x0] =	vst.idx.add.f32.msk $0xffff, v1  }
0x134: {  	v2 =	vld [tilespmem:$0x480];
	_ =	sdelay $0x7  }
0x135: {  	[tilespmem:v2+s16+$0x0] =	vst.idx.add.f32.msk $0xffff, v1  }
0x136: {  	v2 =	vld [tilespmem:$0x490];
	_ =	sdelay $0x7  }
0x137: {  	[tilespmem:v2+s16+$0x0] =	vst.idx.add.f32.msk $0xffff, v1  }
0x138: {  	v2 =	vld [tilespmem:$0x4A0];
	_ =	sdelay $0x6  }
0x139: {  	s0 =	sadd.s32 $0x640, s0;
	s31 =	sadd.s32 $0x3200, s31  }
0x13a: {  	s1 =	sadd.s32 $0x64, s1;
	p0 =	sne.s32 s31, $0x25800;
	s4 =	sadd.s32 $0x1900, s10;
	[tilespmem:v2+s16+$0x0] =	vst.idx.add.f32.msk $0xffff, v1  }
0x13b: {  	[hbm4b:s4+s17] =	stream.strided.scatter [tilespmem:s29], [sflag:$0x5], $0x3200, s18, s17, $0x38;
	[tilespmem:$0x12750] =	vst v63  }
.Ltmp1:
0x13c: {  	s6 =	sadd.s32 $0x64, s6;
	s7 =	sadd.s32 $0x640, s7;
	(pc) =	sbr.rel @p0 .LBB2_4-.Ltmp1, $4  }
0x13d: {  	s9 =	sadd.s32 $0x320, s9;
	s12 =	simm.s32 $0x1E0;
	s4 =	sadd.s32 $0x1904, s10  }
0x13e: {  	[hbm4b:s4+s17] =	stream.strided.scatter [tilespmem:s30], [sflag:$0x5], $0x3200, s18, s17, $0x38;
	[tilespmem:$0x12750] =	vst v63  }
0x13f: {  	s19 =	simm.s32 $0x4240;
	s10 =	sadd.s32 $0x1908, s10;
	s4 =	simm.s32 $0x1040  }
0x140: {  	[hbm4b:s10+s25] =	stream.strided.scatter [tilespmem:s28], [sflag:$0x5], $0x1900, s18, s25, $0x38;
	[tilespmem:$0x12750] =	vst v63  }
0x141: {  	s1 =	simm.s32 $0x4  }
0x142: {  	_ =	swait.ge [sflag:s1], $0x3200  }
0x143: {  	[sflag:s1] =	ssyncset.done $0x0  }
0x144: {  	[sflag:s1] =	ssyncadd.s32 $0xFFFFCE00  }
0x145: {  	_ =	swait.ge [sflag:s1], $0x3200  }
0x146: {  	[sflag:s1] =	ssyncset.done $0x0  }
0x147: {  	[sflag:s1] =	ssyncadd.s32 $0xFFFFCE00  }
0x148: {  	_ =	swait.ge [sflag:s1], $0x1900  }
0x149: {  	[sflag:s1] =	ssyncset.done $0x0  }
0x14a: {  	[sflag:s1] =	ssyncadd.s32 $0xFFFFE700  }
0x14b: {  	_ =	swait.ge [sflag:s20], $0x190  }
0x14c: {  	[sflag:s20] =	ssyncset.done $0x0  }
0x14d: {  	[sflag:s20] =	ssyncadd.s32 $0xFFFFFE70  }
0x14e: {  	_ =	swait.ge [sflag:s20], $0x190  }
0x14f: {  	[sflag:s20] =	ssyncset.done $0x0  }
0x150: {  	s0 =	rddreg [dreg:$0x16];
	[sflag:s20] =	ssyncadd.s32 $0xFFFFFE70  }
0x151: {  	[tilespmem:s21], [sflag:$0x3] =	stream.linear.gather [hbm4b:s0+s2], $0x1900, $0x38;
	[tilespmem:$0x12750] =	vst v63  }
0x152: {  	_ = 	snop  }
0x153: {  	[tilespmem:s23], [sflag:$0x3] =	stream.indirect.gather [hbm4b:s3+s22], $0x20, s2, s22, $0xb8;
	[tilespmem:$0x12750] =	vst v63  }
0x154: {  	_ = 	snop  }
0x155: {  	[tilespmem:s24], [sflag:$0x3] =	stream.indirect.gather [hbm4b:s3+s22], $0x20, s11, s22, $0xb8;
	[tilespmem:$0x12750] =	vst v63  }
0x156: {  	_ = 	snop  }
0x157: {  	[tilespmem:s4], [sflag:$0x3] =	stream.indirect.gather [hbm4b:s3+s22], $0x20, s22, s22, $0xb8;
	[tilespmem:$0x12750] =	vst v63  }
0x158: {  	_ = 	snop  }
0x159: {  	[tilespmem:s19], [sflag:$0x3] =	stream.indirect.gather [hbm4b:s3+s22], $0x20, s12, s22, $0xb8;
	[tilespmem:$0x12750] =	vst v63  }
0x15a: {  	s31 =	simm.s32 $0xA0;
	s6 =	simm.s32 $0x1A40  }
0x15b: {  	[tilespmem:s6], [sflag:$0x3] =	stream.indirect.gather [hbm4b:s3+s22], $0x20, s31, s22, $0xb8;
	[tilespmem:$0x12750] =	vst v63  }
0x15c: {  	s7 =	simm.s32 $0x230;
	s9 =	simm.s32 $0x4C40  }
0x15d: {  	[tilespmem:s9], [sflag:$0x3] =	stream.indirect.gather [hbm4b:s3+s22], $0x20, s7, s22, $0xb8;
	[tilespmem:$0x12750] =	vst v63  }
0x15e: {  	s10 =	simm.s32 $0xF0;
	s31 =	simm.s32 $0x2440  }
0x15f: {  	[tilespmem:s31], [sflag:$0x3] =	stream.indirect.gather [hbm4b:s3+s22], $0x20, s10, s22, $0xb8;
	[tilespmem:$0x12750] =	vst v63  }
0x160: {  	s7 =	simm.s32 $0x280;
	s9 =	simm.s32 $0x5640  }
0x161: {  	[tilespmem:s9], [sflag:$0x3] =	stream.indirect.gather [hbm4b:s3+s22], $0x20, s7, s22, $0xb8;
	[tilespmem:$0x12750] =	vst v63  }
0x162: {  	s10 =	simm.s32 $0x140;
	s31 =	simm.s32 $0x2E40  }
0x163: {  	[tilespmem:s31], [sflag:$0x3] =	stream.indirect.gather [hbm4b:s3+s22], $0x20, s10, s22, $0xb8;
	[tilespmem:$0x12750] =	vst v63  }
0x164: {  	s6 =	simm.s32 $0x2D0;
	s7 =	simm.s32 $0x6040  }
0x165: {  	[tilespmem:s7], [sflag:$0x3] =	stream.indirect.gather [hbm4b:s3+s22], $0x20, s6, s22, $0xb8;
	[tilespmem:$0x12750] =	vst v63  }
0x166: {  	_ =	swait.ge [sflag:s8], $0x1900  }
0x167: {  	[sflag:s8] =	ssyncset.done $0x0  }
0x168: {  	[sflag:s8] =	ssyncadd.s32 $0xFFFFE700  }
0x169: {  	_ =	swait.ge [sflag:s8], $0xA00  }
0x16a: {  	[sflag:s8] =	ssyncset.done $0x0  }
0x16b: {  	[sflag:s8] =	ssyncadd.s32 $0xFFFFF600  }
0x16c: {  	_ =	swait.ge [sflag:s8], $0xA00  }
0x16d: {  	[sflag:s8] =	ssyncset.done $0x0  }
0x16e: {  	[sflag:s8] =	ssyncadd.s32 $0xFFFFF600  }
0x16f: {  	_ =	swait.ge [sflag:s8], $0xA00  }
0x170: {  	[sflag:s8] =	ssyncset.done $0x0  }
0x171: {  	[sflag:s8] =	ssyncadd.s32 $0xFFFFF600  }
0x172: {  	_ =	swait.ge [sflag:s8], $0xA00  }
0x173: {  	[sflag:s8] =	ssyncset.done $0x0  }
0x174: {  	[sflag:s8] =	ssyncadd.s32 $0xFFFFF600  }
0x175: {  	_ =	swait.ge [sflag:s8], $0xA00  }
0x176: {  	[sflag:s8] =	ssyncset.done $0x0  }
0x177: {  	[sflag:s8] =	ssyncadd.s32 $0xFFFFF600  }
0x178: {  	_ =	swait.ge [sflag:s8], $0xA00  }
0x179: {  	[sflag:s8] =	ssyncset.done $0x0  }
0x17a: {  	[sflag:s8] =	ssyncadd.s32 $0xFFFFF600  }
0x17b: {  	_ =	swait.ge [sflag:s8], $0xA00  }
0x17c: {  	[sflag:s8] =	ssyncset.done $0x0  }
0x17d: {  	[sflag:s8] =	ssyncadd.s32 $0xFFFFF600  }
0x17e: {  	_ =	swait.ge [sflag:s8], $0xA00  }
0x17f: {  	[sflag:s8] =	ssyncset.done $0x0  }
0x180: {  	[sflag:s8] =	ssyncadd.s32 $0xFFFFF600  }
0x181: {  	_ =	swait.ge [sflag:s8], $0xA00  }
0x182: {  	[sflag:s8] =	ssyncset.done $0x0  }
0x183: {  	[sflag:s8] =	ssyncadd.s32 $0xFFFFF600  }
0x184: {  	_ =	swait.ge [sflag:s8], $0xA00  }
0x185: {  	[sflag:s8] =	ssyncset.done $0x0  }
0x186: {  	[sflag:s8] =	ssyncadd.s32 $0xFFFFF600  }
0x187: {  	v2 =	vld [tilespmem:$0x0];
	_ =	sdelay $0x7  }
0x188: {  	[tilespmem:v2+s16+$0x0] =	vst.idx.add.f32.msk $0xffff, v1  }
0x189: {  	v2 =	vld [tilespmem:$0x10];
	_ =	sdelay $0x7  }
0x18a: {  	[tilespmem:v2+s16+$0x0] =	vst.idx.add.f32.msk $0xffff, v1  }
0x18b: {  	v2 =	vld [tilespmem:$0x20];
	_ =	sdelay $0x7  }
0x18c: {  	[tilespmem:v2+s16+$0x0] =	vst.idx.add.f32.msk $0xffff, v1  }
0x18d: {  	v2 =	vld [tilespmem:$0x30];
	_ =	sdelay $0x7  }
0x18e: {  	[tilespmem:v2+s16+$0x0] =	vst.idx.add.f32.msk $0xffff, v1  }
0x18f: {  	v2 =	vld [tilespmem:$0x40];
	_ =	sdelay $0x7  }
0x190: {  	[tilespmem:v2+s16+$0x0] =	vst.idx.add.f32.msk $0xffff, v1  }
0x191: {  	v2 =	vld [tilespmem:$0x50];
	_ =	sdelay $0x7  }
0x192: {  	[tilespmem:v2+s16+$0x0] =	vst.idx.add.f32.msk $0xffff, v1  }
0x193: {  	v2 =	vld [tilespmem:$0x60];
	_ =	sdelay $0x7  }
0x194: {  	[tilespmem:v2+s16+$0x0] =	vst.idx.add.f32.msk $0xffff, v1  }
0x195: {  	v2 =	vld [tilespmem:$0x70];
	_ =	sdelay $0x7  }
0x196: {  	[tilespmem:v2+s16+$0x0] =	vst.idx.add.f32.msk $0xffff, v1  }
0x197: {  	v2 =	vld [tilespmem:$0x80];
	_ =	sdelay $0x7  }
0x198: {  	[tilespmem:v2+s16+$0x0] =	vst.idx.add.f32.msk $0xffff, v1  }
0x199: {  	v2 =	vld [tilespmem:$0x90];
	_ =	sdelay $0x7  }
0x19a: {  	[tilespmem:v2+s16+$0x0] =	vst.idx.add.f32.msk $0xffff, v1  }
0x19b: {  	v2 =	vld [tilespmem:$0xA0];
	_ =	sdelay $0x7  }
0x19c: {  	[tilespmem:v2+s16+$0x0] =	vst.idx.add.f32.msk $0xffff, v1  }
0x19d: {  	v2 =	vld [tilespmem:$0xB0];
	_ =	sdelay $0x7  }
0x19e: {  	[tilespmem:v2+s16+$0x0] =	vst.idx.add.f32.msk $0xffff, v1  }
0x19f: {  	v2 =	vld [tilespmem:$0xC0];
	_ =	sdelay $0x7  }
0x1a0: {  	[tilespmem:v2+s16+$0x0] =	vst.idx.add.f32.msk $0xffff, v1  }
0x1a1: {  	v2 =	vld [tilespmem:$0xD0];
	_ =	sdelay $0x7  }
0x1a2: {  	[tilespmem:v2+s16+$0x0] =	vst.idx.add.f32.msk $0xffff, v1  }
0x1a3: {  	v2 =	vld [tilespmem:$0xE0];
	_ =	sdelay $0x7  }
0x1a4: {  	[tilespmem:v2+s16+$0x0] =	vst.idx.add.f32.msk $0xffff, v1  }
0x1a5: {  	v2 =	vld [tilespmem:$0xF0];
	_ =	sdelay $0x7  }
0x1a6: {  	[tilespmem:v2+s16+$0x0] =	vst.idx.add.f32.msk $0xffff, v1  }
0x1a7: {  	v2 =	vld [tilespmem:$0x100];
	_ =	sdelay $0x7  }
0x1a8: {  	[tilespmem:v2+s16+$0x0] =	vst.idx.add.f32.msk $0xffff, v1  }
0x1a9: {  	v2 =	vld [tilespmem:$0x110];
	_ =	sdelay $0x7  }
0x1aa: {  	[tilespmem:v2+s16+$0x0] =	vst.idx.add.f32.msk $0xffff, v1  }
0x1ab: {  	v2 =	vld [tilespmem:$0x120];
	_ =	sdelay $0x7  }
0x1ac: {  	[tilespmem:v2+s16+$0x0] =	vst.idx.add.f32.msk $0xffff, v1  }
0x1ad: {  	v2 =	vld [tilespmem:$0x130];
	_ =	sdelay $0x7  }
0x1ae: {  	[tilespmem:v2+s16+$0x0] =	vst.idx.add.f32.msk $0xffff, v1  }
0x1af: {  	v2 =	vld [tilespmem:$0x140];
	_ =	sdelay $0x7  }
0x1b0: {  	[tilespmem:v2+s16+$0x0] =	vst.idx.add.f32.msk $0xffff, v1  }
0x1b1: {  	v2 =	vld [tilespmem:$0x150];
	_ =	sdelay $0x7  }
0x1b2: {  	[tilespmem:v2+s16+$0x0] =	vst.idx.add.f32.msk $0xffff, v1  }
0x1b3: {  	v2 =	vld [tilespmem:$0x160];
	_ =	sdelay $0x7  }
0x1b4: {  	[tilespmem:v2+s16+$0x0] =	vst.idx.add.f32.msk $0xffff, v1  }
0x1b5: {  	v2 =	vld [tilespmem:$0x170];
	_ =	sdelay $0x7  }
0x1b6: {  	[tilespmem:v2+s16+$0x0] =	vst.idx.add.f32.msk $0xffff, v1  }
0x1b7: {  	v2 =	vld [tilespmem:$0x180];
	_ =	sdelay $0x7  }
0x1b8: {  	s9 =	rddreg [dreg:$0x15];
	[tilespmem:v2+s16+$0x0] =	vst.idx.add.f32.msk $0xffff, v1  }
0x1b9: {  	[hbm4b:s9+s17] =	stream.strided.scatter [tilespmem:s23], [sflag:$0x4], $0x3200, s18, s17, $0x38;
	[tilespmem:$0x12750] =	vst v63  }
0x1ba: {  	s10 =	rddreg [dreg:$0x17]  }
0x1bb: {  	[hbm4b:s10+s17] =	stream.strided.scatter [tilespmem:s24], [sflag:$0x4], $0x3200, s18, s17, $0x38;
	[tilespmem:$0x12750] =	vst v63  }
0x1bc: {  	s31 =	rddreg [dreg:$0x18]  }
0x1bd: {  	[hbm4b:s31+s25] =	stream.strided.scatter [tilespmem:s21], [sflag:$0x4], $0x1900, s18, s25, $0x38;
	[tilespmem:$0x12750] =	vst v63  }
0x1be: {  	_ =	swait.ge [sflag:s1], $0x3200  }
0x1bf: {  	[sflag:s1] =	ssyncset.done $0x0  }
0x1c0: {  	[sflag:s1] =	ssyncadd.s32 $0xFFFFCE00  }
0x1c1: {  	_ =	swait.ge [sflag:s1], $0x3200  }
0x1c2: {  	[sflag:s1] =	ssyncset.done $0x0  }
0x1c3: {  	[sflag:s1] =	ssyncadd.s32 $0xFFFFCE00  }
0x1c4: {  	_ =	swait.ge [sflag:s1], $0x1900  }
0x1c5: {  	[sflag:s1] =	ssyncset.done $0x0  }
0x1c6: {  	s6 =	simm.s32 $0x5;
	[sflag:s1] =	ssyncadd.s32 $0xFFFFE700  }
0x1c7: {  	_ =	swait.ge [sflag:s6], $0x3200  }
0x1c8: {  	[sflag:s6] =	ssyncset.done $0x0  }
0x1c9: {  	[sflag:s6] =	ssyncadd.s32 $0xFFFFCE00  }
0x1ca: {  	_ =	swait.ge [sflag:s6], $0x3200  }
0x1cb: {  	[sflag:s6] =	ssyncset.done $0x0  }
0x1cc: {  	[sflag:s6] =	ssyncadd.s32 $0xFFFFCE00  }
0x1cd: {  	_ =	swait.ge [sflag:s6], $0x1900  }
0x1ce: {  	[sflag:s6] =	ssyncset.done $0x0  }
0x1cf: {  	s9 =	simm.s32 $0x6;
	s7 =	rddreg [dreg:$0x19];
	[sflag:s6] =	ssyncadd.s32 $0xFFFFE700  }
0x1d0: {  	[hbm4b:s7+s2] =	stream.linear.scatter [tilespmem:s16], [sflag:$0x6], $0x2710, $0x38;
	[tilespmem:$0x12750] =	vst v63  }
0x1d1: {  	_ =	swait.ge [sflag:s9], $0x2710  }
0x1d2: {  	s10 =	sld [smem:$0x7FD];
	_ =	sdelay $0x2  }
0x1d3: {  	s31 =	rddreg [dreg:$0x1a];
	s6 =	sadd.s32 $0x1, s10  }
0x1d4: {  	p0 =	sne.s32 s6, s31  }
.Ltmp2:
0x1d5: {  	_ = 	snop;
	(pc) =	sbr.rel @p0 .LBB2_1-.Ltmp2, $3  }
0x1d6: {  	_ =	sdelay $0x1  }
0x1d7: {  	[sflag:s9] =	ssyncset.done $0x0  }
0x1d8: {  	[sflag:s9] =	ssyncadd.s32 $0xFFFFD8F0  }
0x1d9: {  	_ =	sfence.sel $0x180000  }
0x1da: {  	[bflag:$0x0] =	sbarrier.arrive $0xFFFF  }
0x1db: {  	_ =	strace $0x90000047  }
0x1dc: {  	s0 =	stileid.u32;
	[bflag:$0x2] =	sbarrier.arrive $0xFFFF  }
0x1dd: {  	p0 =	sne.s32 s0, $0x0;
	s0 =	rddreg [dreg:$0x1]  }
0x1de: {  	s0 =	sadd.s32 @!p0 $0x100000, s0  }
0x1df: {  	[sflag:s0] =	ssyncadd.tile.s32 @!p0 $0x1;
	_ =	shalt  }
.Lfunc_end2:
_tile_overlayer_lowered:
.L_overlay_start_2:
0x1e0: {  	(tag) =	ssettag $0x2  }
0x1e1: {  	s0 =	rddreg [dreg:$0x0];
	s2 =	stileid.u32  }
0x1e2: {  	s1 =	rddreg [dreg:$0x1];
	p0 =	sne.s32 s2, $0x0  }
0x1e3: {  	s3 =	rddreg [dreg:$0x2];
	[bflag:$0x3] =	sbarrier.arrive $0xFFFF;
	s2 =	simm.s32 @!p0 $0x1C06  }
0x1e4: {  	[timem:s3], [sflag:s2] =	dma.local @!p0 [hbm:s0], s1  }
0x1e5: {  	s0 =	simm.s32 @!p0 $0x6  }
0x1e6: {  	_ =	swait.ge @!p0 [sflag:s0], s1  }
0x1e7: {  	s1 =	ssub.s32 @!p0 $0x0, s1;
	[sflag:s0] =	ssyncset.done @!p0 $0x0  }
0x1e8: {  	[sflag:s0] =	ssyncadd.s32 @!p0 s1  }
0x1e9: {  	[bflag:$0x3] =	sbarrier.arrive $0xFFFF  }
0x1ea: {  	_ =	shalt  }

</sc_bundles>
